<compile_context>
chip_gen: v7x
topology: tpu7x:2x2x1
jax: 0.10.2.dev20260603
libtpu: 0.0.44.dev20260713+nightly
codegen_flags: <defaults>
</compile_context>

<pallas_src>
import functools

import jax
import jax.numpy as jnp
from jax import lax
from jax.experimental import pallas as pl
from jax.experimental.pallas import tpu as pltpu
from jax.experimental.pallas import tpu_sc as plsc

N = 10000
E = 320000
B = 64
EPS = 1e-5
HIGH = lax.Precision.HIGHEST

NC = 2
NS = 16
C = 80
ND = 320

RPS = 624
TAIL_START = NS * RPS
TAIL = N - TAIL_START


def _dot(a, b, dims):
    return lax.dot_general(a, b, (dims, ((), ())))


def _doth(a, b, dims):
    return lax.dot_general(a, b, (dims, ((), ())), precision=HIGH)



def _node_mm_body(x_ref, wl_ref, wr_ref, xl_ref, xr_ref):
    x = x_ref[...]
    xl_ref[...] = _dot(x, wl_ref[...], ((1,), (0,)))
    xr_ref[...] = _dot(x, wr_ref[...], ((1,), (0,)))


def _node_mm(x, wl, wr):
    return pl.pallas_call(
        _node_mm_body,
        out_shape=(
            jax.ShapeDtypeStruct((N, wl.shape[1]), jnp.float32),
            jax.ShapeDtypeStruct((N, wr.shape[1]), jnp.float32),
        ),
    )(x, wl, wr)


def _edge_mm_body(ea_ref, we0_ref, we1_ref, el0_ref, el1_ref):
    ea = ea_ref[...]
    el0_ref[...] = _dot(ea, we0_ref[...], ((1,), (0,)))
    el1_ref[...] = _dot(ea, we1_ref[...], ((1,), (0,)))


def _edge_mm(ea, we0, we1):
    EB = 8000
    return pl.pallas_call(
        _edge_mm_body,
        grid=(E // EB,),
        in_specs=[
            pl.BlockSpec((EB, 16), lambda i: (i, 0)),
            pl.BlockSpec((16, 128), lambda i: (0, 0)),
            pl.BlockSpec((16, 64), lambda i: (0, 0)),
        ],
        out_specs=[
            pl.BlockSpec((EB, 128), lambda i: (i, 0)),
            pl.BlockSpec((EB, 64), lambda i: (i, 0)),
        ],
        out_shape=(
            jax.ShapeDtypeStruct((E, 128), jnp.float32),
            jax.ShapeDtypeStruct((E, 64), jnp.float32),
        ),
    )(ea, we0, we1)



_GDN = lax.GatherDimensionNumbers(
    offset_dims=(), collapsed_slice_dims=(0,), start_index_map=(0,))


def _lane_perm(v, idx):
    return lax.gather(v, idx[:, None], _GDN, (1,),
                      mode=lax.GatherScatterMode.PROMISE_IN_BOUNDS)


def _hsum_bcast(v):
    idx = lax.iota(jnp.int32, 16)
    for sh in (1, 2, 4, 8):
        v = v + _lane_perm(v, jnp.bitwise_xor(idx, sh))
    return v


def _zero_fill(buf, nrows):
    zv = jnp.zeros((16,), jnp.float32)

    def zrow(i, carry):
        r = i // 8
        col = (i % 8) * 16
        buf[r, pl.ds(col, 16)] = zv
        return carry

    lax.fori_loop(0, nrows * 8, zrow, 0)


def _zero_acc_main(upd_b, acc, s):
    base_row = s * RPS
    for r in range(7):
        pltpu.sync_copy(upd_b, acc.at[pl.ds(base_row + r * C, C), :])
    pltpu.sync_copy(upd_b.at[pl.ds(0, 64), :],
                    acc.at[pl.ds(base_row + 7 * C, 64), :])

    @pl.when(s == NS - 1)
    def _zero_tail():
        pltpu.sync_copy(upd_b.at[pl.ds(0, TAIL), :],
                        acc.at[pl.ds(TAIL_START, TAIL), :])


def _write_acc_main(acc, out_hbm, c, s):
    base_row = s * RPS
    pltpu.sync_copy(acc.at[pl.ds(base_row, RPS), :],
                    out_hbm.at[c, pl.ds(base_row, RPS), :])

    @pl.when(s == NS - 1)
    def _write_tail():
        pltpu.sync_copy(acc.at[pl.ds(TAIL_START, TAIL), :],
                        out_hbm.at[c, pl.ds(TAIL_START, TAIL), :])


def _sc_layer0(xl, xr, el, src, dst, att):
    per_tile = E // (NC * NS)
    n_chunks = per_tile // C
    mesh = plsc.VectorSubcoreMesh(core_axis_name="c", subcore_axis_name="s")

    @functools.partial(
        pl.kernel,
        out_type=(
            jax.ShapeDtypeStruct((NC, N, 128), jnp.float32),
            jax.ShapeDtypeStruct((NC, ND, 128), jnp.float32),
        ),
        mesh=mesh,
        scratch_types=[
            pltpu.VMEM((C,), jnp.int32),
            pltpu.VMEM((C,), jnp.int32),
            pltpu.VMEM((C,), jnp.int32),
            pltpu.VMEM((C, 128), jnp.float32),
            pltpu.VMEM((C, 128), jnp.float32),
            pltpu.VMEM((C, 128), jnp.float32),
            pltpu.VMEM((C, 128), jnp.float32),
            pltpu.VMEM((128,), jnp.float32),
            pltpu.VMEM_SHARED((N, 128), jnp.float32),
            pltpu.VMEM_SHARED((ND, 128), jnp.float32),
            pltpu.SemaphoreType.DMA,
            pltpu.SemaphoreType.DMA,
            pltpu.SemaphoreType.DMA,
            pltpu.SemaphoreType.DMA,
            pltpu.SemaphoreType.DMA,
        ],
    )
    def k(xl_hbm, xr_hbm, el_hbm, src_hbm, dst_hbm, att_hbm,
          outm_hbm, outd_hbm,
          src_v, dst_v, dden_v, xl_b, xr_b, el_b, upd_b, att_v,
          acc_m, acc_d, sem0, sem1, sem2, sem_m, sem_d):
        c = lax.axis_index("c")
        s = lax.axis_index("s")
        zv = jnp.zeros((16,), jnp.float32)
        _zero_fill(upd_b, C)
        _zero_acc_main(upd_b, acc_m, s)

        @pl.when(s < 10)
        def _zero_den():
            pltpu.sync_copy(upd_b.at[pl.ds(0, 32), :],
                            acc_d.at[pl.ds(s * 32, 32), :])

        pltpu.sync_copy(att_hbm, att_v)
        plsc.subcore_barrier()

        tile_base = (s * NC + c) * per_tile
        attv = [att_v[pl.ds(16 * j, 16)] for j in range(8)]
        lanes = lax.iota(jnp.int32, 16)

        def chunk(kk, carry):
            base = tile_base + kk * C

            @pl.when(kk > 0)
            def _drain_prev():
                pltpu.make_async_copy(upd_b, acc_m.at[dst_v], sem_m).wait()
                pltpu.make_async_copy(el_b, acc_d.at[dden_v], sem_d).wait()

            pltpu.sync_copy(src_hbm.at[pl.ds(base, C)], src_v)
            pltpu.sync_copy(dst_hbm.at[pl.ds(base, C)], dst_v)
            for i in range(C // 16):
                dv16 = dst_v[pl.ds(16 * i, 16)]
                dden_v[pl.ds(16 * i, 16)] = lax.shift_right_logical(dv16, 5)
            cp0 = pltpu.async_copy(xl_hbm.at[src_v], xl_b, sem0)
            cp1 = pltpu.async_copy(xr_hbm.at[dst_v], xr_b, sem1)
            cp2 = pltpu.async_copy(el_hbm.at[pl.ds(base, C), :], el_b, sem2)
            cp0.wait()
            cp1.wait()
            cp2.wait()

            def edge(e, ecarry):
                xlv = []
                sv = []
                for j in range(8):
                    xv = xl_b[e, pl.ds(16 * j, 16)]
                    mv = xv + xr_b[e, pl.ds(16 * j, 16)] + el_b[e, pl.ds(16 * j, 16)]
                    mv = jnp.maximum(mv, 0.2 * mv)
                    xlv.append(xv)
                    sv.append(mv * attv[j])
                denv = zv
                for hh in range(4):
                    exv = jnp.exp(_hsum_bcast(sv[2 * hh] + sv[2 * hh + 1]))
                    upd_b[e, pl.ds(32 * hh, 16)] = exv * xlv[2 * hh]
                    upd_b[e, pl.ds(32 * hh + 16, 16)] = exv * xlv[2 * hh + 1]
                    denv = jnp.where(lanes == hh, exv, denv)
                e16 = jnp.bitwise_and(e, -16)
                dvv = dst_v[pl.ds(e16, 16)]
                lvec = jnp.full((16,), jnp.bitwise_and(e, 15), jnp.int32)
                q2_b = _lane_perm(jnp.bitwise_and(dvv, 3), lvec)
                q8f_b = _lane_perm(
                    jnp.bitwise_and(lax.shift_right_logical(dvv, 2), 7)
                    .astype(jnp.float32), lvec)
                denv4 = _lane_perm(
                    denv, jnp.bitwise_and(lanes - 4 * q2_b, 15))
                for r8 in range(8):
                    d8 = q8f_b - jnp.float32(r8)
                    ind = jnp.maximum(1.0 - d8 * d8, 0.0)
                    el_b[e, pl.ds(16 * r8, 16)] = denv4 * ind
                return ecarry

            lax.fori_loop(0, C, edge, 0)
            pltpu.async_copy(upd_b, acc_m.at[dst_v], sem_m, add=True)
            pltpu.async_copy(el_b, acc_d.at[dden_v], sem_d, add=True)
            return carry

        lax.fori_loop(0, n_chunks, chunk, 0)
        pltpu.make_async_copy(upd_b, acc_m.at[dst_v], sem_m).wait()
        pltpu.make_async_copy(el_b, acc_d.at[dden_v], sem_d).wait()
        plsc.subcore_barrier()
        _write_acc_main(acc_m, outm_hbm, c, s)

        @pl.when(s < 10)
        def _write_den():
            pltpu.sync_copy(acc_d.at[pl.ds(s * 32, 32), :],
                            outd_hbm.at[c, pl.ds(s * 32, 32), :])

    return k(xl, xr, el, src, dst, att)


def _sc_layer1(glr, el, src, dst, att):
    per_tile = E // (NC * NS)
    n_chunks = per_tile // C
    mesh = plsc.VectorSubcoreMesh(core_axis_name="c", subcore_axis_name="s")

    @functools.partial(
        pl.kernel,
        out_type=jax.ShapeDtypeStruct((NC, N, 128), jnp.float32),
        mesh=mesh,
        scratch_types=[
            pltpu.VMEM((C,), jnp.int32),
            pltpu.VMEM((C,), jnp.int32),
            pltpu.VMEM((C, 128), jnp.float32),
            pltpu.VMEM((C, 128), jnp.float32),
            pltpu.VMEM((C, 64), jnp.float32),
            pltpu.VMEM((C, 128), jnp.float32),
            pltpu.VMEM((64,), jnp.float32),
            pltpu.VMEM_SHARED((N, 128), jnp.float32),
            pltpu.SemaphoreType.DMA,
            pltpu.SemaphoreType.DMA,
            pltpu.SemaphoreType.DMA,
            pltpu.SemaphoreType.DMA,
        ],
    )
    def k(glr_hbm, el_hbm, src_hbm, dst_hbm, att_hbm, out_hbm,
          src_v, dst_v, gs_b, gd_b, el_b, upd_b, att_v, acc,
          sem0, sem1, sem2, sem_m):
        c = lax.axis_index("c")
        s = lax.axis_index("s")
        zv = jnp.zeros((16,), jnp.float32)
        _zero_fill(upd_b, C)
        _zero_acc_main(upd_b, acc, s)
        pltpu.sync_copy(att_hbm, att_v)
        plsc.subcore_barrier()

        tile_base = (s * NC + c) * per_tile
        attv = [att_v[pl.ds(16 * j, 16)] for j in range(4)]
        lanes = lax.iota(jnp.int32, 16)

        def chunk(kk, carry):
            base = tile_base + kk * C

            @pl.when(kk > 0)
            def _drain_prev():
                pltpu.make_async_copy(upd_b, acc.at[dst_v], sem_m).wait()

            pltpu.sync_copy(src_hbm.at[pl.ds(base, C)], src_v)
            pltpu.sync_copy(dst_hbm.at[pl.ds(base, C)], dst_v)
            cp0 = pltpu.async_copy(glr_hbm.at[src_v], gs_b, sem0)
            cp1 = pltpu.async_copy(glr_hbm.at[dst_v], gd_b, sem1)
            cp2 = pltpu.async_copy(el_hbm.at[pl.ds(base, C), :], el_b, sem2)
            cp0.wait()
            cp1.wait()
            cp2.wait()

            def edge(e, ecarry):
                xlv = []
                sv = []
                for j in range(4):
                    xv = gs_b[e, pl.ds(16 * j, 16)]
                    mv = (xv + gd_b[e, pl.ds(64 + 16 * j, 16)]
                          + el_b[e, pl.ds(16 * j, 16)])
                    mv = jnp.maximum(mv, 0.2 * mv)
                    xlv.append(xv)
                    sv.append(mv * attv[j])
                exv = jnp.exp(_hsum_bcast(sv[0] + sv[1] + sv[2] + sv[3]))
                for j in range(4):
                    upd_b[e, pl.ds(16 * j, 16)] = exv * xlv[j]
                upd_b[e, pl.ds(64, 16)] = jnp.where(lanes == 0, exv, zv)
                return ecarry

            lax.fori_loop(0, C, edge, 0)
            pltpu.async_copy(upd_b, acc.at[dst_v], sem_m, add=True)
            return carry

        lax.fori_loop(0, n_chunks, chunk, 0)
        pltpu.make_async_copy(upd_b, acc.at[dst_v], sem_m).wait()
        plsc.subcore_barrier()
        _write_acc_main(acc, out_hbm, c, s)

    return k(glr, el, src, dst, att)



def _combine0_body(accm_ref, accd_ref, b0_ref, g0_ref, be0_ref,
                   wl1_ref, wr1_ref, glr_ref):
    num = accm_ref[0] + accm_ref[1]
    den4 = accd_ref[0] + accd_ref[1]
    dexp = jnp.concatenate(
        [jnp.broadcast_to(den4[:, hh:hh + 1], (N, 32)) for hh in range(4)],
        axis=1)
    h = num / (dexp + 1e-16) + b0_ref[...]
    h = jnp.where(h > 0, h, jnp.exp(jnp.minimum(h, 0.0)) - 1.0)
    mu = jnp.mean(h, axis=0, keepdims=True)
    var = jnp.mean((h - mu) ** 2, axis=0, keepdims=True)
    h = (h - mu) / jnp.sqrt(var + EPS) * g0_ref[...] + be0_ref[...]
    glr_ref[:, 0:64] = _dot(h, wl1_ref[...], ((1,), (0,)))
    glr_ref[:, 64:128] = _dot(h, wr1_ref[...], ((1,), (0,)))


def _combine0(accm, accd4, b0, g0, be0, wl1, wr1):
    return pl.pallas_call(
        _combine0_body,
        out_shape=jax.ShapeDtypeStruct((N, 128), jnp.float32),
    )(accm, accd4, b0.reshape(1, -1), g0.reshape(1, -1), be0.reshape(1, -1),
      wl1, wr1)



def _norm1_body(acc_ref, b1_ref, g1_ref, be1_ref, h_ref):
    num = acc_ref[0, :, 0:64] + acc_ref[1, :, 0:64]
    den = acc_ref[0, :, 64:65] + acc_ref[1, :, 64:65]
    h = num / (den + 1e-16) + b1_ref[...]
    h = jnp.where(h > 0, h, jnp.exp(jnp.minimum(h, 0.0)) - 1.0)
    mu = jnp.mean(h, axis=0, keepdims=True)
    var = jnp.mean((h - mu) ** 2, axis=0, keepdims=True)
    h_ref[...] = (h - mu) / jnp.sqrt(var + EPS) * g1_ref[...] + be1_ref[...]


def _norm1(acc, b1, g1, be1):
    return pl.pallas_call(
        _norm1_body,
        out_shape=jax.ShapeDtypeStruct((N, 64), jnp.float32),
    )(acc, b1.reshape(1, -1), g1.reshape(1, -1), be1.reshape(1, -1))


def _onehot_of(batch_ref):
    bvec = batch_ref[0, :]
    iota_row = lax.broadcasted_iota(jnp.int32, (1, B), 1)
    return bvec, (bvec[:, None] == iota_row).astype(jnp.float32)


def _softmax_pool(col, onehot, h):
    ex = jnp.exp(col)
    dn = _doth(ex[None, :], onehot, ((1,), (0,)))
    wsum = _doth(onehot, ex[:, None] * h, ((0,), (0,)))
    return wsum / (dn.T + 1e-16)


def _pool_body(h_ref, batch_ref, gate_w_ref, gate_b_ref,
               xs_ref, xmax_ref, xmean_ref, xatt_ref):
    neg_inf = jnp.float32(-jnp.inf)
    h = h_ref[...]
    bvec, onehot = _onehot_of(batch_ref)
    cnt = jnp.sum(onehot, axis=0)
    x_sum = _doth(onehot, h, ((0,), (0,)))
    xs_ref[...] = x_sum
    xmean_ref[...] = x_sum / jnp.maximum(cnt, 1.0)[:, None]

    giota = lax.broadcasted_iota(jnp.int32, (B, 1), 0)
    bcol = bvec[:, None]

    def xmax_step(b, carry):
        m = jnp.max(jnp.where(bcol == b, h, neg_inf), axis=0)
        return jnp.where(giota == b, m[None, :], carry)

    xmax_ref[...] = lax.fori_loop(0, B, xmax_step,
                                  jnp.full((B, 64), neg_inf, jnp.float32))
    gate = _dot(h, gate_w_ref[...], ((1,), (0,)))[:, 0] + gate_b_ref[0, 0]
    xatt_ref[...] = _softmax_pool(gate, onehot, h)


def _pool(h, batch, p):
    return pl.pallas_call(
        _pool_body,
        out_shape=tuple(jax.ShapeDtypeStruct((B, 64), jnp.float32)
                        for _ in range(4)),
    )(h, batch.reshape(1, N), p['gate_w'], p['gate_b'].reshape(1, 1))


def _s2s_body(h_ref, batch_ref, qs_ref, hh_ref, cc_ref,
              w_ih_ref, w_hh_ref, b_ih_ref, b_hh_ref,
              hh_out, cc_out, r_out):
    h = h_ref[...]
    _, onehot = _onehot_of(batch_ref)
    gates = (_dot(qs_ref[...], w_ih_ref[...], ((1,), (1,)))
             + _dot(hh_ref[...], w_hh_ref[...], ((1,), (1,)))
             + b_ih_ref[...] + b_hh_ref[...])
    i_g = jax.nn.sigmoid(gates[:, 0:64])
    f_g = jax.nn.sigmoid(gates[:, 64:128])
    g_g = jnp.tanh(gates[:, 128:192])
    o_g = jax.nn.sigmoid(gates[:, 192:256])
    cc = f_g * cc_ref[...] + i_g * g_g
    hh = o_g * jnp.tanh(cc)
    cc_out[...] = cc
    hh_out[...] = hh
    e_all = _doth(h, hh, ((1,), (1,)))
    e_vec = jnp.sum(e_all * onehot, axis=1)
    r_out[...] = _softmax_pool(e_vec, onehot, h)


def _s2s_step(h, batch, q_star, hh, cc, p):
    return pl.pallas_call(
        _s2s_body,
        out_shape=(
            jax.ShapeDtypeStruct((B, 64), jnp.float32),
            jax.ShapeDtypeStruct((B, 64), jnp.float32),
            jax.ShapeDtypeStruct((B, 64), jnp.float32),
        ),
    )(h, batch.reshape(1, N), q_star, hh, cc,
      p['W_ih'], p['W_hh'], p['b_ih'].reshape(1, -1), p['b_hh'].reshape(1, -1))


def _mlp_body(xs_ref, xmax_ref, xmean_ref, xatt_ref, qs_ref,
              m1_ref, c1_ref, m2_ref, c2_ref, m3_ref, c3_ref, m4_ref, c4_ref,
              out_ref):
    z = jnp.concatenate([xs_ref[...], xmax_ref[...], xmean_ref[...],
                         xatt_ref[...], qs_ref[...]], axis=1)
    z = jnp.maximum(_dot(z, m1_ref[...], ((1,), (0,))) + c1_ref[...], 0.0)
    z = jnp.maximum(_dot(z, m2_ref[...], ((1,), (0,))) + c2_ref[...], 0.0)
    z = jnp.maximum(_dot(z, m3_ref[...], ((1,), (0,))) + c3_ref[...], 0.0)
    z = _dot(z, m4_ref[...], ((1,), (0,))) + c4_ref[...]
    out_ref[...] = z


def _mlp(x_sum, x_max, x_mean, x_att, q_star, p):
    return pl.pallas_call(
        _mlp_body,
        out_shape=jax.ShapeDtypeStruct((B, 1), jnp.float32),
    )(x_sum, x_max, x_mean, x_att, q_star,
      p['M1'], p['c1'].reshape(1, -1), p['M2'], p['c2'].reshape(1, -1),
      p['M3'], p['c3'].reshape(1, -1), p['M4'], p['c4'].reshape(1, 1))



def kernel(x, edge_index, edge_attr, batch, params):
    p = params
    src = edge_index[0]
    dst = edge_index[1]
    xl0, xr0 = _node_mm(x, p['Wl0'], p['Wr0'])
    el0, el1 = _edge_mm(edge_attr, p['We0'], p['We1'])
    accm, accd = _sc_layer0(xl0, xr0, el0, src, dst, p['att0'].reshape(-1))
    accd4 = accd.reshape(NC, ND * 32, 4)[:, :N, :]
    glr = _combine0(accm, accd4, p['b0'], p['g0'], p['be0'],
                    p['Wl1'], p['Wr1'])
    acc1 = _sc_layer1(glr, el1, src, dst, p['att1'].reshape(-1))
    h1 = _norm1(acc1, p['b1'], p['g1'], p['be1'])
    x_sum, x_max, x_mean, x_att = _pool(h1, batch, p)
    hh = jnp.zeros((B, 64), jnp.float32)
    cc = jnp.zeros((B, 64), jnp.float32)
    q_star = jnp.zeros((B, 128), jnp.float32)
    for _ in range(3):
        hh, cc, r = _s2s_step(h1, batch, q_star, hh, cc, p)
        q_star = jnp.concatenate([hh, r], axis=1)
    z = _mlp(x_sum, x_max, x_mean, x_att, q_star, p)
    return z[:, 0]

# --- scband reference (transcript-rebuilt; emitter-appended) ---
"""Pipeline reference for scband-gatnet-79809082294962 (READ-ONLY COPY).

The authoritative reference and input builder live on the scoring server;
editing this copy changes nothing except your own understanding.
"""

import jax, jax.numpy as jnp
import numpy as np

N = 10000
E = 320000
D_IN = 128
HIDDEN = 128
OUT = 64
HEADS = 4
EDGE_DIM = 16
B = 64
EPS = 1e-5


def _seg_softmax(logits, seg, num_segments):
    mx = jax.ops.segment_max(logits, seg, num_segments=num_segments)
    mx = jnp.where(jnp.isfinite(mx), mx, 0.0)
    ex = jnp.exp(logits - mx[seg])
    den = jax.ops.segment_sum(ex, seg, num_segments=num_segments)
    return ex / (den[seg] + 1e-16)


def _gatv2(x, src, dst, edge_attr, Wl, Wr, We, att, b, heads, out_c, concat):
    n = x.shape[0]
    xl = (x @ Wl).reshape(n, heads, out_c)
    xr = (x @ Wr).reshape(n, heads, out_c)
    el = (edge_attr @ We).reshape(-1, heads, out_c)
    m = xl[src] + xr[dst] + el
    m = jax.nn.leaky_relu(m, negative_slope=0.2)
    logits = (m * att[None, :, :]).sum(-1)
    alpha = _seg_softmax(logits, dst, n)
    out = jax.ops.segment_sum(alpha[:, :, None] * xl[src], dst, num_segments=n)
    if concat:
        out = out.reshape(n, heads * out_c)
    else:
        out = out.mean(axis=1)
    return out + b


def _batch_norm(x, g, be):
    mu = x.mean(axis=0)
    var = x.var(axis=0)
    return (x - mu) / jnp.sqrt(var + EPS) * g + be


def _forward(x, edge_attr, params, edge_index, batch):
    src = edge_index[0]
    dst = edge_index[1]
    h = _gatv2(x, src, dst, edge_attr, params['Wl0'], params['Wr0'], params['We0'], params['att0'], params['b0'], HEADS, HIDDEN // HEADS, True)
    h = jax.nn.elu(h)
    h = _batch_norm(h, params['g0'], params['be0'])
    h = _gatv2(h, src, dst, edge_attr, params['Wl1'], params['Wr1'], params['We1'], params['att1'], params['b1'], 1, OUT, False)
    h = jax.nn.elu(h)
    h = _batch_norm(h, params['g1'], params['be1'])
    ones = jnp.ones((h.shape[0],), dtype=h.dtype)
    cnt = jax.ops.segment_sum(ones, batch, num_segments=B)
    x_sum = jax.ops.segment_sum(h, batch, num_segments=B)
    x_max = jax.ops.segment_max(h, batch, num_segments=B)
    x_mean = x_sum / jnp.maximum(cnt, 1.0)[:, None]
    gate = (h @ params['gate_w'] + params['gate_b'])[:, 0]
    a = _seg_softmax(gate, batch, B)
    x_att = jax.ops.segment_sum(a[:, None] * h, batch, num_segments=B)
    d = OUT
    hh = jnp.zeros((B, d), dtype=h.dtype)
    cc = jnp.zeros((B, d), dtype=h.dtype)
    q_star = jnp.zeros((B, 2 * d), dtype=h.dtype)
    for _ in range(3):
        gates = q_star @ params['W_ih'].T + hh @ params['W_hh'].T + params['b_ih'] + params['b_hh']
        i_g, f_g, g_g, o_g = jnp.split(gates, 4, axis=1)
        i_g = jax.nn.sigmoid(i_g)
        f_g = jax.nn.sigmoid(f_g)
        g_g = jnp.tanh(g_g)
        o_g = jax.nn.sigmoid(o_g)
        cc = f_g * cc + i_g * g_g
        hh = o_g * jnp.tanh(cc)
        q = hh
        e = (h * q[batch]).sum(-1)
        aa = _seg_softmax(e, batch, B)
        r = jax.ops.segment_sum(aa[:, None] * h, batch, num_segments=B)
        q_star = jnp.concatenate([q, r], axis=1)
    z = jnp.concatenate([x_sum, x_max, x_mean, x_att, q_star], axis=1)
    z = jax.nn.relu(z @ params['M1'] + params['c1'])
    z = jax.nn.relu(z @ params['M2'] + params['c2'])
    z = jax.nn.relu(z @ params['M3'] + params['c3'])
    z = (z @ params['M4'] + params['c4'])[:, 0]
    return z


def setup_inputs(seed: int = 0):
    key = jax.random.key(seed)
    ks = jax.random.split(key, 24)
    x = jax.random.normal(ks[0], (N, D_IN), dtype=jnp.float32)
    edge_index = jax.random.randint(ks[1], (2, E), 0, N, dtype=jnp.int32)
    edge_attr = jax.random.normal(ks[2], (E, EDGE_DIM), dtype=jnp.float32)
    batch = jnp.sort(jax.random.randint(ks[3], (N,), 0, B, dtype=jnp.int32))

    def w(k, shape, scale=0.05):
        return jax.random.normal(k, shape, dtype=jnp.float32) * scale

    params = {
        'Wl0': w(ks[4], (D_IN, HIDDEN)), 'Wr0': w(ks[5], (D_IN, HIDDEN)), 'We0': w(ks[6], (EDGE_DIM, HIDDEN)),
        'att0': w(ks[7], (HEADS, HIDDEN // HEADS)), 'b0': jnp.zeros((HIDDEN,), jnp.float32),
        'g0': jnp.ones((HIDDEN,), jnp.float32), 'be0': jnp.zeros((HIDDEN,), jnp.float32),
        'Wl1': w(ks[8], (HIDDEN, OUT)), 'Wr1': w(ks[9], (HIDDEN, OUT)), 'We1': w(ks[10], (EDGE_DIM, OUT)),
        'att1': w(ks[11], (1, OUT)), 'b1': jnp.zeros((OUT,), jnp.float32),
        'g1': jnp.ones((OUT,), jnp.float32), 'be1': jnp.zeros((OUT,), jnp.float32),
        'gate_w': w(ks[12], (OUT, 1)), 'gate_b': jnp.zeros((1,), jnp.float32),
        'W_ih': w(ks[13], (4 * OUT, 2 * OUT)), 'W_hh': w(ks[14], (4 * OUT, OUT)),
        'b_ih': jnp.zeros((4 * OUT,), jnp.float32), 'b_hh': jnp.zeros((4 * OUT,), jnp.float32),
        'M1': w(ks[15], (6 * OUT, 128)), 'c1': jnp.zeros((128,), jnp.float32),
        'M2': w(ks[16], (128, 64)), 'c2': jnp.zeros((64,), jnp.float32),
        'M3': w(ks[17], (64, 32)), 'c3': jnp.zeros((32,), jnp.float32),
        'M4': w(ks[18], (32, 1)), 'c4': jnp.zeros((1,), jnp.float32),
    }
    return {'x': x, 'edge_index': edge_index, 'edge_attr': edge_attr, 'batch': batch, 'params': params}


def reference(x, edge_index, edge_attr, batch, params):
    return _forward(x, edge_attr, params, edge_index, batch)

if __name__ == "__main__":
    import jax
    _d = setup_inputs()
    print(jax.jit(kernel)(*tuple(_d.values())))

</pallas_src>

<mosaic_0001>
#map = affine_map<(d0, d1) -> (0, 0)>
#map1 = affine_map<(d0, d1) -> (0)>
#map2 = affine_map<(d0, d1) -> (0, 0, 0)>
module attributes {stable_mosaic.version = 14 : i64} {
  func.func @k(%arg0: i32, %arg1: i32, %arg2: memref<10000x128xf32, #tpu.memory_space<hbm>>, %arg3: memref<320000x64xf32, #tpu.memory_space<hbm>>, %arg4: memref<320000xi32, #tpu.memory_space<hbm>>, %arg5: memref<320000xi32, #tpu.memory_space<hbm>>, %arg6: memref<64xf32, #tpu.memory_space<hbm>>, %arg7: memref<2x10000x128xf32, #tpu.memory_space<hbm>>, %arg8: memref<80xi32, #tpu.memory_space<vmem>>, %arg9: memref<80xi32, #tpu.memory_space<vmem>>, %arg10: memref<80x128xf32, #tpu.memory_space<vmem>>, %arg11: memref<80x128xf32, #tpu.memory_space<vmem>>, %arg12: memref<80x64xf32, #tpu.memory_space<vmem>>, %arg13: memref<80x128xf32, #tpu.memory_space<vmem>>, %arg14: memref<64xf32, #tpu.memory_space<vmem>>, %arg15: memref<10000x128xf32, #tpu.memory_space<vmem_shared>>, %arg16: memref<!tpu.dma_semaphore, #tpu.memory_space<semaphore_mem>>, %arg17: memref<!tpu.dma_semaphore, #tpu.memory_space<semaphore_mem>>, %arg18: memref<!tpu.dma_semaphore, #tpu.memory_space<semaphore_mem>>, %arg19: memref<!tpu.dma_semaphore, #tpu.memory_space<semaphore_mem>>) attributes {dimension_semantics = [#tpu.dimension_semantics<core_parallel>, #tpu.dimension_semantics<subcore_parallel>], iteration_bounds = array<i64: 2, 16>, scalar_prefetch = 0 : i64, scratch_operands = 12 : i64, tpu.core_type = #tpu.core_type<sc_vector_subcore>, window_params = [{transform_indices = #map}, {transform_indices = #map}, {transform_indices = #map1}, {transform_indices = #map1}, {transform_indices = #map1}, {transform_indices = #map2}]} {
    %broadcast_in_dim3A = arith.constant 0.000000e+00 : f32
    %broadcast_in_dim3A_0 = vector.broadcast %broadcast_in_dim3A : f32 to vector<16xf32>
    %broadcast_in_dim3A_1 = arith.constant 0.000000e+00 : f32
    %broadcast_in_dim3A_2 = vector.broadcast %broadcast_in_dim3A_1 : f32 to vector<16xf32>
    %scan3A = arith.constant 0 : i32
    %scan3A_3 = arith.constant 0 : i32
    %scan3A_4 = arith.constant 640 : i32
    %scan3A_5 = arith.addi %scan3A_3, %scan3A_4 : i32
    %scan3A_6 = arith.constant 1 : i32
    scf.for %scan3A_58 = %scan3A_3 to %scan3A_5 step %scan3A_6  : i32 {
      %jit3A = arith.constant 8 : i32
      %div3A = arith.divsi %scan3A_58, %jit3A : i32
      %sign3A = arith.constant 0 : i32
      %sign3A_59 = arith.cmpi sgt, %scan3A_58, %sign3A : i32
      %sign3A_60 = arith.extui %sign3A_59 : i1 to i32
      %sign3A_61 = arith.constant 0 : i32
      %sign3A_62 = arith.cmpi slt, %scan3A_58, %sign3A_61 : i32
      %sign3A_63 = arith.extui %sign3A_62 : i1 to i32
      %sign3A_64 = arith.subi %sign3A_60, %sign3A_63 : i32
      %sign3A_65 = arith.constant 0 : i32
      %sign3A_66 = arith.cmpi sgt, %jit3A, %sign3A_65 : i32
      %sign3A_67 = arith.extui %sign3A_66 : i1 to i32
      %sign3A_68 = arith.constant 0 : i32
      %sign3A_69 = arith.cmpi slt, %jit3A, %sign3A_68 : i32
      %sign3A_70 = arith.extui %sign3A_69 : i1 to i32
      %sign3A_71 = arith.subi %sign3A_67, %sign3A_70 : i32
      %ne3A = arith.cmpi ne, %sign3A_64, %sign3A_71 : i32
      %rem3A = arith.remsi %scan3A_58, %jit3A : i32
      %ne3A_72 = arith.constant 0 : i32
      %ne3A_73 = arith.cmpi ne, %rem3A, %ne3A_72 : i32
      %and3A = arith.andi %ne3A, %ne3A_73 : i1
      %sub3A = arith.constant 1 : i32
      %sub3A_74 = arith.subi %div3A, %sub3A : i32
      %select_n3A = arith.select %and3A, %sub3A_74, %div3A : i32
      %jit3A_75 = arith.constant 8 : i32
      %eq3A_76 = arith.constant 0 : i32
      %eq3A_77 = arith.cmpi eq, %jit3A_75, %eq3A_76 : i32
      %jit3A_78 = arith.constant 1 : i32
      %select_n3A_79 = arith.select %eq3A_77, %jit3A_78, %jit3A_75 : i32
      %rem3A_80 = arith.remsi %scan3A_58, %select_n3A_79 : i32
      %ne3A_81 = arith.constant 0 : i32
      %ne3A_82 = arith.cmpi ne, %rem3A_80, %ne3A_81 : i32
      %lt3A = arith.constant 0 : i32
      %lt3A_83 = arith.cmpi slt, %rem3A_80, %lt3A : i32
      %lt3A_84 = arith.constant 0 : i32
      %lt3A_85 = arith.cmpi slt, %select_n3A_79, %lt3A_84 : i32
      %ne3A_86 = arith.xori %lt3A_83, %lt3A_85 : i1
      %and3A_87 = arith.andi %ne3A_86, %ne3A_82 : i1
      %add3A_88 = arith.addi %rem3A_80, %select_n3A_79 : i32
      %select_n3A_89 = arith.select %and3A_87, %add3A_88, %rem3A_80 : i32
      %mul3A_90 = arith.constant 16 : i32
      %mul3A_91 = arith.muli %select_n3A_89, %mul3A_90 : i32
      %swap3A = arith.index_cast %select_n3A : i32 to index
      %swap3A_92 = arith.index_cast %mul3A_91 : i32 to index
      %swap3A_93 = tpu.vector_load %arg13[%swap3A, %swap3A_92] {strides = array<i32>} : memref<80x128xf32, #tpu.memory_space<vmem>>, vector<1x16xf32>,
      %swap3A_94 = vector.shape_cast %swap3A_93 : vector<1x16xf32> to vector<16xf32>
      %swap3A_95 = vector.shape_cast %broadcast_in_dim3A_2 : vector<16xf32> to vector<1x16xf32>
      tpu.vector_store %arg13[%swap3A, %swap3A_92], %swap3A_95 {strides = array<i32>} : memref<80x128xf32, #tpu.memory_space<vmem>>, vector<1x16xf32>,
    }
    %scan3A_7 = arith.constant 640 : i32
    %mul3A = arith.constant 624 : i32
    %mul3A_8 = arith.muli %arg1, %mul3A : i32
    %add3A = arith.constant 0 : i32
    %add3A_9 = arith.addi %mul3A_8, %add3A : i32
    "tpu.region"() ({
      %run_scoped3A = tpu.sem_alloc : memref<!tpu.dma_semaphore, #tpu.memory_space<semaphore_mem>>
      %dma_start3A = arith.constant 0 : i32
      %dma_start3A_58 = tpu.memref_slice %arg15[%add3A_9, %dma_start3A] : memref<10000x128xf32, #tpu.memory_space<vmem_shared>> -> memref<80x128xf32, #tpu.memory_space<vmem_shared>>
      %dma_start3A_59 = arith.constant 0 : i32
      %dma_start3A_60 = tpu.memref_slice %arg15[%add3A_9, %dma_start3A_59] : memref<10000x128xf32, #tpu.memory_space<vmem_shared>> -> memref<80x128xf32, #tpu.memory_space<vmem_shared>>
      tpu.enqueue_dma source(%arg13 : memref<80x128xf32, #tpu.memory_space<vmem>>) target(%dma_start3A_60 : memref<80x128xf32, #tpu.memory_space<vmem_shared>>) target_semaphore(%run_scoped3A : memref<!tpu.dma_semaphore, #tpu.memory_space<semaphore_mem>>)
      %dma_wait3A_61 = arith.constant 0 : i32
      %dma_wait3A_62 = tpu.memref_slice %arg15[%add3A_9, %dma_wait3A_61] : memref<10000x128xf32, #tpu.memory_space<vmem_shared>> -> memref<80x128xf32, #tpu.memory_space<vmem_shared>>
      %dma_wait3A_63 = arith.constant 0 : i32
      %dma_wait3A_64 = tpu.memref_slice %arg15[%add3A_9, %dma_wait3A_63] : memref<10000x128xf32, #tpu.memory_space<vmem_shared>> -> memref<80x128xf32, #tpu.memory_space<vmem_shared>>
      tpu.wait_dma2 semaphore(%run_scoped3A : memref<!tpu.dma_semaphore, #tpu.memory_space<semaphore_mem>>) src(%arg13 : memref<80x128xf32, #tpu.memory_space<vmem>>) dst(%dma_wait3A_64 : memref<80x128xf32, #tpu.memory_space<vmem_shared>>)
      tpu.yield
    }) : () -> ()
    %add3A_10 = arith.constant 80 : i32
    %add3A_11 = arith.addi %mul3A_8, %add3A_10 : i32
    "tpu.region"() ({
      %run_scoped3A = tpu.sem_alloc : memref<!tpu.dma_semaphore, #tpu.memory_space<semaphore_mem>>
      %dma_start3A = arith.constant 0 : i32
      %dma_start3A_58 = tpu.memref_slice %arg15[%add3A_11, %dma_start3A] : memref<10000x128xf32, #tpu.memory_space<vmem_shared>> -> memref<80x128xf32, #tpu.memory_space<vmem_shared>>
      %dma_start3A_59 = arith.constant 0 : i32
      %dma_start3A_60 = tpu.memref_slice %arg15[%add3A_11, %dma_start3A_59] : memref<10000x128xf32, #tpu.memory_space<vmem_shared>> -> memref<80x128xf32, #tpu.memory_space<vmem_shared>>
      tpu.enqueue_dma source(%arg13 : memref<80x128xf32, #tpu.memory_space<vmem>>) target(%dma_start3A_60 : memref<80x128xf32, #tpu.memory_space<vmem_shared>>) target_semaphore(%run_scoped3A : memref<!tpu.dma_semaphore, #tpu.memory_space<semaphore_mem>>)
      %dma_wait3A_61 = arith.constant 0 : i32
      %dma_wait3A_62 = tpu.memref_slice %arg15[%add3A_11, %dma_wait3A_61] : memref<10000x128xf32, #tpu.memory_space<vmem_shared>> -> memref<80x128xf32, #tpu.memory_space<vmem_shared>>
      %dma_wait3A_63 = arith.constant 0 : i32
      %dma_wait3A_64 = tpu.memref_slice %arg15[%add3A_11, %dma_wait3A_63] : memref<10000x128xf32, #tpu.memory_space<vmem_shared>> -> memref<80x128xf32, #tpu.memory_space<vmem_shared>>
      tpu.wait_dma2 semaphore(%run_scoped3A : memref<!tpu.dma_semaphore, #tpu.memory_space<semaphore_mem>>) src(%arg13 : memref<80x128xf32, #tpu.memory_space<vmem>>) dst(%dma_wait3A_64 : memref<80x128xf32, #tpu.memory_space<vmem_shared>>)
      tpu.yield
    }) : () -> ()
    %add3A_12 = arith.constant 160 : i32
    %add3A_13 = arith.addi %mul3A_8, %add3A_12 : i32
    "tpu.region"() ({
      %run_scoped3A = tpu.sem_alloc : memref<!tpu.dma_semaphore, #tpu.memory_space<semaphore_mem>>
      %dma_start3A = arith.constant 0 : i32
      %dma_start3A_58 = tpu.memref_slice %arg15[%add3A_13, %dma_start3A] : memref<10000x128xf32, #tpu.memory_space<vmem_shared>> -> memref<80x128xf32, #tpu.memory_space<vmem_shared>>
      %dma_start3A_59 = arith.constant 0 : i32
      %dma_start3A_60 = tpu.memref_slice %arg15[%add3A_13, %dma_start3A_59] : memref<10000x128xf32, #tpu.memory_space<vmem_shared>> -> memref<80x128xf32, #tpu.memory_space<vmem_shared>>
      tpu.enqueue_dma source(%arg13 : memref<80x128xf32, #tpu.memory_space<vmem>>) target(%dma_start3A_60 : memref<80x128xf32, #tpu.memory_space<vmem_shared>>) target_semaphore(%run_scoped3A : memref<!tpu.dma_semaphore, #tpu.memory_space<semaphore_mem>>)
      %dma_wait3A_61 = arith.constant 0 : i32
      %dma_wait3A_62 = tpu.memref_slice %arg15[%add3A_13, %dma_wait3A_61] : memref<10000x128xf32, #tpu.memory_space<vmem_shared>> -> memref<80x128xf32, #tpu.memory_space<vmem_shared>>
      %dma_wait3A_63 = arith.constant 0 : i32
      %dma_wait3A_64 = tpu.memref_slice %arg15[%add3A_13, %dma_wait3A_63] : memref<10000x128xf32, #tpu.memory_space<vmem_shared>> -> memref<80x128xf32, #tpu.memory_space<vmem_shared>>
      tpu.wait_dma2 semaphore(%run_scoped3A : memref<!tpu.dma_semaphore, #tpu.memory_space<semaphore_mem>>) src(%arg13 : memref<80x128xf32, #tpu.memory_space<vmem>>) dst(%dma_wait3A_64 : memref<80x128xf32, #tpu.memory_space<vmem_shared>>)
      tpu.yield
    }) : () -> ()
    %add3A_14 = arith.constant 240 : i32
    %add3A_15 = arith.addi %mul3A_8, %add3A_14 : i32
    "tpu.region"() ({
      %run_scoped3A = tpu.sem_alloc : memref<!tpu.dma_semaphore, #tpu.memory_space<semaphore_mem>>
      %dma_start3A = arith.constant 0 : i32
      %dma_start3A_58 = tpu.memref_slice %arg15[%add3A_15, %dma_start3A] : memref<10000x128xf32, #tpu.memory_space<vmem_shared>> -> memref<80x128xf32, #tpu.memory_space<vmem_shared>>
      %dma_start3A_59 = arith.constant 0 : i32
      %dma_start3A_60 = tpu.memref_slice %arg15[%add3A_15, %dma_start3A_59] : memref<10000x128xf32, #tpu.memory_space<vmem_shared>> -> memref<80x128xf32, #tpu.memory_space<vmem_shared>>
      tpu.enqueue_dma source(%arg13 : memref<80x128xf32, #tpu.memory_space<vmem>>) target(%dma_start3A_60 : memref<80x128xf32, #tpu.memory_space<vmem_shared>>) target_semaphore(%run_scoped3A : memref<!tpu.dma_semaphore, #tpu.memory_space<semaphore_mem>>)
      %dma_wait3A_61 = arith.constant 0 : i32
      %dma_wait3A_62 = tpu.memref_slice %arg15[%add3A_15, %dma_wait3A_61] : memref<10000x128xf32, #tpu.memory_space<vmem_shared>> -> memref<80x128xf32, #tpu.memory_space<vmem_shared>>
      %dma_wait3A_63 = arith.constant 0 : i32
      %dma_wait3A_64 = tpu.memref_slice %arg15[%add3A_15, %dma_wait3A_63] : memref<10000x128xf32, #tpu.memory_space<vmem_shared>> -> memref<80x128xf32, #tpu.memory_space<vmem_shared>>
      tpu.wait_dma2 semaphore(%run_scoped3A : memref<!tpu.dma_semaphore, #tpu.memory_space<semaphore_mem>>) src(%arg13 : memref<80x128xf32, #tpu.memory_space<vmem>>) dst(%dma_wait3A_64 : memref<80x128xf32, #tpu.memory_space<vmem_shared>>)
      tpu.yield
    }) : () -> ()
    %add3A_16 = arith.constant 320 : i32
    %add3A_17 = arith.addi %mul3A_8, %add3A_16 : i32
    "tpu.region"() ({
      %run_scoped3A = tpu.sem_alloc : memref<!tpu.dma_semaphore, #tpu.memory_space<semaphore_mem>>
      %dma_start3A = arith.constant 0 : i32
      %dma_start3A_58 = tpu.memref_slice %arg15[%add3A_17, %dma_start3A] : memref<10000x128xf32, #tpu.memory_space<vmem_shared>> -> memref<80x128xf32, #tpu.memory_space<vmem_shared>>
      %dma_start3A_59 = arith.constant 0 : i32
      %dma_start3A_60 = tpu.memref_slice %arg15[%add3A_17, %dma_start3A_59] : memref<10000x128xf32, #tpu.memory_space<vmem_shared>> -> memref<80x128xf32, #tpu.memory_space<vmem_shared>>
      tpu.enqueue_dma source(%arg13 : memref<80x128xf32, #tpu.memory_space<vmem>>) target(%dma_start3A_60 : memref<80x128xf32, #tpu.memory_space<vmem_shared>>) target_semaphore(%run_scoped3A : memref<!tpu.dma_semaphore, #tpu.memory_space<semaphore_mem>>)
      %dma_wait3A_61 = arith.constant 0 : i32
      %dma_wait3A_62 = tpu.memref_slice %arg15[%add3A_17, %dma_wait3A_61] : memref<10000x128xf32, #tpu.memory_space<vmem_shared>> -> memref<80x128xf32, #tpu.memory_space<vmem_shared>>
      %dma_wait3A_63 = arith.constant 0 : i32
      %dma_wait3A_64 = tpu.memref_slice %arg15[%add3A_17, %dma_wait3A_63] : memref<10000x128xf32, #tpu.memory_space<vmem_shared>> -> memref<80x128xf32, #tpu.memory_space<vmem_shared>>
      tpu.wait_dma2 semaphore(%run_scoped3A : memref<!tpu.dma_semaphore, #tpu.memory_space<semaphore_mem>>) src(%arg13 : memref<80x128xf32, #tpu.memory_space<vmem>>) dst(%dma_wait3A_64 : memref<80x128xf32, #tpu.memory_space<vmem_shared>>)
      tpu.yield
    }) : () -> ()
    %add3A_18 = arith.constant 400 : i32
    %add3A_19 = arith.addi %mul3A_8, %add3A_18 : i32
    "tpu.region"() ({
      %run_scoped3A = tpu.sem_alloc : memref<!tpu.dma_semaphore, #tpu.memory_space<semaphore_mem>>
      %dma_start3A = arith.constant 0 : i32
      %dma_start3A_58 = tpu.memref_slice %arg15[%add3A_19, %dma_start3A] : memref<10000x128xf32, #tpu.memory_space<vmem_shared>> -> memref<80x128xf32, #tpu.memory_space<vmem_shared>>
      %dma_start3A_59 = arith.constant 0 : i32
      %dma_start3A_60 = tpu.memref_slice %arg15[%add3A_19, %dma_start3A_59] : memref<10000x128xf32, #tpu.memory_space<vmem_shared>> -> memref<80x128xf32, #tpu.memory_space<vmem_shared>>
      tpu.enqueue_dma source(%arg13 : memref<80x128xf32, #tpu.memory_space<vmem>>) target(%dma_start3A_60 : memref<80x128xf32, #tpu.memory_space<vmem_shared>>) target_semaphore(%run_scoped3A : memref<!tpu.dma_semaphore, #tpu.memory_space<semaphore_mem>>)
      %dma_wait3A_61 = arith.constant 0 : i32
      %dma_wait3A_62 = tpu.memref_slice %arg15[%add3A_19, %dma_wait3A_61] : memref<10000x128xf32, #tpu.memory_space<vmem_shared>> -> memref<80x128xf32, #tpu.memory_space<vmem_shared>>
      %dma_wait3A_63 = arith.constant 0 : i32
      %dma_wait3A_64 = tpu.memref_slice %arg15[%add3A_19, %dma_wait3A_63] : memref<10000x128xf32, #tpu.memory_space<vmem_shared>> -> memref<80x128xf32, #tpu.memory_space<vmem_shared>>
      tpu.wait_dma2 semaphore(%run_scoped3A : memref<!tpu.dma_semaphore, #tpu.memory_space<semaphore_mem>>) src(%arg13 : memref<80x128xf32, #tpu.memory_space<vmem>>) dst(%dma_wait3A_64 : memref<80x128xf32, #tpu.memory_space<vmem_shared>>)
      tpu.yield
    }) : () -> ()
    %add3A_20 = arith.constant 480 : i32
    %add3A_21 = arith.addi %mul3A_8, %add3A_20 : i32
    "tpu.region"() ({
      %run_scoped3A = tpu.sem_alloc : memref<!tpu.dma_semaphore, #tpu.memory_space<semaphore_mem>>
      %dma_start3A = arith.constant 0 : i32
      %dma_start3A_58 = tpu.memref_slice %arg15[%add3A_21, %dma_start3A] : memref<10000x128xf32, #tpu.memory_space<vmem_shared>> -> memref<80x128xf32, #tpu.memory_space<vmem_shared>>
      %dma_start3A_59 = arith.constant 0 : i32
      %dma_start3A_60 = tpu.memref_slice %arg15[%add3A_21, %dma_start3A_59] : memref<10000x128xf32, #tpu.memory_space<vmem_shared>> -> memref<80x128xf32, #tpu.memory_space<vmem_shared>>
      tpu.enqueue_dma source(%arg13 : memref<80x128xf32, #tpu.memory_space<vmem>>) target(%dma_start3A_60 : memref<80x128xf32, #tpu.memory_space<vmem_shared>>) target_semaphore(%run_scoped3A : memref<!tpu.dma_semaphore, #tpu.memory_space<semaphore_mem>>)
      %dma_wait3A_61 = arith.constant 0 : i32
      %dma_wait3A_62 = tpu.memref_slice %arg15[%add3A_21, %dma_wait3A_61] : memref<10000x128xf32, #tpu.memory_space<vmem_shared>> -> memref<80x128xf32, #tpu.memory_space<vmem_shared>>
      %dma_wait3A_63 = arith.constant 0 : i32
      %dma_wait3A_64 = tpu.memref_slice %arg15[%add3A_21, %dma_wait3A_63] : memref<10000x128xf32, #tpu.memory_space<vmem_shared>> -> memref<80x128xf32, #tpu.memory_space<vmem_shared>>
      tpu.wait_dma2 semaphore(%run_scoped3A : memref<!tpu.dma_semaphore, #tpu.memory_space<semaphore_mem>>) src(%arg13 : memref<80x128xf32, #tpu.memory_space<vmem>>) dst(%dma_wait3A_64 : memref<80x128xf32, #tpu.memory_space<vmem_shared>>)
      tpu.yield
    }) : () -> ()
    %add3A_22 = arith.constant 560 : i32
    %add3A_23 = arith.addi %mul3A_8, %add3A_22 : i32
    "tpu.region"() ({
      %run_scoped3A = tpu.sem_alloc : memref<!tpu.dma_semaphore, #tpu.memory_space<semaphore_mem>>
      %dma_start3A = arith.constant 0 : i32
      %dma_start3A_58 = arith.constant 0 : i32
      %dma_start3A_59 = tpu.memref_slice %arg13[%dma_start3A, %dma_start3A_58] : memref<80x128xf32, #tpu.memory_space<vmem>> -> memref<64x128xf32, #tpu.memory_space<vmem>>
      %dma_start3A_60 = arith.constant 0 : i32
      %dma_start3A_61 = tpu.memref_slice %arg15[%add3A_23, %dma_start3A_60] : memref<10000x128xf32, #tpu.memory_space<vmem_shared>> -> memref<64x128xf32, #tpu.memory_space<vmem_shared>>
      %dma_start3A_62 = arith.constant 0 : i32
      %dma_start3A_63 = tpu.memref_slice %arg15[%add3A_23, %dma_start3A_62] : memref<10000x128xf32, #tpu.memory_space<vmem_shared>> -> memref<64x128xf32, #tpu.memory_space<vmem_shared>>
      %dma_start3A_64 = arith.constant 0 : i32
      %dma_start3A_65 = arith.constant 0 : i32
      %dma_start3A_66 = tpu.memref_slice %arg13[%dma_start3A_64, %dma_start3A_65] : memref<80x128xf32, #tpu.memory_space<vmem>> -> memref<64x128xf32, #tpu.memory_space<vmem>>
      tpu.enqueue_dma source(%dma_start3A_66 : memref<64x128xf32, #tpu.memory_space<vmem>>) target(%dma_start3A_63 : memref<64x128xf32, #tpu.memory_space<vmem_shared>>) target_semaphore(%run_scoped3A : memref<!tpu.dma_semaphore, #tpu.memory_space<semaphore_mem>>)
      %dma_wait3A_67 = arith.constant 0 : i32
      %dma_wait3A_68 = arith.constant 0 : i32
      %dma_wait3A_69 = tpu.memref_slice %arg13[%dma_wait3A_67, %dma_wait3A_68] : memref<80x128xf32, #tpu.memory_space<vmem>> -> memref<64x128xf32, #tpu.memory_space<vmem>>
      %dma_wait3A_70 = arith.constant 0 : i32
      %dma_wait3A_71 = tpu.memref_slice %arg15[%add3A_23, %dma_wait3A_70] : memref<10000x128xf32, #tpu.memory_space<vmem_shared>> -> memref<64x128xf32, #tpu.memory_space<vmem_shared>>
      %dma_wait3A_72 = arith.constant 0 : i32
      %dma_wait3A_73 = tpu.memref_slice %arg15[%add3A_23, %dma_wait3A_72] : memref<10000x128xf32, #tpu.memory_space<vmem_shared>> -> memref<64x128xf32, #tpu.memory_space<vmem_shared>>
      %dma_wait3A_74 = arith.constant 0 : i32
      %dma_wait3A_75 = arith.constant 0 : i32
      %dma_wait3A_76 = tpu.memref_slice %arg13[%dma_wait3A_74, %dma_wait3A_75] : memref<80x128xf32, #tpu.memory_space<vmem>> -> memref<64x128xf32, #tpu.memory_space<vmem>>
      tpu.wait_dma2 semaphore(%run_scoped3A : memref<!tpu.dma_semaphore, #tpu.memory_space<semaphore_mem>>) src(%dma_wait3A_76 : memref<64x128xf32, #tpu.memory_space<vmem>>) dst(%dma_wait3A_73 : memref<64x128xf32, #tpu.memory_space<vmem_shared>>)
      tpu.yield
    }) : () -> ()
    %eq3A = arith.constant 15 : i32
    %eq3A_24 = arith.cmpi eq, %arg1, %eq3A : i32
    %convert_element_type3A = arith.extui %eq3A_24 : i1 to i32
    %cond3A = arith.constant 0 : i32
    %cond3A_25 = arith.cmpi ne, %convert_element_type3A, %cond3A : i32
    scf.if %cond3A_25 {
      "tpu.region"() ({
        %run_scoped3A = tpu.sem_alloc : memref<!tpu.dma_semaphore, #tpu.memory_space<semaphore_mem>>
        %dma_start3A = arith.constant 0 : i32
        %dma_start3A_58 = arith.constant 0 : i32
        %dma_start3A_59 = tpu.memref_slice %arg13[%dma_start3A, %dma_start3A_58] : memref<80x128xf32, #tpu.memory_space<vmem>> -> memref<16x128xf32, #tpu.memory_space<vmem>>
        %dma_start3A_60 = arith.constant 9984 : i32
        %dma_start3A_61 = arith.constant 0 : i32
        %dma_start3A_62 = tpu.memref_slice %arg15[%dma_start3A_60, %dma_start3A_61] : memref<10000x128xf32, #tpu.memory_space<vmem_shared>> -> memref<16x128xf32, #tpu.memory_space<vmem_shared>>
        %dma_start3A_63 = arith.constant 9984 : i32
        %dma_start3A_64 = arith.constant 0 : i32
        %dma_start3A_65 = tpu.memref_slice %arg15[%dma_start3A_63, %dma_start3A_64] : memref<10000x128xf32, #tpu.memory_space<vmem_shared>> -> memref<16x128xf32, #tpu.memory_space<vmem_shared>>
        %dma_start3A_66 = arith.constant 0 : i32
        %dma_start3A_67 = arith.constant 0 : i32
        %dma_start3A_68 = tpu.memref_slice %arg13[%dma_start3A_66, %dma_start3A_67] : memref<80x128xf32, #tpu.memory_space<vmem>> -> memref<16x128xf32, #tpu.memory_space<vmem>>
        tpu.enqueue_dma source(%dma_start3A_68 : memref<16x128xf32, #tpu.memory_space<vmem>>) target(%dma_start3A_65 : memref<16x128xf32, #tpu.memory_space<vmem_shared>>) target_semaphore(%run_scoped3A : memref<!tpu.dma_semaphore, #tpu.memory_space<semaphore_mem>>)
        %dma_wait3A_69 = arith.constant 0 : i32
        %dma_wait3A_70 = arith.constant 0 : i32
        %dma_wait3A_71 = tpu.memref_slice %arg13[%dma_wait3A_69, %dma_wait3A_70] : memref<80x128xf32, #tpu.memory_space<vmem>> -> memref<16x128xf32, #tpu.memory_space<vmem>>
        %dma_wait3A_72 = arith.constant 9984 : i32
        %dma_wait3A_73 = arith.constant 0 : i32
        %dma_wait3A_74 = tpu.memref_slice %arg15[%dma_wait3A_72, %dma_wait3A_73] : memref<10000x128xf32, #tpu.memory_space<vmem_shared>> -> memref<16x128xf32, #tpu.memory_space<vmem_shared>>
        %dma_wait3A_75 = arith.constant 9984 : i32
        %dma_wait3A_76 = arith.constant 0 : i32
        %dma_wait3A_77 = tpu.memref_slice %arg15[%dma_wait3A_75, %dma_wait3A_76] : memref<10000x128xf32, #tpu.memory_space<vmem_shared>> -> memref<16x128xf32, #tpu.memory_space<vmem_shared>>
        %dma_wait3A_78 = arith.constant 0 : i32
        %dma_wait3A_79 = arith.constant 0 : i32
        %dma_wait3A_80 = tpu.memref_slice %arg13[%dma_wait3A_78, %dma_wait3A_79] : memref<80x128xf32, #tpu.memory_space<vmem>> -> memref<16x128xf32, #tpu.memory_space<vmem>>
        tpu.wait_dma2 semaphore(%run_scoped3A : memref<!tpu.dma_semaphore, #tpu.memory_space<semaphore_mem>>) src(%dma_wait3A_80 : memref<16x128xf32, #tpu.memory_space<vmem>>) dst(%dma_wait3A_77 : memref<16x128xf32, #tpu.memory_space<vmem_shared>>)
        tpu.yield
      }) : () -> ()
    } else {
    }
    "tpu.region"() ({
      %run_scoped3A = tpu.sem_alloc : memref<!tpu.dma_semaphore, #tpu.memory_space<semaphore_mem>>
      tpu.enqueue_dma source(%arg6 : memref<64xf32, #tpu.memory_space<hbm>>) target(%arg14 : memref<64xf32, #tpu.memory_space<vmem>>) target_semaphore(%run_scoped3A : memref<!tpu.dma_semaphore, #tpu.memory_space<semaphore_mem>>)
      tpu.wait_dma2 semaphore(%run_scoped3A : memref<!tpu.dma_semaphore, #tpu.memory_space<semaphore_mem>>) src(%arg6 : memref<64xf32, #tpu.memory_space<hbm>>) dst(%arg14 : memref<64xf32, #tpu.memory_space<vmem>>)
      tpu.yield
    }) : () -> ()
    %barrier3A = arith.constant 0 : index
    tpu.barrier barrier_id(%barrier3A)
    %mul3A_26 = arith.constant 2 : i32
    %mul3A_27 = arith.muli %arg1, %mul3A_26 : i32
    %add3A_28 = arith.addi %mul3A_27, %arg0 : i32
    %mul3A_29 = arith.constant 10000 : i32
    %mul3A_30 = arith.muli %add3A_28, %mul3A_29 : i32
    %get3A = arith.constant 0 : index
    %get3A_31 = tpu.vector_load %arg14[%get3A] {strides = array<i32>} : memref<64xf32, #tpu.memory_space<vmem>>, vector<16xf32>,
    %get3A_32 = vector.shape_cast %get3A_31 : vector<16xf32> to vector<16xf32>
    %get3A_33 = arith.constant 16 : index
    %get3A_34 = tpu.vector_load %arg14[%get3A_33] {strides = array<i32>} : memref<64xf32, #tpu.memory_space<vmem>>, vector<16xf32>,
    %get3A_35 = vector.shape_cast %get3A_34 : vector<16xf32> to vector<16xf32>
    %get3A_36 = arith.constant 32 : index
    %get3A_37 = tpu.vector_load %arg14[%get3A_36] {strides = array<i32>} : memref<64xf32, #tpu.memory_space<vmem>>, vector<16xf32>,
    %get3A_38 = vector.shape_cast %get3A_37 : vector<16xf32> to vector<16xf32>
    %get3A_39 = arith.constant 48 : index
    %get3A_40 = tpu.vector_load %arg14[%get3A_39] {strides = array<i32>} : memref<64xf32, #tpu.memory_space<vmem>>, vector<16xf32>,
    %get3A_41 = vector.shape_cast %get3A_40 : vector<16xf32> to vector<16xf32>
    %iota3A = tpu.iota {dimensions = array<i32: 0>} : vector<16xi32>
    %scan3A_42 = arith.constant 0 : i32
    %scan3A_43 = arith.constant 0 : i32
    %scan3A_44 = arith.constant 125 : i32
    %scan3A_45 = arith.addi %scan3A_43, %scan3A_44 : i32
    %scan3A_46 = arith.constant 1 : i32
    scf.for %scan3A_58 = %scan3A_43 to %scan3A_45 step %scan3A_46  : i32 {
      %mul3A_59 = arith.constant 80 : i32
      %mul3A_60 = arith.muli %scan3A_58, %mul3A_59 : i32
      %add3A_61 = arith.addi %mul3A_30, %mul3A_60 : i32
      %gt3A = arith.constant 0 : i32
      %gt3A_62 = arith.cmpi sgt, %scan3A_58, %gt3A : i32
      %convert_element_type3A_63 = arith.extui %gt3A_62 : i1 to i32
      %cond3A_64 = arith.constant 0 : i32
      %cond3A_65 = arith.cmpi ne, %convert_element_type3A_63, %cond3A_64 : i32
      scf.if %cond3A_65 {
        %dma_wait3A_94 = arith.constant 0 : i32
        %dma_wait3A_95 = arith.constant 0 : i32
        %dma_wait3A_96 = tpu.memref_slice %arg15[%dma_wait3A_94, %dma_wait3A_95] : memref<10000x128xf32, #tpu.memory_space<vmem_shared>> -> memref<10000x128xf32, #tpu.memory_space<vmem_shared>>
        tpu.wait_indirect_dma semaphore(%arg19 : memref<!tpu.dma_semaphore, #tpu.memory_space<semaphore_mem>>) src(%arg13 : memref<80x128xf32, #tpu.memory_space<vmem>>) dst(%dma_wait3A_96 : memref<10000x128xf32, #tpu.memory_space<vmem_shared>>)
      } else {
      }
      "tpu.region"() ({
        %run_scoped3A = tpu.sem_alloc : memref<!tpu.dma_semaphore, #tpu.memory_space<semaphore_mem>>
        %dma_start3A_94 = tpu.memref_slice %arg4[%add3A_61] : memref<320000xi32, #tpu.memory_space<hbm>> -> memref<80xi32, #tpu.memory_space<hbm>>
        %dma_start3A_95 = tpu.memref_slice %arg4[%add3A_61] : memref<320000xi32, #tpu.memory_space<hbm>> -> memref<80xi32, #tpu.memory_space<hbm>>
        tpu.enqueue_dma source(%dma_start3A_95 : memref<80xi32, #tpu.memory_space<hbm>>) target(%arg8 : memref<80xi32, #tpu.memory_space<vmem>>) target_semaphore(%run_scoped3A : memref<!tpu.dma_semaphore, #tpu.memory_space<semaphore_mem>>)
        %dma_wait3A_96 = tpu.memref_slice %arg4[%add3A_61] : memref<320000xi32, #tpu.memory_space<hbm>> -> memref<80xi32, #tpu.memory_space<hbm>>
        %dma_wait3A_97 = tpu.memref_slice %arg4[%add3A_61] : memref<320000xi32, #tpu.memory_space<hbm>> -> memref<80xi32, #tpu.memory_space<hbm>>
        tpu.wait_dma2 semaphore(%run_scoped3A : memref<!tpu.dma_semaphore, #tpu.memory_space<semaphore_mem>>) src(%dma_wait3A_97 : memref<80xi32, #tpu.memory_space<hbm>>) dst(%arg8 : memref<80xi32, #tpu.memory_space<vmem>>)
        tpu.yield
      }) : () -> ()
      "tpu.region"() ({
        %run_scoped3A = tpu.sem_alloc : memref<!tpu.dma_semaphore, #tpu.memory_space<semaphore_mem>>
        %dma_start3A_94 = tpu.memref_slice %arg5[%add3A_61] : memref<320000xi32, #tpu.memory_space<hbm>> -> memref<80xi32, #tpu.memory_space<hbm>>
        %dma_start3A_95 = tpu.memref_slice %arg5[%add3A_61] : memref<320000xi32, #tpu.memory_space<hbm>> -> memref<80xi32, #tpu.memory_space<hbm>>
        tpu.enqueue_dma source(%dma_start3A_95 : memref<80xi32, #tpu.memory_space<hbm>>) target(%arg9 : memref<80xi32, #tpu.memory_space<vmem>>) target_semaphore(%run_scoped3A : memref<!tpu.dma_semaphore, #tpu.memory_space<semaphore_mem>>)
        %dma_wait3A_96 = tpu.memref_slice %arg5[%add3A_61] : memref<320000xi32, #tpu.memory_space<hbm>> -> memref<80xi32, #tpu.memory_space<hbm>>
        %dma_wait3A_97 = tpu.memref_slice %arg5[%add3A_61] : memref<320000xi32, #tpu.memory_space<hbm>> -> memref<80xi32, #tpu.memory_space<hbm>>
        tpu.wait_dma2 semaphore(%run_scoped3A : memref<!tpu.dma_semaphore, #tpu.memory_space<semaphore_mem>>) src(%dma_wait3A_97 : memref<80xi32, #tpu.memory_space<hbm>>) dst(%arg9 : memref<80xi32, #tpu.memory_space<vmem>>)
        tpu.yield
      }) : () -> ()
      %dma_start3A = arith.constant 0 : i32
      %dma_start3A_66 = arith.constant 0 : i32
      %dma_start3A_67 = tpu.memref_slice %arg2[%dma_start3A, %dma_start3A_66] : memref<10000x128xf32, #tpu.memory_space<hbm>> -> memref<10000x128xf32, #tpu.memory_space<hbm>>
      tpu.enqueue_indirect_dma source(%dma_start3A_67 : memref<10000x128xf32, #tpu.memory_space<hbm>>) target(%arg10 : memref<80x128xf32, #tpu.memory_space<vmem>>) offsets(%arg8 : memref<80xi32, #tpu.memory_space<vmem>>) semaphore(%arg16 : memref<!tpu.dma_semaphore, #tpu.memory_space<semaphore_mem>>)
      %dma_start3A_68 = arith.constant 0 : i32
      %dma_start3A_69 = arith.constant 0 : i32
      %dma_start3A_70 = tpu.memref_slice %arg2[%dma_start3A_68, %dma_start3A_69] : memref<10000x128xf32, #tpu.memory_space<hbm>> -> memref<10000x128xf32, #tpu.memory_space<hbm>>
      tpu.enqueue_indirect_dma source(%dma_start3A_70 : memref<10000x128xf32, #tpu.memory_space<hbm>>) target(%arg11 : memref<80x128xf32, #tpu.memory_space<vmem>>) offsets(%arg9 : memref<80xi32, #tpu.memory_space<vmem>>) semaphore(%arg17 : memref<!tpu.dma_semaphore, #tpu.memory_space<semaphore_mem>>)
      %dma_start3A_71 = arith.constant 0 : i32
      %dma_start3A_72 = tpu.memref_slice %arg3[%add3A_61, %dma_start3A_71] : memref<320000x64xf32, #tpu.memory_space<hbm>> -> memref<80x64xf32, #tpu.memory_space<hbm>>
      %dma_start3A_73 = arith.constant 0 : i32
      %dma_start3A_74 = tpu.memref_slice %arg3[%add3A_61, %dma_start3A_73] : memref<320000x64xf32, #tpu.memory_space<hbm>> -> memref<80x64xf32, #tpu.memory_space<hbm>>
      tpu.enqueue_dma source(%dma_start3A_74 : memref<80x64xf32, #tpu.memory_space<hbm>>) target(%arg12 : memref<80x64xf32, #tpu.memory_space<vmem>>) target_semaphore(%arg18 : memref<!tpu.dma_semaphore, #tpu.memory_space<semaphore_mem>>)
      %dma_wait3A_75 = arith.constant 0 : i32
      %dma_wait3A_76 = arith.constant 0 : i32
      %dma_wait3A_77 = tpu.memref_slice %arg2[%dma_wait3A_75, %dma_wait3A_76] : memref<10000x128xf32, #tpu.memory_space<hbm>> -> memref<10000x128xf32, #tpu.memory_space<hbm>>
      tpu.wait_indirect_dma semaphore(%arg16 : memref<!tpu.dma_semaphore, #tpu.memory_space<semaphore_mem>>) src(%dma_wait3A_77 : memref<10000x128xf32, #tpu.memory_space<hbm>>) dst(%arg10 : memref<80x128xf32, #tpu.memory_space<vmem>>)
      %dma_wait3A_78 = arith.constant 0 : i32
      %dma_wait3A_79 = arith.constant 0 : i32
      %dma_wait3A_80 = tpu.memref_slice %arg2[%dma_wait3A_78, %dma_wait3A_79] : memref<10000x128xf32, #tpu.memory_space<hbm>> -> memref<10000x128xf32, #tpu.memory_space<hbm>>
      tpu.wait_indirect_dma semaphore(%arg17 : memref<!tpu.dma_semaphore, #tpu.memory_space<semaphore_mem>>) src(%dma_wait3A_80 : memref<10000x128xf32, #tpu.memory_space<hbm>>) dst(%arg11 : memref<80x128xf32, #tpu.memory_space<vmem>>)
      %dma_wait3A_81 = arith.constant 0 : i32
      %dma_wait3A_82 = tpu.memref_slice %arg3[%add3A_61, %dma_wait3A_81] : memref<320000x64xf32, #tpu.memory_space<hbm>> -> memref<80x64xf32, #tpu.memory_space<hbm>>
      %dma_wait3A_83 = arith.constant 0 : i32
      %dma_wait3A_84 = tpu.memref_slice %arg3[%add3A_61, %dma_wait3A_83] : memref<320000x64xf32, #tpu.memory_space<hbm>> -> memref<80x64xf32, #tpu.memory_space<hbm>>
      tpu.wait_dma2 semaphore(%arg18 : memref<!tpu.dma_semaphore, #tpu.memory_space<semaphore_mem>>) src(%dma_wait3A_84 : memref<80x64xf32, #tpu.memory_space<hbm>>) dst(%arg12 : memref<80x64xf32, #tpu.memory_space<vmem>>)
      %scan3A_85 = arith.constant 0 : i32
      %scan3A_86 = arith.constant 0 : i32
      %scan3A_87 = arith.constant 80 : i32
      %scan3A_88 = arith.addi %scan3A_86, %scan3A_87 : i32
      %scan3A_89 = arith.constant 1 : i32
      scf.for %scan3A_94 = %scan3A_86 to %scan3A_88 step %scan3A_89  : i32 {
        %get3A_95 = arith.index_cast %scan3A_94 : i32 to index
        %get3A_96 = arith.constant 0 : index
        %get3A_97 = tpu.vector_load %arg10[%get3A_95, %get3A_96] {strides = array<i32>} : memref<80x128xf32, #tpu.memory_space<vmem>>, vector<1x16xf32>,
        %get3A_98 = vector.shape_cast %get3A_97 : vector<1x16xf32> to vector<16xf32>
        %get3A_99 = arith.index_cast %scan3A_94 : i32 to index
        %get3A_100 = arith.constant 64 : index
        %get3A_101 = tpu.vector_load %arg11[%get3A_99, %get3A_100] {strides = array<i32>} : memref<80x128xf32, #tpu.memory_space<vmem>>, vector<1x16xf32>,
        %get3A_102 = vector.shape_cast %get3A_101 : vector<1x16xf32> to vector<16xf32>
        %add3A_103 = arith.addf %get3A_98, %get3A_102 : vector<16xf32>
        %get3A_104 = arith.index_cast %scan3A_94 : i32 to index
        %get3A_105 = arith.constant 0 : index
        %get3A_106 = tpu.vector_load %arg12[%get3A_104, %get3A_105] {strides = array<i32>} : memref<80x64xf32, #tpu.memory_space<vmem>>, vector<1x16xf32>,
        %get3A_107 = vector.shape_cast %get3A_106 : vector<1x16xf32> to vector<16xf32>
        %add3A_108 = arith.addf %add3A_103, %get3A_107 : vector<16xf32>
        %mul3A_109 = arith.constant 2.000000e-01 : f32
        %mul3A_110 = vector.broadcast %mul3A_109 : f32 to vector<16xf32>
        %mul3A_111 = arith.mulf %mul3A_110, %add3A_108 : vector<16xf32>
        %max3A = arith.maximumf %add3A_108, %mul3A_111 : vector<16xf32>
        %mul3A_112 = arith.mulf %max3A, %get3A_32 : vector<16xf32>
        %get3A_113 = arith.index_cast %scan3A_94 : i32 to index
        %get3A_114 = arith.constant 16 : index
        %get3A_115 = tpu.vector_load %arg10[%get3A_113, %get3A_114] {strides = array<i32>} : memref<80x128xf32, #tpu.memory_space<vmem>>, vector<1x16xf32>,
        %get3A_116 = vector.shape_cast %get3A_115 : vector<1x16xf32> to vector<16xf32>
        %get3A_117 = arith.index_cast %scan3A_94 : i32 to index
        %get3A_118 = arith.constant 80 : index
        %get3A_119 = tpu.vector_load %arg11[%get3A_117, %get3A_118] {strides = array<i32>} : memref<80x128xf32, #tpu.memory_space<vmem>>, vector<1x16xf32>,
        %get3A_120 = vector.shape_cast %get3A_119 : vector<1x16xf32> to vector<16xf32>
        %add3A_121 = arith.addf %get3A_116, %get3A_120 : vector<16xf32>
        %get3A_122 = arith.index_cast %scan3A_94 : i32 to index
        %get3A_123 = arith.constant 16 : index
        %get3A_124 = tpu.vector_load %arg12[%get3A_122, %get3A_123] {strides = array<i32>} : memref<80x64xf32, #tpu.memory_space<vmem>>, vector<1x16xf32>,
        %get3A_125 = vector.shape_cast %get3A_124 : vector<1x16xf32> to vector<16xf32>
        %add3A_126 = arith.addf %add3A_121, %get3A_125 : vector<16xf32>
        %mul3A_127 = arith.constant 2.000000e-01 : f32
        %mul3A_128 = vector.broadcast %mul3A_127 : f32 to vector<16xf32>
        %mul3A_129 = arith.mulf %mul3A_128, %add3A_126 : vector<16xf32>
        %max3A_130 = arith.maximumf %add3A_126, %mul3A_129 : vector<16xf32>
        %mul3A_131 = arith.mulf %max3A_130, %get3A_35 : vector<16xf32>
        %get3A_132 = arith.index_cast %scan3A_94 : i32 to index
        %get3A_133 = arith.constant 32 : index
        %get3A_134 = tpu.vector_load %arg10[%get3A_132, %get3A_133] {strides = array<i32>} : memref<80x128xf32, #tpu.memory_space<vmem>>, vector<1x16xf32>,
        %get3A_135 = vector.shape_cast %get3A_134 : vector<1x16xf32> to vector<16xf32>
        %get3A_136 = arith.index_cast %scan3A_94 : i32 to index
        %get3A_137 = arith.constant 96 : index
        %get3A_138 = tpu.vector_load %arg11[%get3A_136, %get3A_137] {strides = array<i32>} : memref<80x128xf32, #tpu.memory_space<vmem>>, vector<1x16xf32>,
        %get3A_139 = vector.shape_cast %get3A_138 : vector<1x16xf32> to vector<16xf32>
        %add3A_140 = arith.addf %get3A_135, %get3A_139 : vector<16xf32>
        %get3A_141 = arith.index_cast %scan3A_94 : i32 to index
        %get3A_142 = arith.constant 32 : index
        %get3A_143 = tpu.vector_load %arg12[%get3A_141, %get3A_142] {strides = array<i32>} : memref<80x64xf32, #tpu.memory_space<vmem>>, vector<1x16xf32>,
        %get3A_144 = vector.shape_cast %get3A_143 : vector<1x16xf32> to vector<16xf32>
        %add3A_145 = arith.addf %add3A_140, %get3A_144 : vector<16xf32>
        %mul3A_146 = arith.constant 2.000000e-01 : f32
        %mul3A_147 = vector.broadcast %mul3A_146 : f32 to vector<16xf32>
        %mul3A_148 = arith.mulf %mul3A_147, %add3A_145 : vector<16xf32>
        %max3A_149 = arith.maximumf %add3A_145, %mul3A_148 : vector<16xf32>
        %mul3A_150 = arith.mulf %max3A_149, %get3A_38 : vector<16xf32>
        %get3A_151 = arith.index_cast %scan3A_94 : i32 to index
        %get3A_152 = arith.constant 48 : index
        %get3A_153 = tpu.vector_load %arg10[%get3A_151, %get3A_152] {strides = array<i32>} : memref<80x128xf32, #tpu.memory_space<vmem>>, vector<1x16xf32>,
        %get3A_154 = vector.shape_cast %get3A_153 : vector<1x16xf32> to vector<16xf32>
        %get3A_155 = arith.index_cast %scan3A_94 : i32 to index
        %get3A_156 = arith.constant 112 : index
        %get3A_157 = tpu.vector_load %arg11[%get3A_155, %get3A_156] {strides = array<i32>} : memref<80x128xf32, #tpu.memory_space<vmem>>, vector<1x16xf32>,
        %get3A_158 = vector.shape_cast %get3A_157 : vector<1x16xf32> to vector<16xf32>
        %add3A_159 = arith.addf %get3A_154, %get3A_158 : vector<16xf32>
        %get3A_160 = arith.index_cast %scan3A_94 : i32 to index
        %get3A_161 = arith.constant 48 : index
        %get3A_162 = tpu.vector_load %arg12[%get3A_160, %get3A_161] {strides = array<i32>} : memref<80x64xf32, #tpu.memory_space<vmem>>, vector<1x16xf32>,
        %get3A_163 = vector.shape_cast %get3A_162 : vector<1x16xf32> to vector<16xf32>
        %add3A_164 = arith.addf %add3A_159, %get3A_163 : vector<16xf32>
        %mul3A_165 = arith.constant 2.000000e-01 : f32
        %mul3A_166 = vector.broadcast %mul3A_165 : f32 to vector<16xf32>
        %mul3A_167 = arith.mulf %mul3A_166, %add3A_164 : vector<16xf32>
        %max3A_168 = arith.maximumf %add3A_164, %mul3A_167 : vector<16xf32>
        %mul3A_169 = arith.mulf %max3A_168, %get3A_41 : vector<16xf32>
        %add3A_170 = arith.addf %mul3A_112, %mul3A_131 : vector<16xf32>
        %add3A_171 = arith.addf %add3A_170, %mul3A_150 : vector<16xf32>
        %add3A_172 = arith.addf %add3A_171, %mul3A_169 : vector<16xf32>
        %iota3A_173 = tpu.iota {dimensions = array<i32: 0>} : vector<16xi32>
        %xor3A = arith.constant 1 : i32
        %xor3A_174 = vector.broadcast %xor3A : i32 to vector<16xi32>
        %xor3A_175 = arith.xori %iota3A_173, %xor3A_174 : vector<16xi32>
        %broadcast_in_dim3A_176 = vector.shape_cast %xor3A_175 : vector<16xi32> to vector<16x1xi32>
        %gather3A = vector.shape_cast %broadcast_in_dim3A_176 : vector<16x1xi32> to vector<16xi32>
        %gather3A_177 = tpu.dynamic_gather %add3A_172[%gather3A] in [0] : vector<16xf32>, vector<16xi32> -> vector<16xf32>
        %add3A_178 = arith.addf %add3A_172, %gather3A_177 : vector<16xf32>
        %xor3A_179 = arith.constant 2 : i32
        %xor3A_180 = vector.broadcast %xor3A_179 : i32 to vector<16xi32>
        %xor3A_181 = arith.xori %iota3A_173, %xor3A_180 : vector<16xi32>
        %broadcast_in_dim3A_182 = vector.shape_cast %xor3A_181 : vector<16xi32> to vector<16x1xi32>
        %gather3A_183 = vector.shape_cast %broadcast_in_dim3A_182 : vector<16x1xi32> to vector<16xi32>
        %gather3A_184 = tpu.dynamic_gather %add3A_178[%gather3A_183] in [0] : vector<16xf32>, vector<16xi32> -> vector<16xf32>
        %add3A_185 = arith.addf %add3A_178, %gather3A_184 : vector<16xf32>
        %xor3A_186 = arith.constant 4 : i32
        %xor3A_187 = vector.broadcast %xor3A_186 : i32 to vector<16xi32>
        %xor3A_188 = arith.xori %iota3A_173, %xor3A_187 : vector<16xi32>
        %broadcast_in_dim3A_189 = vector.shape_cast %xor3A_188 : vector<16xi32> to vector<16x1xi32>
        %gather3A_190 = vector.shape_cast %broadcast_in_dim3A_189 : vector<16x1xi32> to vector<16xi32>
        %gather3A_191 = tpu.dynamic_gather %add3A_185[%gather3A_190] in [0] : vector<16xf32>, vector<16xi32> -> vector<16xf32>
        %add3A_192 = arith.addf %add3A_185, %gather3A_191 : vector<16xf32>
        %xor3A_193 = arith.constant 8 : i32
        %xor3A_194 = vector.broadcast %xor3A_193 : i32 to vector<16xi32>
        %xor3A_195 = arith.xori %iota3A_173, %xor3A_194 : vector<16xi32>
        %broadcast_in_dim3A_196 = vector.shape_cast %xor3A_195 : vector<16xi32> to vector<16x1xi32>
        %gather3A_197 = vector.shape_cast %broadcast_in_dim3A_196 : vector<16x1xi32> to vector<16xi32>
        %gather3A_198 = tpu.dynamic_gather %add3A_192[%gather3A_197] in [0] : vector<16xf32>, vector<16xi32> -> vector<16xf32>
        %add3A_199 = arith.addf %add3A_192, %gather3A_198 : vector<16xf32>
        %exp3A = math.exp %add3A_199 : vector<16xf32>
        %mul3A_200 = arith.mulf %exp3A, %get3A_98 : vector<16xf32>
        %swap3A = arith.index_cast %scan3A_94 : i32 to index
        %swap3A_201 = arith.constant 0 : index
        %swap3A_202 = tpu.vector_load %arg13[%swap3A, %swap3A_201] {strides = array<i32>} : memref<80x128xf32, #tpu.memory_space<vmem>>, vector<1x16xf32>,
        %swap3A_203 = vector.shape_cast %swap3A_202 : vector<1x16xf32> to vector<16xf32>
        %swap3A_204 = vector.shape_cast %mul3A_200 : vector<16xf32> to vector<1x16xf32>
        tpu.vector_store %arg13[%swap3A, %swap3A_201], %swap3A_204 {strides = array<i32>} : memref<80x128xf32, #tpu.memory_space<vmem>>, vector<1x16xf32>,
        %mul3A_205 = arith.mulf %exp3A, %get3A_116 : vector<16xf32>
        %swap3A_206 = arith.index_cast %scan3A_94 : i32 to index
        %swap3A_207 = arith.constant 16 : index
        %swap3A_208 = tpu.vector_load %arg13[%swap3A_206, %swap3A_207] {strides = array<i32>} : memref<80x128xf32, #tpu.memory_space<vmem>>, vector<1x16xf32>,
        %swap3A_209 = vector.shape_cast %swap3A_208 : vector<1x16xf32> to vector<16xf32>
        %swap3A_210 = vector.shape_cast %mul3A_205 : vector<16xf32> to vector<1x16xf32>
        tpu.vector_store %arg13[%swap3A_206, %swap3A_207], %swap3A_210 {strides = array<i32>} : memref<80x128xf32, #tpu.memory_space<vmem>>, vector<1x16xf32>,
        %mul3A_211 = arith.mulf %exp3A, %get3A_135 : vector<16xf32>
        %swap3A_212 = arith.index_cast %scan3A_94 : i32 to index
        %swap3A_213 = arith.constant 32 : index
        %swap3A_214 = tpu.vector_load %arg13[%swap3A_212, %swap3A_213] {strides = array<i32>} : memref<80x128xf32, #tpu.memory_space<vmem>>, vector<1x16xf32>,
        %swap3A_215 = vector.shape_cast %swap3A_214 : vector<1x16xf32> to vector<16xf32>
        %swap3A_216 = vector.shape_cast %mul3A_211 : vector<16xf32> to vector<1x16xf32>
        tpu.vector_store %arg13[%swap3A_212, %swap3A_213], %swap3A_216 {strides = array<i32>} : memref<80x128xf32, #tpu.memory_space<vmem>>, vector<1x16xf32>,
        %mul3A_217 = arith.mulf %exp3A, %get3A_154 : vector<16xf32>
        %swap3A_218 = arith.index_cast %scan3A_94 : i32 to index
        %swap3A_219 = arith.constant 48 : index
        %swap3A_220 = tpu.vector_load %arg13[%swap3A_218, %swap3A_219] {strides = array<i32>} : memref<80x128xf32, #tpu.memory_space<vmem>>, vector<1x16xf32>,
        %swap3A_221 = vector.shape_cast %swap3A_220 : vector<1x16xf32> to vector<16xf32>
        %swap3A_222 = vector.shape_cast %mul3A_217 : vector<16xf32> to vector<1x16xf32>
        tpu.vector_store %arg13[%swap3A_218, %swap3A_219], %swap3A_222 {strides = array<i32>} : memref<80x128xf32, #tpu.memory_space<vmem>>, vector<1x16xf32>,
        %eq3A_223 = arith.constant 0 : i32
        %eq3A_224 = vector.broadcast %eq3A_223 : i32 to vector<16xi32>
        %eq3A_225 = arith.cmpi eq, %iota3A, %eq3A_224 : vector<16xi32>
        %select_n3A = arith.select %eq3A_225, %exp3A, %broadcast_in_dim3A_0 : vector<16xi1>, vector<16xf32>
        %swap3A_226 = arith.index_cast %scan3A_94 : i32 to index
        %swap3A_227 = arith.constant 64 : index
        %swap3A_228 = tpu.vector_load %arg13[%swap3A_226, %swap3A_227] {strides = array<i32>} : memref<80x128xf32, #tpu.memory_space<vmem>>, vector<1x16xf32>,
        %swap3A_229 = vector.shape_cast %swap3A_228 : vector<1x16xf32> to vector<16xf32>
        %swap3A_230 = vector.shape_cast %select_n3A : vector<16xf32> to vector<1x16xf32>
        tpu.vector_store %arg13[%swap3A_226, %swap3A_227], %swap3A_230 {strides = array<i32>} : memref<80x128xf32, #tpu.memory_space<vmem>>, vector<1x16xf32>,
      }
      %scan3A_90 = arith.constant 80 : i32
      %dma_start3A_91 = arith.constant 0 : i32
      %dma_start3A_92 = arith.constant 0 : i32
      %dma_start3A_93 = tpu.memref_slice %arg15[%dma_start3A_91, %dma_start3A_92] : memref<10000x128xf32, #tpu.memory_space<vmem_shared>> -> memref<10000x128xf32, #tpu.memory_space<vmem_shared>>
      tpu.enqueue_indirect_dma source(%arg13 : memref<80x128xf32, #tpu.memory_space<vmem>>) target(%dma_start3A_93 : memref<10000x128xf32, #tpu.memory_space<vmem_shared>>) offsets(%arg9 : memref<80xi32, #tpu.memory_space<vmem>>) semaphore(%arg19 : memref<!tpu.dma_semaphore, #tpu.memory_space<semaphore_mem>>) {add = true}
    }
    %scan3A_47 = arith.constant 125 : i32
    %dma_wait3A = arith.constant 0 : i32
    %dma_wait3A_48 = arith.constant 0 : i32
    %dma_wait3A_49 = tpu.memref_slice %arg15[%dma_wait3A, %dma_wait3A_48] : memref<10000x128xf32, #tpu.memory_space<vmem_shared>> -> memref<10000x128xf32, #tpu.memory_space<vmem_shared>>
    tpu.wait_indirect_dma semaphore(%arg19 : memref<!tpu.dma_semaphore, #tpu.memory_space<semaphore_mem>>) src(%arg13 : memref<80x128xf32, #tpu.memory_space<vmem>>) dst(%dma_wait3A_49 : memref<10000x128xf32, #tpu.memory_space<vmem_shared>>)
    %barrier3A_50 = arith.constant 0 : index
    tpu.barrier barrier_id(%barrier3A_50)
    %mul3A_51 = arith.constant 624 : i32
    %mul3A_52 = arith.muli %arg1, %mul3A_51 : i32
    "tpu.region"() ({
      %run_scoped3A = tpu.sem_alloc : memref<!tpu.dma_semaphore, #tpu.memory_space<semaphore_mem>>
      %dma_start3A = arith.constant 0 : i32
      %dma_start3A_58 = tpu.memref_slice %arg7[%arg0, %mul3A_52, %dma_start3A] : memref<2x10000x128xf32, #tpu.memory_space<hbm>> -> memref<1x624x128xf32, #tpu.memory_space<hbm>>
      %dma_start3A_59 = tpu.memref_squeeze %dma_start3A_58 : memref<1x624x128xf32, #tpu.memory_space<hbm>> -> memref<624x128xf32, #tpu.memory_space<hbm>>
      %dma_start3A_60 = arith.constant 0 : i32
      %dma_start3A_61 = tpu.memref_slice %arg15[%mul3A_52, %dma_start3A_60] : memref<10000x128xf32, #tpu.memory_space<vmem_shared>> -> memref<624x128xf32, #tpu.memory_space<vmem_shared>>
      tpu.enqueue_dma source(%dma_start3A_61 : memref<624x128xf32, #tpu.memory_space<vmem_shared>>) target(%dma_start3A_59 : memref<624x128xf32, #tpu.memory_space<hbm>>) target_semaphore(%run_scoped3A : memref<!tpu.dma_semaphore, #tpu.memory_space<semaphore_mem>>)
      %dma_wait3A_62 = arith.constant 0 : i32
      %dma_wait3A_63 = tpu.memref_slice %arg7[%arg0, %mul3A_52, %dma_wait3A_62] : memref<2x10000x128xf32, #tpu.memory_space<hbm>> -> memref<1x624x128xf32, #tpu.memory_space<hbm>>
      %dma_wait3A_64 = tpu.memref_squeeze %dma_wait3A_63 : memref<1x624x128xf32, #tpu.memory_space<hbm>> -> memref<624x128xf32, #tpu.memory_space<hbm>>
      %dma_wait3A_65 = arith.constant 0 : i32
      %dma_wait3A_66 = tpu.memref_slice %arg15[%mul3A_52, %dma_wait3A_65] : memref<10000x128xf32, #tpu.memory_space<vmem_shared>> -> memref<624x128xf32, #tpu.memory_space<vmem_shared>>
      tpu.wait_dma2 semaphore(%run_scoped3A : memref<!tpu.dma_semaphore, #tpu.memory_space<semaphore_mem>>) src(%dma_wait3A_66 : memref<624x128xf32, #tpu.memory_space<vmem_shared>>) dst(%dma_wait3A_64 : memref<624x128xf32, #tpu.memory_space<hbm>>)
      tpu.yield
    }) : () -> ()
    %eq3A_53 = arith.constant 15 : i32
    %eq3A_54 = arith.cmpi eq, %arg1, %eq3A_53 : i32
    %convert_element_type3A_55 = arith.extui %eq3A_54 : i1 to i32
    %cond3A_56 = arith.constant 0 : i32
    %cond3A_57 = arith.cmpi ne, %convert_element_type3A_55, %cond3A_56 : i32
    scf.if %cond3A_57 {
      "tpu.region"() ({
        %run_scoped3A = tpu.sem_alloc : memref<!tpu.dma_semaphore, #tpu.memory_space<semaphore_mem>>
        %dma_start3A = arith.constant 9984 : i32
        %dma_start3A_58 = arith.constant 0 : i32
        %dma_start3A_59 = tpu.memref_slice %arg7[%arg0, %dma_start3A, %dma_start3A_58] : memref<2x10000x128xf32, #tpu.memory_space<hbm>> -> memref<1x16x128xf32, #tpu.memory_space<hbm>>
        %dma_start3A_60 = tpu.memref_squeeze %dma_start3A_59 : memref<1x16x128xf32, #tpu.memory_space<hbm>> -> memref<16x128xf32, #tpu.memory_space<hbm>>
        %dma_start3A_61 = arith.constant 9984 : i32
        %dma_start3A_62 = arith.constant 0 : i32
        %dma_start3A_63 = tpu.memref_slice %arg15[%dma_start3A_61, %dma_start3A_62] : memref<10000x128xf32, #tpu.memory_space<vmem_shared>> -> memref<16x128xf32, #tpu.memory_space<vmem_shared>>
        tpu.enqueue_dma source(%dma_start3A_63 : memref<16x128xf32, #tpu.memory_space<vmem_shared>>) target(%dma_start3A_60 : memref<16x128xf32, #tpu.memory_space<hbm>>) target_semaphore(%run_scoped3A : memref<!tpu.dma_semaphore, #tpu.memory_space<semaphore_mem>>)
        %dma_wait3A_64 = arith.constant 9984 : i32
        %dma_wait3A_65 = arith.constant 0 : i32
        %dma_wait3A_66 = tpu.memref_slice %arg7[%arg0, %dma_wait3A_64, %dma_wait3A_65] : memref<2x10000x128xf32, #tpu.memory_space<hbm>> -> memref<1x16x128xf32, #tpu.memory_space<hbm>>
        %dma_wait3A_67 = tpu.memref_squeeze %dma_wait3A_66 : memref<1x16x128xf32, #tpu.memory_space<hbm>> -> memref<16x128xf32, #tpu.memory_space<hbm>>
        %dma_wait3A_68 = arith.constant 9984 : i32
        %dma_wait3A_69 = arith.constant 0 : i32
        %dma_wait3A_70 = tpu.memref_slice %arg15[%dma_wait3A_68, %dma_wait3A_69] : memref<10000x128xf32, #tpu.memory_space<vmem_shared>> -> memref<16x128xf32, #tpu.memory_space<vmem_shared>>
        tpu.wait_dma2 semaphore(%run_scoped3A : memref<!tpu.dma_semaphore, #tpu.memory_space<semaphore_mem>>) src(%dma_wait3A_70 : memref<16x128xf32, #tpu.memory_space<vmem_shared>>) dst(%dma_wait3A_67 : memref<16x128xf32, #tpu.memory_space<hbm>>)
        tpu.yield
      }) : () -> ()
    } else {
    }
    return
  }
}

#map = affine_map<(d0, d1) -> (0, 0)>
#map1 = affine_map<(d0, d1) -> (0)>
#map2 = affine_map<(d0, d1) -> (0, 0, 0)>
module attributes {stable_mosaic.version = 14 : i64} {
  func.func @k(%arg0: i32, %arg1: i32, %arg2: memref<10000x128xf32, #tpu.memory_space<hbm>>, %arg3: memref<10000x128xf32, #tpu.memory_space<hbm>>, %arg4: memref<320000x128xf32, #tpu.memory_space<hbm>>, %arg5: memref<320000xi32, #tpu.memory_space<hbm>>, %arg6: memref<320000xi32, #tpu.memory_space<hbm>>, %arg7: memref<128xf32, #tpu.memory_space<hbm>>, %arg8: memref<2x10000x128xf32, #tpu.memory_space<hbm>>, %arg9: memref<2x320x128xf32, #tpu.memory_space<hbm>>, %arg10: memref<80xi32, #tpu.memory_space<vmem>>, %arg11: memref<80xi32, #tpu.memory_space<vmem>>, %arg12: memref<80xi32, #tpu.memory_space<vmem>>, %arg13: memref<80x128xf32, #tpu.memory_space<vmem>>, %arg14: memref<80x128xf32, #tpu.memory_space<vmem>>, %arg15: memref<80x128xf32, #tpu.memory_space<vmem>>, %arg16: memref<80x128xf32, #tpu.memory_space<vmem>>, %arg17: memref<128xf32, #tpu.memory_space<vmem>>, %arg18: memref<10000x128xf32, #tpu.memory_space<vmem_shared>>, %arg19: memref<320x128xf32, #tpu.memory_space<vmem_shared>>, %arg20: memref<!tpu.dma_semaphore, #tpu.memory_space<semaphore_mem>>, %arg21: memref<!tpu.dma_semaphore, #tpu.memory_space<semaphore_mem>>, %arg22: memref<!tpu.dma_semaphore, #tpu.memory_space<semaphore_mem>>, %arg23: memref<!tpu.dma_semaphore, #tpu.memory_space<semaphore_mem>>, %arg24: memref<!tpu.dma_semaphore, #tpu.memory_space<semaphore_mem>>) attributes {dimension_semantics = [#tpu.dimension_semantics<core_parallel>, #tpu.dimension_semantics<subcore_parallel>], iteration_bounds = array<i64: 2, 16>, scalar_prefetch = 0 : i64, scratch_operands = 15 : i64, tpu.core_type = #tpu.core_type<sc_vector_subcore>, window_params = [{transform_indices = #map}, {transform_indices = #map}, {transform_indices = #map}, {transform_indices = #map1}, {transform_indices = #map1}, {transform_indices = #map1}, {transform_indices = #map2}, {transform_indices = #map2}]} {
    %broadcast_in_dim3A = arith.constant 0.000000e+00 : f32
    %broadcast_in_dim3A_0 = vector.broadcast %broadcast_in_dim3A : f32 to vector<16xf32>
    %broadcast_in_dim3A_1 = arith.constant 0.000000e+00 : f32
    %broadcast_in_dim3A_2 = vector.broadcast %broadcast_in_dim3A_1 : f32 to vector<16xf32>
    %scan3A = arith.constant 0 : i32
    %scan3A_3 = arith.constant 0 : i32
    %scan3A_4 = arith.constant 640 : i32
    %scan3A_5 = arith.addi %scan3A_3, %scan3A_4 : i32
    %scan3A_6 = arith.constant 1 : i32
    scf.for %scan3A_82 = %scan3A_3 to %scan3A_5 step %scan3A_6  : i32 {
      %jit3A = arith.constant 8 : i32
      %div3A = arith.divsi %scan3A_82, %jit3A : i32
      %sign3A = arith.constant 0 : i32
      %sign3A_83 = arith.cmpi sgt, %scan3A_82, %sign3A : i32
      %sign3A_84 = arith.extui %sign3A_83 : i1 to i32
      %sign3A_85 = arith.constant 0 : i32
      %sign3A_86 = arith.cmpi slt, %scan3A_82, %sign3A_85 : i32
      %sign3A_87 = arith.extui %sign3A_86 : i1 to i32
      %sign3A_88 = arith.subi %sign3A_84, %sign3A_87 : i32
      %sign3A_89 = arith.constant 0 : i32
      %sign3A_90 = arith.cmpi sgt, %jit3A, %sign3A_89 : i32
      %sign3A_91 = arith.extui %sign3A_90 : i1 to i32
      %sign3A_92 = arith.constant 0 : i32
      %sign3A_93 = arith.cmpi slt, %jit3A, %sign3A_92 : i32
      %sign3A_94 = arith.extui %sign3A_93 : i1 to i32
      %sign3A_95 = arith.subi %sign3A_91, %sign3A_94 : i32
      %ne3A = arith.cmpi ne, %sign3A_88, %sign3A_95 : i32
      %rem3A = arith.remsi %scan3A_82, %jit3A : i32
      %ne3A_96 = arith.constant 0 : i32
      %ne3A_97 = arith.cmpi ne, %rem3A, %ne3A_96 : i32
      %and3A = arith.andi %ne3A, %ne3A_97 : i1
      %sub3A = arith.constant 1 : i32
      %sub3A_98 = arith.subi %div3A, %sub3A : i32
      %select_n3A = arith.select %and3A, %sub3A_98, %div3A : i32
      %jit3A_99 = arith.constant 8 : i32
      %eq3A_100 = arith.constant 0 : i32
      %eq3A_101 = arith.cmpi eq, %jit3A_99, %eq3A_100 : i32
      %jit3A_102 = arith.constant 1 : i32
      %select_n3A_103 = arith.select %eq3A_101, %jit3A_102, %jit3A_99 : i32
      %rem3A_104 = arith.remsi %scan3A_82, %select_n3A_103 : i32
      %ne3A_105 = arith.constant 0 : i32
      %ne3A_106 = arith.cmpi ne, %rem3A_104, %ne3A_105 : i32
      %lt3A_107 = arith.constant 0 : i32
      %lt3A_108 = arith.cmpi slt, %rem3A_104, %lt3A_107 : i32
      %lt3A_109 = arith.constant 0 : i32
      %lt3A_110 = arith.cmpi slt, %select_n3A_103, %lt3A_109 : i32
      %ne3A_111 = arith.xori %lt3A_108, %lt3A_110 : i1
      %and3A_112 = arith.andi %ne3A_111, %ne3A_106 : i1
      %add3A_113 = arith.addi %rem3A_104, %select_n3A_103 : i32
      %select_n3A_114 = arith.select %and3A_112, %add3A_113, %rem3A_104 : i32
      %mul3A_115 = arith.constant 16 : i32
      %mul3A_116 = arith.muli %select_n3A_114, %mul3A_115 : i32
      %swap3A = arith.index_cast %select_n3A : i32 to index
      %swap3A_117 = arith.index_cast %mul3A_116 : i32 to index
      %swap3A_118 = tpu.vector_load %arg16[%swap3A, %swap3A_117] {strides = array<i32>} : memref<80x128xf32, #tpu.memory_space<vmem>>, vector<1x16xf32>,
      %swap3A_119 = vector.shape_cast %swap3A_118 : vector<1x16xf32> to vector<16xf32>
      %swap3A_120 = vector.shape_cast %broadcast_in_dim3A_2 : vector<16xf32> to vector<1x16xf32>
      tpu.vector_store %arg16[%swap3A, %swap3A_117], %swap3A_120 {strides = array<i32>} : memref<80x128xf32, #tpu.memory_space<vmem>>, vector<1x16xf32>,
    }
    %scan3A_7 = arith.constant 640 : i32
    %mul3A = arith.constant 624 : i32
    %mul3A_8 = arith.muli %arg1, %mul3A : i32
    %add3A = arith.constant 0 : i32
    %add3A_9 = arith.addi %mul3A_8, %add3A : i32
    "tpu.region"() ({
      %run_scoped3A = tpu.sem_alloc : memref<!tpu.dma_semaphore, #tpu.memory_space<semaphore_mem>>
      %dma_start3A = arith.constant 0 : i32
      %dma_start3A_82 = tpu.memref_slice %arg18[%add3A_9, %dma_start3A] : memref<10000x128xf32, #tpu.memory_space<vmem_shared>> -> memref<80x128xf32, #tpu.memory_space<vmem_shared>>
      %dma_start3A_83 = arith.constant 0 : i32
      %dma_start3A_84 = tpu.memref_slice %arg18[%add3A_9, %dma_start3A_83] : memref<10000x128xf32, #tpu.memory_space<vmem_shared>> -> memref<80x128xf32, #tpu.memory_space<vmem_shared>>
      tpu.enqueue_dma source(%arg16 : memref<80x128xf32, #tpu.memory_space<vmem>>) target(%dma_start3A_84 : memref<80x128xf32, #tpu.memory_space<vmem_shared>>) target_semaphore(%run_scoped3A : memref<!tpu.dma_semaphore, #tpu.memory_space<semaphore_mem>>)
      %dma_wait3A_85 = arith.constant 0 : i32
      %dma_wait3A_86 = tpu.memref_slice %arg18[%add3A_9, %dma_wait3A_85] : memref<10000x128xf32, #tpu.memory_space<vmem_shared>> -> memref<80x128xf32, #tpu.memory_space<vmem_shared>>
      %dma_wait3A_87 = arith.constant 0 : i32
      %dma_wait3A_88 = tpu.memref_slice %arg18[%add3A_9, %dma_wait3A_87] : memref<10000x128xf32, #tpu.memory_space<vmem_shared>> -> memref<80x128xf32, #tpu.memory_space<vmem_shared>>
      tpu.wait_dma2 semaphore(%run_scoped3A : memref<!tpu.dma_semaphore, #tpu.memory_space<semaphore_mem>>) src(%arg16 : memref<80x128xf32, #tpu.memory_space<vmem>>) dst(%dma_wait3A_88 : memref<80x128xf32, #tpu.memory_space<vmem_shared>>)
      tpu.yield
    }) : () -> ()
    %add3A_10 = arith.constant 80 : i32
    %add3A_11 = arith.addi %mul3A_8, %add3A_10 : i32
    "tpu.region"() ({
      %run_scoped3A = tpu.sem_alloc : memref<!tpu.dma_semaphore, #tpu.memory_space<semaphore_mem>>
      %dma_start3A = arith.constant 0 : i32
      %dma_start3A_82 = tpu.memref_slice %arg18[%add3A_11, %dma_start3A] : memref<10000x128xf32, #tpu.memory_space<vmem_shared>> -> memref<80x128xf32, #tpu.memory_space<vmem_shared>>
      %dma_start3A_83 = arith.constant 0 : i32
      %dma_start3A_84 = tpu.memref_slice %arg18[%add3A_11, %dma_start3A_83] : memref<10000x128xf32, #tpu.memory_space<vmem_shared>> -> memref<80x128xf32, #tpu.memory_space<vmem_shared>>
      tpu.enqueue_dma source(%arg16 : memref<80x128xf32, #tpu.memory_space<vmem>>) target(%dma_start3A_84 : memref<80x128xf32, #tpu.memory_space<vmem_shared>>) target_semaphore(%run_scoped3A : memref<!tpu.dma_semaphore, #tpu.memory_space<semaphore_mem>>)
      %dma_wait3A_85 = arith.constant 0 : i32
      %dma_wait3A_86 = tpu.memref_slice %arg18[%add3A_11, %dma_wait3A_85] : memref<10000x128xf32, #tpu.memory_space<vmem_shared>> -> memref<80x128xf32, #tpu.memory_space<vmem_shared>>
      %dma_wait3A_87 = arith.constant 0 : i32
      %dma_wait3A_88 = tpu.memref_slice %arg18[%add3A_11, %dma_wait3A_87] : memref<10000x128xf32, #tpu.memory_space<vmem_shared>> -> memref<80x128xf32, #tpu.memory_space<vmem_shared>>
      tpu.wait_dma2 semaphore(%run_scoped3A : memref<!tpu.dma_semaphore, #tpu.memory_space<semaphore_mem>>) src(%arg16 : memref<80x128xf32, #tpu.memory_space<vmem>>) dst(%dma_wait3A_88 : memref<80x128xf32, #tpu.memory_space<vmem_shared>>)
      tpu.yield
    }) : () -> ()
    %add3A_12 = arith.constant 160 : i32
    %add3A_13 = arith.addi %mul3A_8, %add3A_12 : i32
    "tpu.region"() ({
      %run_scoped3A = tpu.sem_alloc : memref<!tpu.dma_semaphore, #tpu.memory_space<semaphore_mem>>
      %dma_start3A = arith.constant 0 : i32
      %dma_start3A_82 = tpu.memref_slice %arg18[%add3A_13, %dma_start3A] : memref<10000x128xf32, #tpu.memory_space<vmem_shared>> -> memref<80x128xf32, #tpu.memory_space<vmem_shared>>
      %dma_start3A_83 = arith.constant 0 : i32
      %dma_start3A_84 = tpu.memref_slice %arg18[%add3A_13, %dma_start3A_83] : memref<10000x128xf32, #tpu.memory_space<vmem_shared>> -> memref<80x128xf32, #tpu.memory_space<vmem_shared>>
      tpu.enqueue_dma source(%arg16 : memref<80x128xf32, #tpu.memory_space<vmem>>) target(%dma_start3A_84 : memref<80x128xf32, #tpu.memory_space<vmem_shared>>) target_semaphore(%run_scoped3A : memref<!tpu.dma_semaphore, #tpu.memory_space<semaphore_mem>>)
      %dma_wait3A_85 = arith.constant 0 : i32
      %dma_wait3A_86 = tpu.memref_slice %arg18[%add3A_13, %dma_wait3A_85] : memref<10000x128xf32, #tpu.memory_space<vmem_shared>> -> memref<80x128xf32, #tpu.memory_space<vmem_shared>>
      %dma_wait3A_87 = arith.constant 0 : i32
      %dma_wait3A_88 = tpu.memref_slice %arg18[%add3A_13, %dma_wait3A_87] : memref<10000x128xf32, #tpu.memory_space<vmem_shared>> -> memref<80x128xf32, #tpu.memory_space<vmem_shared>>
      tpu.wait_dma2 semaphore(%run_scoped3A : memref<!tpu.dma_semaphore, #tpu.memory_space<semaphore_mem>>) src(%arg16 : memref<80x128xf32, #tpu.memory_space<vmem>>) dst(%dma_wait3A_88 : memref<80x128xf32, #tpu.memory_space<vmem_shared>>)
      tpu.yield
    }) : () -> ()
    %add3A_14 = arith.constant 240 : i32
    %add3A_15 = arith.addi %mul3A_8, %add3A_14 : i32
    "tpu.region"() ({
      %run_scoped3A = tpu.sem_alloc : memref<!tpu.dma_semaphore, #tpu.memory_space<semaphore_mem>>
      %dma_start3A = arith.constant 0 : i32
      %dma_start3A_82 = tpu.memref_slice %arg18[%add3A_15, %dma_start3A] : memref<10000x128xf32, #tpu.memory_space<vmem_shared>> -> memref<80x128xf32, #tpu.memory_space<vmem_shared>>
      %dma_start3A_83 = arith.constant 0 : i32
      %dma_start3A_84 = tpu.memref_slice %arg18[%add3A_15, %dma_start3A_83] : memref<10000x128xf32, #tpu.memory_space<vmem_shared>> -> memref<80x128xf32, #tpu.memory_space<vmem_shared>>
      tpu.enqueue_dma source(%arg16 : memref<80x128xf32, #tpu.memory_space<vmem>>) target(%dma_start3A_84 : memref<80x128xf32, #tpu.memory_space<vmem_shared>>) target_semaphore(%run_scoped3A : memref<!tpu.dma_semaphore, #tpu.memory_space<semaphore_mem>>)
      %dma_wait3A_85 = arith.constant 0 : i32
      %dma_wait3A_86 = tpu.memref_slice %arg18[%add3A_15, %dma_wait3A_85] : memref<10000x128xf32, #tpu.memory_space<vmem_shared>> -> memref<80x128xf32, #tpu.memory_space<vmem_shared>>
      %dma_wait3A_87 = arith.constant 0 : i32
      %dma_wait3A_88 = tpu.memref_slice %arg18[%add3A_15, %dma_wait3A_87] : memref<10000x128xf32, #tpu.memory_space<vmem_shared>> -> memref<80x128xf32, #tpu.memory_space<vmem_shared>>
      tpu.wait_dma2 semaphore(%run_scoped3A : memref<!tpu.dma_semaphore, #tpu.memory_space<semaphore_mem>>) src(%arg16 : memref<80x128xf32, #tpu.memory_space<vmem>>) dst(%dma_wait3A_88 : memref<80x128xf32, #tpu.memory_space<vmem_shared>>)
      tpu.yield
    }) : () -> ()
    %add3A_16 = arith.constant 320 : i32
    %add3A_17 = arith.addi %mul3A_8, %add3A_16 : i32
    "tpu.region"() ({
      %run_scoped3A = tpu.sem_alloc : memref<!tpu.dma_semaphore, #tpu.memory_space<semaphore_mem>>
      %dma_start3A = arith.constant 0 : i32
      %dma_start3A_82 = tpu.memref_slice %arg18[%add3A_17, %dma_start3A] : memref<10000x128xf32, #tpu.memory_space<vmem_shared>> -> memref<80x128xf32, #tpu.memory_space<vmem_shared>>
      %dma_start3A_83 = arith.constant 0 : i32
      %dma_start3A_84 = tpu.memref_slice %arg18[%add3A_17, %dma_start3A_83] : memref<10000x128xf32, #tpu.memory_space<vmem_shared>> -> memref<80x128xf32, #tpu.memory_space<vmem_shared>>
      tpu.enqueue_dma source(%arg16 : memref<80x128xf32, #tpu.memory_space<vmem>>) target(%dma_start3A_84 : memref<80x128xf32, #tpu.memory_space<vmem_shared>>) target_semaphore(%run_scoped3A : memref<!tpu.dma_semaphore, #tpu.memory_space<semaphore_mem>>)
      %dma_wait3A_85 = arith.constant 0 : i32
      %dma_wait3A_86 = tpu.memref_slice %arg18[%add3A_17, %dma_wait3A_85] : memref<10000x128xf32, #tpu.memory_space<vmem_shared>> -> memref<80x128xf32, #tpu.memory_space<vmem_shared>>
      %dma_wait3A_87 = arith.constant 0 : i32
      %dma_wait3A_88 = tpu.memref_slice %arg18[%add3A_17, %dma_wait3A_87] : memref<10000x128xf32, #tpu.memory_space<vmem_shared>> -> memref<80x128xf32, #tpu.memory_space<vmem_shared>>
      tpu.wait_dma2 semaphore(%run_scoped3A : memref<!tpu.dma_semaphore, #tpu.memory_space<semaphore_mem>>) src(%arg16 : memref<80x128xf32, #tpu.memory_space<vmem>>) dst(%dma_wait3A_88 : memref<80x128xf32, #tpu.memory_space<vmem_shared>>)
      tpu.yield
    }) : () -> ()
    %add3A_18 = arith.constant 400 : i32
    %add3A_19 = arith.addi %mul3A_8, %add3A_18 : i32
    "tpu.region"() ({
      %run_scoped3A = tpu.sem_alloc : memref<!tpu.dma_semaphore, #tpu.memory_space<semaphore_mem>>
      %dma_start3A = arith.constant 0 : i32
      %dma_start3A_82 = tpu.memref_slice %arg18[%add3A_19, %dma_start3A] : memref<10000x128xf32, #tpu.memory_space<vmem_shared>> -> memref<80x128xf32, #tpu.memory_space<vmem_shared>>
      %dma_start3A_83 = arith.constant 0 : i32
      %dma_start3A_84 = tpu.memref_slice %arg18[%add3A_19, %dma_start3A_83] : memref<10000x128xf32, #tpu.memory_space<vmem_shared>> -> memref<80x128xf32, #tpu.memory_space<vmem_shared>>
      tpu.enqueue_dma source(%arg16 : memref<80x128xf32, #tpu.memory_space<vmem>>) target(%dma_start3A_84 : memref<80x128xf32, #tpu.memory_space<vmem_shared>>) target_semaphore(%run_scoped3A : memref<!tpu.dma_semaphore, #tpu.memory_space<semaphore_mem>>)
      %dma_wait3A_85 = arith.constant 0 : i32
      %dma_wait3A_86 = tpu.memref_slice %arg18[%add3A_19, %dma_wait3A_85] : memref<10000x128xf32, #tpu.memory_space<vmem_shared>> -> memref<80x128xf32, #tpu.memory_space<vmem_shared>>
      %dma_wait3A_87 = arith.constant 0 : i32
      %dma_wait3A_88 = tpu.memref_slice %arg18[%add3A_19, %dma_wait3A_87] : memref<10000x128xf32, #tpu.memory_space<vmem_shared>> -> memref<80x128xf32, #tpu.memory_space<vmem_shared>>
      tpu.wait_dma2 semaphore(%run_scoped3A : memref<!tpu.dma_semaphore, #tpu.memory_space<semaphore_mem>>) src(%arg16 : memref<80x128xf32, #tpu.memory_space<vmem>>) dst(%dma_wait3A_88 : memref<80x128xf32, #tpu.memory_space<vmem_shared>>)
      tpu.yield
    }) : () -> ()
    %add3A_20 = arith.constant 480 : i32
    %add3A_21 = arith.addi %mul3A_8, %add3A_20 : i32
    "tpu.region"() ({
      %run_scoped3A = tpu.sem_alloc : memref<!tpu.dma_semaphore, #tpu.memory_space<semaphore_mem>>
      %dma_start3A = arith.constant 0 : i32
      %dma_start3A_82 = tpu.memref_slice %arg18[%add3A_21, %dma_start3A] : memref<10000x128xf32, #tpu.memory_space<vmem_shared>> -> memref<80x128xf32, #tpu.memory_space<vmem_shared>>
      %dma_start3A_83 = arith.constant 0 : i32
      %dma_start3A_84 = tpu.memref_slice %arg18[%add3A_21, %dma_start3A_83] : memref<10000x128xf32, #tpu.memory_space<vmem_shared>> -> memref<80x128xf32, #tpu.memory_space<vmem_shared>>
      tpu.enqueue_dma source(%arg16 : memref<80x128xf32, #tpu.memory_space<vmem>>) target(%dma_start3A_84 : memref<80x128xf32, #tpu.memory_space<vmem_shared>>) target_semaphore(%run_scoped3A : memref<!tpu.dma_semaphore, #tpu.memory_space<semaphore_mem>>)
      %dma_wait3A_85 = arith.constant 0 : i32
      %dma_wait3A_86 = tpu.memref_slice %arg18[%add3A_21, %dma_wait3A_85] : memref<10000x128xf32, #tpu.memory_space<vmem_shared>> -> memref<80x128xf32, #tpu.memory_space<vmem_shared>>
      %dma_wait3A_87 = arith.constant 0 : i32
      %dma_wait3A_88 = tpu.memref_slice %arg18[%add3A_21, %dma_wait3A_87] : memref<10000x128xf32, #tpu.memory_space<vmem_shared>> -> memref<80x128xf32, #tpu.memory_space<vmem_shared>>
      tpu.wait_dma2 semaphore(%run_scoped3A : memref<!tpu.dma_semaphore, #tpu.memory_space<semaphore_mem>>) src(%arg16 : memref<80x128xf32, #tpu.memory_space<vmem>>) dst(%dma_wait3A_88 : memref<80x128xf32, #tpu.memory_space<vmem_shared>>)
      tpu.yield
    }) : () -> ()
    %add3A_22 = arith.constant 560 : i32
    %add3A_23 = arith.addi %mul3A_8, %add3A_22 : i32
    "tpu.region"() ({
      %run_scoped3A = tpu.sem_alloc : memref<!tpu.dma_semaphore, #tpu.memory_space<semaphore_mem>>
      %dma_start3A = arith.constant 0 : i32
      %dma_start3A_82 = arith.constant 0 : i32
      %dma_start3A_83 = tpu.memref_slice %arg16[%dma_start3A, %dma_start3A_82] : memref<80x128xf32, #tpu.memory_space<vmem>> -> memref<64x128xf32, #tpu.memory_space<vmem>>
      %dma_start3A_84 = arith.constant 0 : i32
      %dma_start3A_85 = tpu.memref_slice %arg18[%add3A_23, %dma_start3A_84] : memref<10000x128xf32, #tpu.memory_space<vmem_shared>> -> memref<64x128xf32, #tpu.memory_space<vmem_shared>>
      %dma_start3A_86 = arith.constant 0 : i32
      %dma_start3A_87 = tpu.memref_slice %arg18[%add3A_23, %dma_start3A_86] : memref<10000x128xf32, #tpu.memory_space<vmem_shared>> -> memref<64x128xf32, #tpu.memory_space<vmem_shared>>
      %dma_start3A_88 = arith.constant 0 : i32
      %dma_start3A_89 = arith.constant 0 : i32
      %dma_start3A_90 = tpu.memref_slice %arg16[%dma_start3A_88, %dma_start3A_89] : memref<80x128xf32, #tpu.memory_space<vmem>> -> memref<64x128xf32, #tpu.memory_space<vmem>>
      tpu.enqueue_dma source(%dma_start3A_90 : memref<64x128xf32, #tpu.memory_space<vmem>>) target(%dma_start3A_87 : memref<64x128xf32, #tpu.memory_space<vmem_shared>>) target_semaphore(%run_scoped3A : memref<!tpu.dma_semaphore, #tpu.memory_space<semaphore_mem>>)
      %dma_wait3A_91 = arith.constant 0 : i32
      %dma_wait3A_92 = arith.constant 0 : i32
      %dma_wait3A_93 = tpu.memref_slice %arg16[%dma_wait3A_91, %dma_wait3A_92] : memref<80x128xf32, #tpu.memory_space<vmem>> -> memref<64x128xf32, #tpu.memory_space<vmem>>
      %dma_wait3A_94 = arith.constant 0 : i32
      %dma_wait3A_95 = tpu.memref_slice %arg18[%add3A_23, %dma_wait3A_94] : memref<10000x128xf32, #tpu.memory_space<vmem_shared>> -> memref<64x128xf32, #tpu.memory_space<vmem_shared>>
      %dma_wait3A_96 = arith.constant 0 : i32
      %dma_wait3A_97 = tpu.memref_slice %arg18[%add3A_23, %dma_wait3A_96] : memref<10000x128xf32, #tpu.memory_space<vmem_shared>> -> memref<64x128xf32, #tpu.memory_space<vmem_shared>>
      %dma_wait3A_98 = arith.constant 0 : i32
      %dma_wait3A_99 = arith.constant 0 : i32
      %dma_wait3A_100 = tpu.memref_slice %arg16[%dma_wait3A_98, %dma_wait3A_99] : memref<80x128xf32, #tpu.memory_space<vmem>> -> memref<64x128xf32, #tpu.memory_space<vmem>>
      tpu.wait_dma2 semaphore(%run_scoped3A : memref<!tpu.dma_semaphore, #tpu.memory_space<semaphore_mem>>) src(%dma_wait3A_100 : memref<64x128xf32, #tpu.memory_space<vmem>>) dst(%dma_wait3A_97 : memref<64x128xf32, #tpu.memory_space<vmem_shared>>)
      tpu.yield
    }) : () -> ()
    %eq3A = arith.constant 15 : i32
    %eq3A_24 = arith.cmpi eq, %arg1, %eq3A : i32
    %convert_element_type3A = arith.extui %eq3A_24 : i1 to i32
    %cond3A = arith.constant 0 : i32
    %cond3A_25 = arith.cmpi ne, %convert_element_type3A, %cond3A : i32
    scf.if %cond3A_25 {
      "tpu.region"() ({
        %run_scoped3A = tpu.sem_alloc : memref<!tpu.dma_semaphore, #tpu.memory_space<semaphore_mem>>
        %dma_start3A = arith.constant 0 : i32
        %dma_start3A_82 = arith.constant 0 : i32
        %dma_start3A_83 = tpu.memref_slice %arg16[%dma_start3A, %dma_start3A_82] : memref<80x128xf32, #tpu.memory_space<vmem>> -> memref<16x128xf32, #tpu.memory_space<vmem>>
        %dma_start3A_84 = arith.constant 9984 : i32
        %dma_start3A_85 = arith.constant 0 : i32
        %dma_start3A_86 = tpu.memref_slice %arg18[%dma_start3A_84, %dma_start3A_85] : memref<10000x128xf32, #tpu.memory_space<vmem_shared>> -> memref<16x128xf32, #tpu.memory_space<vmem_shared>>
        %dma_start3A_87 = arith.constant 9984 : i32
        %dma_start3A_88 = arith.constant 0 : i32
        %dma_start3A_89 = tpu.memref_slice %arg18[%dma_start3A_87, %dma_start3A_88] : memref<10000x128xf32, #tpu.memory_space<vmem_shared>> -> memref<16x128xf32, #tpu.memory_space<vmem_shared>>
        %dma_start3A_90 = arith.constant 0 : i32
        %dma_start3A_91 = arith.constant 0 : i32
        %dma_start3A_92 = tpu.memref_slice %arg16[%dma_start3A_90, %dma_start3A_91] : memref<80x128xf32, #tpu.memory_space<vmem>> -> memref<16x128xf32, #tpu.memory_space<vmem>>
        tpu.enqueue_dma source(%dma_start3A_92 : memref<16x128xf32, #tpu.memory_space<vmem>>) target(%dma_start3A_89 : memref<16x128xf32, #tpu.memory_space<vmem_shared>>) target_semaphore(%run_scoped3A : memref<!tpu.dma_semaphore, #tpu.memory_space<semaphore_mem>>)
        %dma_wait3A_93 = arith.constant 0 : i32
        %dma_wait3A_94 = arith.constant 0 : i32
        %dma_wait3A_95 = tpu.memref_slice %arg16[%dma_wait3A_93, %dma_wait3A_94] : memref<80x128xf32, #tpu.memory_space<vmem>> -> memref<16x128xf32, #tpu.memory_space<vmem>>
        %dma_wait3A_96 = arith.constant 9984 : i32
        %dma_wait3A_97 = arith.constant 0 : i32
        %dma_wait3A_98 = tpu.memref_slice %arg18[%dma_wait3A_96, %dma_wait3A_97] : memref<10000x128xf32, #tpu.memory_space<vmem_shared>> -> memref<16x128xf32, #tpu.memory_space<vmem_shared>>
        %dma_wait3A_99 = arith.constant 9984 : i32
        %dma_wait3A_100 = arith.constant 0 : i32
        %dma_wait3A_101 = tpu.memref_slice %arg18[%dma_wait3A_99, %dma_wait3A_100] : memref<10000x128xf32, #tpu.memory_space<vmem_shared>> -> memref<16x128xf32, #tpu.memory_space<vmem_shared>>
        %dma_wait3A_102 = arith.constant 0 : i32
        %dma_wait3A_103 = arith.constant 0 : i32
        %dma_wait3A_104 = tpu.memref_slice %arg16[%dma_wait3A_102, %dma_wait3A_103] : memref<80x128xf32, #tpu.memory_space<vmem>> -> memref<16x128xf32, #tpu.memory_space<vmem>>
        tpu.wait_dma2 semaphore(%run_scoped3A : memref<!tpu.dma_semaphore, #tpu.memory_space<semaphore_mem>>) src(%dma_wait3A_104 : memref<16x128xf32, #tpu.memory_space<vmem>>) dst(%dma_wait3A_101 : memref<16x128xf32, #tpu.memory_space<vmem_shared>>)
        tpu.yield
      }) : () -> ()
    } else {
    }
    %lt3A = arith.constant 10 : i32
    %lt3A_26 = arith.cmpi slt, %arg1, %lt3A : i32
    %convert_element_type3A_27 = arith.extui %lt3A_26 : i1 to i32
    %cond3A_28 = arith.constant 0 : i32
    %cond3A_29 = arith.cmpi ne, %convert_element_type3A_27, %cond3A_28 : i32
    scf.if %cond3A_29 {
      %mul3A_82 = arith.constant 32 : i32
      %mul3A_83 = arith.muli %arg1, %mul3A_82 : i32
      "tpu.region"() ({
        %run_scoped3A = tpu.sem_alloc : memref<!tpu.dma_semaphore, #tpu.memory_space<semaphore_mem>>
        %dma_start3A = arith.constant 0 : i32
        %dma_start3A_84 = arith.constant 0 : i32
        %dma_start3A_85 = tpu.memref_slice %arg16[%dma_start3A, %dma_start3A_84] : memref<80x128xf32, #tpu.memory_space<vmem>> -> memref<32x128xf32, #tpu.memory_space<vmem>>
        %dma_start3A_86 = arith.constant 0 : i32
        %dma_start3A_87 = tpu.memref_slice %arg19[%mul3A_83, %dma_start3A_86] : memref<320x128xf32, #tpu.memory_space<vmem_shared>> -> memref<32x128xf32, #tpu.memory_space<vmem_shared>>
        %dma_start3A_88 = arith.constant 0 : i32
        %dma_start3A_89 = tpu.memref_slice %arg19[%mul3A_83, %dma_start3A_88] : memref<320x128xf32, #tpu.memory_space<vmem_shared>> -> memref<32x128xf32, #tpu.memory_space<vmem_shared>>
        %dma_start3A_90 = arith.constant 0 : i32
        %dma_start3A_91 = arith.constant 0 : i32
        %dma_start3A_92 = tpu.memref_slice %arg16[%dma_start3A_90, %dma_start3A_91] : memref<80x128xf32, #tpu.memory_space<vmem>> -> memref<32x128xf32, #tpu.memory_space<vmem>>
        tpu.enqueue_dma source(%dma_start3A_92 : memref<32x128xf32, #tpu.memory_space<vmem>>) target(%dma_start3A_89 : memref<32x128xf32, #tpu.memory_space<vmem_shared>>) target_semaphore(%run_scoped3A : memref<!tpu.dma_semaphore, #tpu.memory_space<semaphore_mem>>)
        %dma_wait3A_93 = arith.constant 0 : i32
        %dma_wait3A_94 = arith.constant 0 : i32
        %dma_wait3A_95 = tpu.memref_slice %arg16[%dma_wait3A_93, %dma_wait3A_94] : memref<80x128xf32, #tpu.memory_space<vmem>> -> memref<32x128xf32, #tpu.memory_space<vmem>>
        %dma_wait3A_96 = arith.constant 0 : i32
        %dma_wait3A_97 = tpu.memref_slice %arg19[%mul3A_83, %dma_wait3A_96] : memref<320x128xf32, #tpu.memory_space<vmem_shared>> -> memref<32x128xf32, #tpu.memory_space<vmem_shared>>
        %dma_wait3A_98 = arith.constant 0 : i32
        %dma_wait3A_99 = tpu.memref_slice %arg19[%mul3A_83, %dma_wait3A_98] : memref<320x128xf32, #tpu.memory_space<vmem_shared>> -> memref<32x128xf32, #tpu.memory_space<vmem_shared>>
        %dma_wait3A_100 = arith.constant 0 : i32
        %dma_wait3A_101 = arith.constant 0 : i32
        %dma_wait3A_102 = tpu.memref_slice %arg16[%dma_wait3A_100, %dma_wait3A_101] : memref<80x128xf32, #tpu.memory_space<vmem>> -> memref<32x128xf32, #tpu.memory_space<vmem>>
        tpu.wait_dma2 semaphore(%run_scoped3A : memref<!tpu.dma_semaphore, #tpu.memory_space<semaphore_mem>>) src(%dma_wait3A_102 : memref<32x128xf32, #tpu.memory_space<vmem>>) dst(%dma_wait3A_99 : memref<32x128xf32, #tpu.memory_space<vmem_shared>>)
        tpu.yield
      }) : () -> ()
    } else {
    }
    "tpu.region"() ({
      %run_scoped3A = tpu.sem_alloc : memref<!tpu.dma_semaphore, #tpu.memory_space<semaphore_mem>>
      tpu.enqueue_dma source(%arg7 : memref<128xf32, #tpu.memory_space<hbm>>) target(%arg17 : memref<128xf32, #tpu.memory_space<vmem>>) target_semaphore(%run_scoped3A : memref<!tpu.dma_semaphore, #tpu.memory_space<semaphore_mem>>)
      tpu.wait_dma2 semaphore(%run_scoped3A : memref<!tpu.dma_semaphore, #tpu.memory_space<semaphore_mem>>) src(%arg7 : memref<128xf32, #tpu.memory_space<hbm>>) dst(%arg17 : memref<128xf32, #tpu.memory_space<vmem>>)
      tpu.yield
    }) : () -> ()
    %barrier3A = arith.constant 0 : index
    tpu.barrier barrier_id(%barrier3A)
    %mul3A_30 = arith.constant 2 : i32
    %mul3A_31 = arith.muli %arg1, %mul3A_30 : i32
    %add3A_32 = arith.addi %mul3A_31, %arg0 : i32
    %mul3A_33 = arith.constant 10000 : i32
    %mul3A_34 = arith.muli %add3A_32, %mul3A_33 : i32
    %get3A = arith.constant 0 : index
    %get3A_35 = tpu.vector_load %arg17[%get3A] {strides = array<i32>} : memref<128xf32, #tpu.memory_space<vmem>>, vector<16xf32>,
    %get3A_36 = vector.shape_cast %get3A_35 : vector<16xf32> to vector<16xf32>
    %get3A_37 = arith.constant 16 : index
    %get3A_38 = tpu.vector_load %arg17[%get3A_37] {strides = array<i32>} : memref<128xf32, #tpu.memory_space<vmem>>, vector<16xf32>,
    %get3A_39 = vector.shape_cast %get3A_38 : vector<16xf32> to vector<16xf32>
    %get3A_40 = arith.constant 32 : index
    %get3A_41 = tpu.vector_load %arg17[%get3A_40] {strides = array<i32>} : memref<128xf32, #tpu.memory_space<vmem>>, vector<16xf32>,
    %get3A_42 = vector.shape_cast %get3A_41 : vector<16xf32> to vector<16xf32>
    %get3A_43 = arith.constant 48 : index
    %get3A_44 = tpu.vector_load %arg17[%get3A_43] {strides = array<i32>} : memref<128xf32, #tpu.memory_space<vmem>>, vector<16xf32>,
    %get3A_45 = vector.shape_cast %get3A_44 : vector<16xf32> to vector<16xf32>
    %get3A_46 = arith.constant 64 : index
    %get3A_47 = tpu.vector_load %arg17[%get3A_46] {strides = array<i32>} : memref<128xf32, #tpu.memory_space<vmem>>, vector<16xf32>,
    %get3A_48 = vector.shape_cast %get3A_47 : vector<16xf32> to vector<16xf32>
    %get3A_49 = arith.constant 80 : index
    %get3A_50 = tpu.vector_load %arg17[%get3A_49] {strides = array<i32>} : memref<128xf32, #tpu.memory_space<vmem>>, vector<16xf32>,
    %get3A_51 = vector.shape_cast %get3A_50 : vector<16xf32> to vector<16xf32>
    %get3A_52 = arith.constant 96 : index
    %get3A_53 = tpu.vector_load %arg17[%get3A_52] {strides = array<i32>} : memref<128xf32, #tpu.memory_space<vmem>>, vector<16xf32>,
    %get3A_54 = vector.shape_cast %get3A_53 : vector<16xf32> to vector<16xf32>
    %get3A_55 = arith.constant 112 : index
    %get3A_56 = tpu.vector_load %arg17[%get3A_55] {strides = array<i32>} : memref<128xf32, #tpu.memory_space<vmem>>, vector<16xf32>,
    %get3A_57 = vector.shape_cast %get3A_56 : vector<16xf32> to vector<16xf32>
    %iota3A = tpu.iota {dimensions = array<i32: 0>} : vector<16xi32>
    %scan3A_58 = arith.constant 0 : i32
    %scan3A_59 = arith.constant 0 : i32
    %scan3A_60 = arith.constant 125 : i32
    %scan3A_61 = arith.addi %scan3A_59, %scan3A_60 : i32
    %scan3A_62 = arith.constant 1 : i32
    scf.for %scan3A_82 = %scan3A_59 to %scan3A_61 step %scan3A_62  : i32 {
      %mul3A_83 = arith.constant 80 : i32
      %mul3A_84 = arith.muli %scan3A_82, %mul3A_83 : i32
      %add3A_85 = arith.addi %mul3A_34, %mul3A_84 : i32
      %gt3A = arith.constant 0 : i32
      %gt3A_86 = arith.cmpi sgt, %scan3A_82, %gt3A : i32
      %convert_element_type3A_87 = arith.extui %gt3A_86 : i1 to i32
      %cond3A_88 = arith.constant 0 : i32
      %cond3A_89 = arith.cmpi ne, %convert_element_type3A_87, %cond3A_88 : i32
      scf.if %cond3A_89 {
        %dma_wait3A_169 = arith.constant 0 : i32
        %dma_wait3A_170 = arith.constant 0 : i32
        %dma_wait3A_171 = tpu.memref_slice %arg18[%dma_wait3A_169, %dma_wait3A_170] : memref<10000x128xf32, #tpu.memory_space<vmem_shared>> -> memref<10000x128xf32, #tpu.memory_space<vmem_shared>>
        tpu.wait_indirect_dma semaphore(%arg23 : memref<!tpu.dma_semaphore, #tpu.memory_space<semaphore_mem>>) src(%arg16 : memref<80x128xf32, #tpu.memory_space<vmem>>) dst(%dma_wait3A_171 : memref<10000x128xf32, #tpu.memory_space<vmem_shared>>)
        %dma_wait3A_172 = arith.constant 0 : i32
        %dma_wait3A_173 = arith.constant 0 : i32
        %dma_wait3A_174 = tpu.memref_slice %arg19[%dma_wait3A_172, %dma_wait3A_173] : memref<320x128xf32, #tpu.memory_space<vmem_shared>> -> memref<320x128xf32, #tpu.memory_space<vmem_shared>>
        tpu.wait_indirect_dma semaphore(%arg24 : memref<!tpu.dma_semaphore, #tpu.memory_space<semaphore_mem>>) src(%arg15 : memref<80x128xf32, #tpu.memory_space<vmem>>) dst(%dma_wait3A_174 : memref<320x128xf32, #tpu.memory_space<vmem_shared>>)
      } else {
      }
      "tpu.region"() ({
        %run_scoped3A = tpu.sem_alloc : memref<!tpu.dma_semaphore, #tpu.memory_space<semaphore_mem>>
        %dma_start3A_169 = tpu.memref_slice %arg5[%add3A_85] : memref<320000xi32, #tpu.memory_space<hbm>> -> memref<80xi32, #tpu.memory_space<hbm>>
        %dma_start3A_170 = tpu.memref_slice %arg5[%add3A_85] : memref<320000xi32, #tpu.memory_space<hbm>> -> memref<80xi32, #tpu.memory_space<hbm>>
        tpu.enqueue_dma source(%dma_start3A_170 : memref<80xi32, #tpu.memory_space<hbm>>) target(%arg10 : memref<80xi32, #tpu.memory_space<vmem>>) target_semaphore(%run_scoped3A : memref<!tpu.dma_semaphore, #tpu.memory_space<semaphore_mem>>)
        %dma_wait3A_171 = tpu.memref_slice %arg5[%add3A_85] : memref<320000xi32, #tpu.memory_space<hbm>> -> memref<80xi32, #tpu.memory_space<hbm>>
        %dma_wait3A_172 = tpu.memref_slice %arg5[%add3A_85] : memref<320000xi32, #tpu.memory_space<hbm>> -> memref<80xi32, #tpu.memory_space<hbm>>
        tpu.wait_dma2 semaphore(%run_scoped3A : memref<!tpu.dma_semaphore, #tpu.memory_space<semaphore_mem>>) src(%dma_wait3A_172 : memref<80xi32, #tpu.memory_space<hbm>>) dst(%arg10 : memref<80xi32, #tpu.memory_space<vmem>>)
        tpu.yield
      }) : () -> ()
      "tpu.region"() ({
        %run_scoped3A = tpu.sem_alloc : memref<!tpu.dma_semaphore, #tpu.memory_space<semaphore_mem>>
        %dma_start3A_169 = tpu.memref_slice %arg6[%add3A_85] : memref<320000xi32, #tpu.memory_space<hbm>> -> memref<80xi32, #tpu.memory_space<hbm>>
        %dma_start3A_170 = tpu.memref_slice %arg6[%add3A_85] : memref<320000xi32, #tpu.memory_space<hbm>> -> memref<80xi32, #tpu.memory_space<hbm>>
        tpu.enqueue_dma source(%dma_start3A_170 : memref<80xi32, #tpu.memory_space<hbm>>) target(%arg11 : memref<80xi32, #tpu.memory_space<vmem>>) target_semaphore(%run_scoped3A : memref<!tpu.dma_semaphore, #tpu.memory_space<semaphore_mem>>)
        %dma_wait3A_171 = tpu.memref_slice %arg6[%add3A_85] : memref<320000xi32, #tpu.memory_space<hbm>> -> memref<80xi32, #tpu.memory_space<hbm>>
        %dma_wait3A_172 = tpu.memref_slice %arg6[%add3A_85] : memref<320000xi32, #tpu.memory_space<hbm>> -> memref<80xi32, #tpu.memory_space<hbm>>
        tpu.wait_dma2 semaphore(%run_scoped3A : memref<!tpu.dma_semaphore, #tpu.memory_space<semaphore_mem>>) src(%dma_wait3A_172 : memref<80xi32, #tpu.memory_space<hbm>>) dst(%arg11 : memref<80xi32, #tpu.memory_space<vmem>>)
        tpu.yield
      }) : () -> ()
      %get3A_90 = arith.constant 0 : index
      %get3A_91 = tpu.vector_load %arg11[%get3A_90] {strides = array<i32>} : memref<80xi32, #tpu.memory_space<vmem>>, vector<16xi32>,
      %get3A_92 = vector.shape_cast %get3A_91 : vector<16xi32> to vector<16xi32>
      %shift_right_logical3A = arith.constant 5 : i32
      %shift_right_logical3A_93 = vector.broadcast %shift_right_logical3A : i32 to vector<16xi32>
      %shift_right_logical3A_94 = arith.shrui %get3A_92, %shift_right_logical3A_93 : vector<16xi32>
      %swap3A = arith.constant 0 : index
      %swap3A_95 = tpu.vector_load %arg12[%swap3A] {strides = array<i32>} : memref<80xi32, #tpu.memory_space<vmem>>, vector<16xi32>,
      %swap3A_96 = vector.shape_cast %swap3A_95 : vector<16xi32> to vector<16xi32>
      %swap3A_97 = vector.shape_cast %shift_right_logical3A_94 : vector<16xi32> to vector<16xi32>
      tpu.vector_store %arg12[%swap3A], %swap3A_97 {strides = array<i32>} : memref<80xi32, #tpu.memory_space<vmem>>, vector<16xi32>,
      %get3A_98 = arith.constant 16 : index
      %get3A_99 = tpu.vector_load %arg11[%get3A_98] {strides = array<i32>} : memref<80xi32, #tpu.memory_space<vmem>>, vector<16xi32>,
      %get3A_100 = vector.shape_cast %get3A_99 : vector<16xi32> to vector<16xi32>
      %shift_right_logical3A_101 = arith.constant 5 : i32
      %shift_right_logical3A_102 = vector.broadcast %shift_right_logical3A_101 : i32 to vector<16xi32>
      %shift_right_logical3A_103 = arith.shrui %get3A_100, %shift_right_logical3A_102 : vector<16xi32>
      %swap3A_104 = arith.constant 16 : index
      %swap3A_105 = tpu.vector_load %arg12[%swap3A_104] {strides = array<i32>} : memref<80xi32, #tpu.memory_space<vmem>>, vector<16xi32>,
      %swap3A_106 = vector.shape_cast %swap3A_105 : vector<16xi32> to vector<16xi32>
      %swap3A_107 = vector.shape_cast %shift_right_logical3A_103 : vector<16xi32> to vector<16xi32>
      tpu.vector_store %arg12[%swap3A_104], %swap3A_107 {strides = array<i32>} : memref<80xi32, #tpu.memory_space<vmem>>, vector<16xi32>,
      %get3A_108 = arith.constant 32 : index
      %get3A_109 = tpu.vector_load %arg11[%get3A_108] {strides = array<i32>} : memref<80xi32, #tpu.memory_space<vmem>>, vector<16xi32>,
      %get3A_110 = vector.shape_cast %get3A_109 : vector<16xi32> to vector<16xi32>
      %shift_right_logical3A_111 = arith.constant 5 : i32
      %shift_right_logical3A_112 = vector.broadcast %shift_right_logical3A_111 : i32 to vector<16xi32>
      %shift_right_logical3A_113 = arith.shrui %get3A_110, %shift_right_logical3A_112 : vector<16xi32>
      %swap3A_114 = arith.constant 32 : index
      %swap3A_115 = tpu.vector_load %arg12[%swap3A_114] {strides = array<i32>} : memref<80xi32, #tpu.memory_space<vmem>>, vector<16xi32>,
      %swap3A_116 = vector.shape_cast %swap3A_115 : vector<16xi32> to vector<16xi32>
      %swap3A_117 = vector.shape_cast %shift_right_logical3A_113 : vector<16xi32> to vector<16xi32>
      tpu.vector_store %arg12[%swap3A_114], %swap3A_117 {strides = array<i32>} : memref<80xi32, #tpu.memory_space<vmem>>, vector<16xi32>,
      %get3A_118 = arith.constant 48 : index
      %get3A_119 = tpu.vector_load %arg11[%get3A_118] {strides = array<i32>} : memref<80xi32, #tpu.memory_space<vmem>>, vector<16xi32>,
      %get3A_120 = vector.shape_cast %get3A_119 : vector<16xi32> to vector<16xi32>
      %shift_right_logical3A_121 = arith.constant 5 : i32
      %shift_right_logical3A_122 = vector.broadcast %shift_right_logical3A_121 : i32 to vector<16xi32>
      %shift_right_logical3A_123 = arith.shrui %get3A_120, %shift_right_logical3A_122 : vector<16xi32>
      %swap3A_124 = arith.constant 48 : index
      %swap3A_125 = tpu.vector_load %arg12[%swap3A_124] {strides = array<i32>} : memref<80xi32, #tpu.memory_space<vmem>>, vector<16xi32>,
      %swap3A_126 = vector.shape_cast %swap3A_125 : vector<16xi32> to vector<16xi32>
      %swap3A_127 = vector.shape_cast %shift_right_logical3A_123 : vector<16xi32> to vector<16xi32>
      tpu.vector_store %arg12[%swap3A_124], %swap3A_127 {strides = array<i32>} : memref<80xi32, #tpu.memory_space<vmem>>, vector<16xi32>,
      %get3A_128 = arith.constant 64 : index
      %get3A_129 = tpu.vector_load %arg11[%get3A_128] {strides = array<i32>} : memref<80xi32, #tpu.memory_space<vmem>>, vector<16xi32>,
      %get3A_130 = vector.shape_cast %get3A_129 : vector<16xi32> to vector<16xi32>
      %shift_right_logical3A_131 = arith.constant 5 : i32
      %shift_right_logical3A_132 = vector.broadcast %shift_right_logical3A_131 : i32 to vector<16xi32>
      %shift_right_logical3A_133 = arith.shrui %get3A_130, %shift_right_logical3A_132 : vector<16xi32>
      %swap3A_134 = arith.constant 64 : index
      %swap3A_135 = tpu.vector_load %arg12[%swap3A_134] {strides = array<i32>} : memref<80xi32, #tpu.memory_space<vmem>>, vector<16xi32>,
      %swap3A_136 = vector.shape_cast %swap3A_135 : vector<16xi32> to vector<16xi32>
      %swap3A_137 = vector.shape_cast %shift_right_logical3A_133 : vector<16xi32> to vector<16xi32>
      tpu.vector_store %arg12[%swap3A_134], %swap3A_137 {strides = array<i32>} : memref<80xi32, #tpu.memory_space<vmem>>, vector<16xi32>,
      %dma_start3A = arith.constant 0 : i32
      %dma_start3A_138 = arith.constant 0 : i32
      %dma_start3A_139 = tpu.memref_slice %arg2[%dma_start3A, %dma_start3A_138] : memref<10000x128xf32, #tpu.memory_space<hbm>> -> memref<10000x128xf32, #tpu.memory_space<hbm>>
      tpu.enqueue_indirect_dma source(%dma_start3A_139 : memref<10000x128xf32, #tpu.memory_space<hbm>>) target(%arg13 : memref<80x128xf32, #tpu.memory_space<vmem>>) offsets(%arg10 : memref<80xi32, #tpu.memory_space<vmem>>) semaphore(%arg20 : memref<!tpu.dma_semaphore, #tpu.memory_space<semaphore_mem>>)
      %dma_start3A_140 = arith.constant 0 : i32
      %dma_start3A_141 = arith.constant 0 : i32
      %dma_start3A_142 = tpu.memref_slice %arg3[%dma_start3A_140, %dma_start3A_141] : memref<10000x128xf32, #tpu.memory_space<hbm>> -> memref<10000x128xf32, #tpu.memory_space<hbm>>
      tpu.enqueue_indirect_dma source(%dma_start3A_142 : memref<10000x128xf32, #tpu.memory_space<hbm>>) target(%arg14 : memref<80x128xf32, #tpu.memory_space<vmem>>) offsets(%arg11 : memref<80xi32, #tpu.memory_space<vmem>>) semaphore(%arg21 : memref<!tpu.dma_semaphore, #tpu.memory_space<semaphore_mem>>)
      %dma_start3A_143 = arith.constant 0 : i32
      %dma_start3A_144 = tpu.memref_slice %arg4[%add3A_85, %dma_start3A_143] : memref<320000x128xf32, #tpu.memory_space<hbm>> -> memref<80x128xf32, #tpu.memory_space<hbm>>
      %dma_start3A_145 = arith.constant 0 : i32
      %dma_start3A_146 = tpu.memref_slice %arg4[%add3A_85, %dma_start3A_145] : memref<320000x128xf32, #tpu.memory_space<hbm>> -> memref<80x128xf32, #tpu.memory_space<hbm>>
      tpu.enqueue_dma source(%dma_start3A_146 : memref<80x128xf32, #tpu.memory_space<hbm>>) target(%arg15 : memref<80x128xf32, #tpu.memory_space<vmem>>) target_semaphore(%arg22 : memref<!tpu.dma_semaphore, #tpu.memory_space<semaphore_mem>>)
      %dma_wait3A_147 = arith.constant 0 : i32
      %dma_wait3A_148 = arith.constant 0 : i32
      %dma_wait3A_149 = tpu.memref_slice %arg2[%dma_wait3A_147, %dma_wait3A_148] : memref<10000x128xf32, #tpu.memory_space<hbm>> -> memref<10000x128xf32, #tpu.memory_space<hbm>>
      tpu.wait_indirect_dma semaphore(%arg20 : memref<!tpu.dma_semaphore, #tpu.memory_space<semaphore_mem>>) src(%dma_wait3A_149 : memref<10000x128xf32, #tpu.memory_space<hbm>>) dst(%arg13 : memref<80x128xf32, #tpu.memory_space<vmem>>)
      %dma_wait3A_150 = arith.constant 0 : i32
      %dma_wait3A_151 = arith.constant 0 : i32
      %dma_wait3A_152 = tpu.memref_slice %arg3[%dma_wait3A_150, %dma_wait3A_151] : memref<10000x128xf32, #tpu.memory_space<hbm>> -> memref<10000x128xf32, #tpu.memory_space<hbm>>
      tpu.wait_indirect_dma semaphore(%arg21 : memref<!tpu.dma_semaphore, #tpu.memory_space<semaphore_mem>>) src(%dma_wait3A_152 : memref<10000x128xf32, #tpu.memory_space<hbm>>) dst(%arg14 : memref<80x128xf32, #tpu.memory_space<vmem>>)
      %dma_wait3A_153 = arith.constant 0 : i32
      %dma_wait3A_154 = tpu.memref_slice %arg4[%add3A_85, %dma_wait3A_153] : memref<320000x128xf32, #tpu.memory_space<hbm>> -> memref<80x128xf32, #tpu.memory_space<hbm>>
      %dma_wait3A_155 = arith.constant 0 : i32
      %dma_wait3A_156 = tpu.memref_slice %arg4[%add3A_85, %dma_wait3A_155] : memref<320000x128xf32, #tpu.memory_space<hbm>> -> memref<80x128xf32, #tpu.memory_space<hbm>>
      tpu.wait_dma2 semaphore(%arg22 : memref<!tpu.dma_semaphore, #tpu.memory_space<semaphore_mem>>) src(%dma_wait3A_156 : memref<80x128xf32, #tpu.memory_space<hbm>>) dst(%arg15 : memref<80x128xf32, #tpu.memory_space<vmem>>)
      %scan3A_157 = arith.constant 0 : i32
      %scan3A_158 = arith.constant 0 : i32
      %scan3A_159 = arith.constant 80 : i32
      %scan3A_160 = arith.addi %scan3A_158, %scan3A_159 : i32
      %scan3A_161 = arith.constant 1 : i32
      scf.for %scan3A_169 = %scan3A_158 to %scan3A_160 step %scan3A_161  : i32 {
        %get3A_170 = arith.index_cast %scan3A_169 : i32 to index
        %get3A_171 = arith.constant 0 : index
        %get3A_172 = tpu.vector_load %arg13[%get3A_170, %get3A_171] {strides = array<i32>} : memref<80x128xf32, #tpu.memory_space<vmem>>, vector<1x16xf32>,
        %get3A_173 = vector.shape_cast %get3A_172 : vector<1x16xf32> to vector<16xf32>
        %get3A_174 = arith.index_cast %scan3A_169 : i32 to index
        %get3A_175 = arith.constant 0 : index
        %get3A_176 = tpu.vector_load %arg14[%get3A_174, %get3A_175] {strides = array<i32>} : memref<80x128xf32, #tpu.memory_space<vmem>>, vector<1x16xf32>,
        %get3A_177 = vector.shape_cast %get3A_176 : vector<1x16xf32> to vector<16xf32>
        %add3A_178 = arith.addf %get3A_173, %get3A_177 : vector<16xf32>
        %get3A_179 = arith.index_cast %scan3A_169 : i32 to index
        %get3A_180 = arith.constant 0 : index
        %get3A_181 = tpu.vector_load %arg15[%get3A_179, %get3A_180] {strides = array<i32>} : memref<80x128xf32, #tpu.memory_space<vmem>>, vector<1x16xf32>,
        %get3A_182 = vector.shape_cast %get3A_181 : vector<1x16xf32> to vector<16xf32>
        %add3A_183 = arith.addf %add3A_178, %get3A_182 : vector<16xf32>
        %mul3A_184 = arith.constant 2.000000e-01 : f32
        %mul3A_185 = vector.broadcast %mul3A_184 : f32 to vector<16xf32>
        %mul3A_186 = arith.mulf %mul3A_185, %add3A_183 : vector<16xf32>
        %max3A = arith.maximumf %add3A_183, %mul3A_186 : vector<16xf32>
        %mul3A_187 = arith.mulf %max3A, %get3A_36 : vector<16xf32>
        %get3A_188 = arith.index_cast %scan3A_169 : i32 to index
        %get3A_189 = arith.constant 16 : index
        %get3A_190 = tpu.vector_load %arg13[%get3A_188, %get3A_189] {strides = array<i32>} : memref<80x128xf32, #tpu.memory_space<vmem>>, vector<1x16xf32>,
        %get3A_191 = vector.shape_cast %get3A_190 : vector<1x16xf32> to vector<16xf32>
        %get3A_192 = arith.index_cast %scan3A_169 : i32 to index
        %get3A_193 = arith.constant 16 : index
        %get3A_194 = tpu.vector_load %arg14[%get3A_192, %get3A_193] {strides = array<i32>} : memref<80x128xf32, #tpu.memory_space<vmem>>, vector<1x16xf32>,
        %get3A_195 = vector.shape_cast %get3A_194 : vector<1x16xf32> to vector<16xf32>
        %add3A_196 = arith.addf %get3A_191, %get3A_195 : vector<16xf32>
        %get3A_197 = arith.index_cast %scan3A_169 : i32 to index
        %get3A_198 = arith.constant 16 : index
        %get3A_199 = tpu.vector_load %arg15[%get3A_197, %get3A_198] {strides = array<i32>} : memref<80x128xf32, #tpu.memory_space<vmem>>, vector<1x16xf32>,
        %get3A_200 = vector.shape_cast %get3A_199 : vector<1x16xf32> to vector<16xf32>
        %add3A_201 = arith.addf %add3A_196, %get3A_200 : vector<16xf32>
        %mul3A_202 = arith.constant 2.000000e-01 : f32
        %mul3A_203 = vector.broadcast %mul3A_202 : f32 to vector<16xf32>
        %mul3A_204 = arith.mulf %mul3A_203, %add3A_201 : vector<16xf32>
        %max3A_205 = arith.maximumf %add3A_201, %mul3A_204 : vector<16xf32>
        %mul3A_206 = arith.mulf %max3A_205, %get3A_39 : vector<16xf32>
        %get3A_207 = arith.index_cast %scan3A_169 : i32 to index
        %get3A_208 = arith.constant 32 : index
        %get3A_209 = tpu.vector_load %arg13[%get3A_207, %get3A_208] {strides = array<i32>} : memref<80x128xf32, #tpu.memory_space<vmem>>, vector<1x16xf32>,
        %get3A_210 = vector.shape_cast %get3A_209 : vector<1x16xf32> to vector<16xf32>
        %get3A_211 = arith.index_cast %scan3A_169 : i32 to index
        %get3A_212 = arith.constant 32 : index
        %get3A_213 = tpu.vector_load %arg14[%get3A_211, %get3A_212] {strides = array<i32>} : memref<80x128xf32, #tpu.memory_space<vmem>>, vector<1x16xf32>,
        %get3A_214 = vector.shape_cast %get3A_213 : vector<1x16xf32> to vector<16xf32>
        %add3A_215 = arith.addf %get3A_210, %get3A_214 : vector<16xf32>
        %get3A_216 = arith.index_cast %scan3A_169 : i32 to index
        %get3A_217 = arith.constant 32 : index
        %get3A_218 = tpu.vector_load %arg15[%get3A_216, %get3A_217] {strides = array<i32>} : memref<80x128xf32, #tpu.memory_space<vmem>>, vector<1x16xf32>,
        %get3A_219 = vector.shape_cast %get3A_218 : vector<1x16xf32> to vector<16xf32>
        %add3A_220 = arith.addf %add3A_215, %get3A_219 : vector<16xf32>
        %mul3A_221 = arith.constant 2.000000e-01 : f32
        %mul3A_222 = vector.broadcast %mul3A_221 : f32 to vector<16xf32>
        %mul3A_223 = arith.mulf %mul3A_222, %add3A_220 : vector<16xf32>
        %max3A_224 = arith.maximumf %add3A_220, %mul3A_223 : vector<16xf32>
        %mul3A_225 = arith.mulf %max3A_224, %get3A_42 : vector<16xf32>
        %get3A_226 = arith.index_cast %scan3A_169 : i32 to index
        %get3A_227 = arith.constant 48 : index
        %get3A_228 = tpu.vector_load %arg13[%get3A_226, %get3A_227] {strides = array<i32>} : memref<80x128xf32, #tpu.memory_space<vmem>>, vector<1x16xf32>,
        %get3A_229 = vector.shape_cast %get3A_228 : vector<1x16xf32> to vector<16xf32>
        %get3A_230 = arith.index_cast %scan3A_169 : i32 to index
        %get3A_231 = arith.constant 48 : index
        %get3A_232 = tpu.vector_load %arg14[%get3A_230, %get3A_231] {strides = array<i32>} : memref<80x128xf32, #tpu.memory_space<vmem>>, vector<1x16xf32>,
        %get3A_233 = vector.shape_cast %get3A_232 : vector<1x16xf32> to vector<16xf32>
        %add3A_234 = arith.addf %get3A_229, %get3A_233 : vector<16xf32>
        %get3A_235 = arith.index_cast %scan3A_169 : i32 to index
        %get3A_236 = arith.constant 48 : index
        %get3A_237 = tpu.vector_load %arg15[%get3A_235, %get3A_236] {strides = array<i32>} : memref<80x128xf32, #tpu.memory_space<vmem>>, vector<1x16xf32>,
        %get3A_238 = vector.shape_cast %get3A_237 : vector<1x16xf32> to vector<16xf32>
        %add3A_239 = arith.addf %add3A_234, %get3A_238 : vector<16xf32>
        %mul3A_240 = arith.constant 2.000000e-01 : f32
        %mul3A_241 = vector.broadcast %mul3A_240 : f32 to vector<16xf32>
        %mul3A_242 = arith.mulf %mul3A_241, %add3A_239 : vector<16xf32>
        %max3A_243 = arith.maximumf %add3A_239, %mul3A_242 : vector<16xf32>
        %mul3A_244 = arith.mulf %max3A_243, %get3A_45 : vector<16xf32>
        %get3A_245 = arith.index_cast %scan3A_169 : i32 to index
        %get3A_246 = arith.constant 64 : index
        %get3A_247 = tpu.vector_load %arg13[%get3A_245, %get3A_246] {strides = array<i32>} : memref<80x128xf32, #tpu.memory_space<vmem>>, vector<1x16xf32>,
        %get3A_248 = vector.shape_cast %get3A_247 : vector<1x16xf32> to vector<16xf32>
        %get3A_249 = arith.index_cast %scan3A_169 : i32 to index
        %get3A_250 = arith.constant 64 : index
        %get3A_251 = tpu.vector_load %arg14[%get3A_249, %get3A_250] {strides = array<i32>} : memref<80x128xf32, #tpu.memory_space<vmem>>, vector<1x16xf32>,
        %get3A_252 = vector.shape_cast %get3A_251 : vector<1x16xf32> to vector<16xf32>
        %add3A_253 = arith.addf %get3A_248, %get3A_252 : vector<16xf32>
        %get3A_254 = arith.index_cast %scan3A_169 : i32 to index
        %get3A_255 = arith.constant 64 : index
        %get3A_256 = tpu.vector_load %arg15[%get3A_254, %get3A_255] {strides = array<i32>} : memref<80x128xf32, #tpu.memory_space<vmem>>, vector<1x16xf32>,
        %get3A_257 = vector.shape_cast %get3A_256 : vector<1x16xf32> to vector<16xf32>
        %add3A_258 = arith.addf %add3A_253, %get3A_257 : vector<16xf32>
        %mul3A_259 = arith.constant 2.000000e-01 : f32
        %mul3A_260 = vector.broadcast %mul3A_259 : f32 to vector<16xf32>
        %mul3A_261 = arith.mulf %mul3A_260, %add3A_258 : vector<16xf32>
        %max3A_262 = arith.maximumf %add3A_258, %mul3A_261 : vector<16xf32>
        %mul3A_263 = arith.mulf %max3A_262, %get3A_48 : vector<16xf32>
        %get3A_264 = arith.index_cast %scan3A_169 : i32 to index
        %get3A_265 = arith.constant 80 : index
        %get3A_266 = tpu.vector_load %arg13[%get3A_264, %get3A_265] {strides = array<i32>} : memref<80x128xf32, #tpu.memory_space<vmem>>, vector<1x16xf32>,
        %get3A_267 = vector.shape_cast %get3A_266 : vector<1x16xf32> to vector<16xf32>
        %get3A_268 = arith.index_cast %scan3A_169 : i32 to index
        %get3A_269 = arith.constant 80 : index
        %get3A_270 = tpu.vector_load %arg14[%get3A_268, %get3A_269] {strides = array<i32>} : memref<80x128xf32, #tpu.memory_space<vmem>>, vector<1x16xf32>,
        %get3A_271 = vector.shape_cast %get3A_270 : vector<1x16xf32> to vector<16xf32>
        %add3A_272 = arith.addf %get3A_267, %get3A_271 : vector<16xf32>
        %get3A_273 = arith.index_cast %scan3A_169 : i32 to index
        %get3A_274 = arith.constant 80 : index
        %get3A_275 = tpu.vector_load %arg15[%get3A_273, %get3A_274] {strides = array<i32>} : memref<80x128xf32, #tpu.memory_space<vmem>>, vector<1x16xf32>,
        %get3A_276 = vector.shape_cast %get3A_275 : vector<1x16xf32> to vector<16xf32>
        %add3A_277 = arith.addf %add3A_272, %get3A_276 : vector<16xf32>
        %mul3A_278 = arith.constant 2.000000e-01 : f32
        %mul3A_279 = vector.broadcast %mul3A_278 : f32 to vector<16xf32>
        %mul3A_280 = arith.mulf %mul3A_279, %add3A_277 : vector<16xf32>
        %max3A_281 = arith.maximumf %add3A_277, %mul3A_280 : vector<16xf32>
        %mul3A_282 = arith.mulf %max3A_281, %get3A_51 : vector<16xf32>
        %get3A_283 = arith.index_cast %scan3A_169 : i32 to index
        %get3A_284 = arith.constant 96 : index
        %get3A_285 = tpu.vector_load %arg13[%get3A_283, %get3A_284] {strides = array<i32>} : memref<80x128xf32, #tpu.memory_space<vmem>>, vector<1x16xf32>,
        %get3A_286 = vector.shape_cast %get3A_285 : vector<1x16xf32> to vector<16xf32>
        %get3A_287 = arith.index_cast %scan3A_169 : i32 to index
        %get3A_288 = arith.constant 96 : index
        %get3A_289 = tpu.vector_load %arg14[%get3A_287, %get3A_288] {strides = array<i32>} : memref<80x128xf32, #tpu.memory_space<vmem>>, vector<1x16xf32>,
        %get3A_290 = vector.shape_cast %get3A_289 : vector<1x16xf32> to vector<16xf32>
        %add3A_291 = arith.addf %get3A_286, %get3A_290 : vector<16xf32>
        %get3A_292 = arith.index_cast %scan3A_169 : i32 to index
        %get3A_293 = arith.constant 96 : index
        %get3A_294 = tpu.vector_load %arg15[%get3A_292, %get3A_293] {strides = array<i32>} : memref<80x128xf32, #tpu.memory_space<vmem>>, vector<1x16xf32>,
        %get3A_295 = vector.shape_cast %get3A_294 : vector<1x16xf32> to vector<16xf32>
        %add3A_296 = arith.addf %add3A_291, %get3A_295 : vector<16xf32>
        %mul3A_297 = arith.constant 2.000000e-01 : f32
        %mul3A_298 = vector.broadcast %mul3A_297 : f32 to vector<16xf32>
        %mul3A_299 = arith.mulf %mul3A_298, %add3A_296 : vector<16xf32>
        %max3A_300 = arith.maximumf %add3A_296, %mul3A_299 : vector<16xf32>
        %mul3A_301 = arith.mulf %max3A_300, %get3A_54 : vector<16xf32>
        %get3A_302 = arith.index_cast %scan3A_169 : i32 to index
        %get3A_303 = arith.constant 112 : index
        %get3A_304 = tpu.vector_load %arg13[%get3A_302, %get3A_303] {strides = array<i32>} : memref<80x128xf32, #tpu.memory_space<vmem>>, vector<1x16xf32>,
        %get3A_305 = vector.shape_cast %get3A_304 : vector<1x16xf32> to vector<16xf32>
        %get3A_306 = arith.index_cast %scan3A_169 : i32 to index
        %get3A_307 = arith.constant 112 : index
        %get3A_308 = tpu.vector_load %arg14[%get3A_306, %get3A_307] {strides = array<i32>} : memref<80x128xf32, #tpu.memory_space<vmem>>, vector<1x16xf32>,
        %get3A_309 = vector.shape_cast %get3A_308 : vector<1x16xf32> to vector<16xf32>
        %add3A_310 = arith.addf %get3A_305, %get3A_309 : vector<16xf32>
        %get3A_311 = arith.index_cast %scan3A_169 : i32 to index
        %get3A_312 = arith.constant 112 : index
        %get3A_313 = tpu.vector_load %arg15[%get3A_311, %get3A_312] {strides = array<i32>} : memref<80x128xf32, #tpu.memory_space<vmem>>, vector<1x16xf32>,
        %get3A_314 = vector.shape_cast %get3A_313 : vector<1x16xf32> to vector<16xf32>
        %add3A_315 = arith.addf %add3A_310, %get3A_314 : vector<16xf32>
        %mul3A_316 = arith.constant 2.000000e-01 : f32
        %mul3A_317 = vector.broadcast %mul3A_316 : f32 to vector<16xf32>
        %mul3A_318 = arith.mulf %mul3A_317, %add3A_315 : vector<16xf32>
        %max3A_319 = arith.maximumf %add3A_315, %mul3A_318 : vector<16xf32>
        %mul3A_320 = arith.mulf %max3A_319, %get3A_57 : vector<16xf32>
        %add3A_321 = arith.addf %mul3A_187, %mul3A_206 : vector<16xf32>
        %iota3A_322 = tpu.iota {dimensions = array<i32: 0>} : vector<16xi32>
        %xor3A = arith.constant 1 : i32
        %xor3A_323 = vector.broadcast %xor3A : i32 to vector<16xi32>
        %xor3A_324 = arith.xori %iota3A_322, %xor3A_323 : vector<16xi32>
        %broadcast_in_dim3A_325 = vector.shape_cast %xor3A_324 : vector<16xi32> to vector<16x1xi32>
        %gather3A = vector.shape_cast %broadcast_in_dim3A_325 : vector<16x1xi32> to vector<16xi32>
        %gather3A_326 = tpu.dynamic_gather %add3A_321[%gather3A] in [0] : vector<16xf32>, vector<16xi32> -> vector<16xf32>
        %add3A_327 = arith.addf %add3A_321, %gather3A_326 : vector<16xf32>
        %xor3A_328 = arith.constant 2 : i32
        %xor3A_329 = vector.broadcast %xor3A_328 : i32 to vector<16xi32>
        %xor3A_330 = arith.xori %iota3A_322, %xor3A_329 : vector<16xi32>
        %broadcast_in_dim3A_331 = vector.shape_cast %xor3A_330 : vector<16xi32> to vector<16x1xi32>
        %gather3A_332 = vector.shape_cast %broadcast_in_dim3A_331 : vector<16x1xi32> to vector<16xi32>
        %gather3A_333 = tpu.dynamic_gather %add3A_327[%gather3A_332] in [0] : vector<16xf32>, vector<16xi32> -> vector<16xf32>
        %add3A_334 = arith.addf %add3A_327, %gather3A_333 : vector<16xf32>
        %xor3A_335 = arith.constant 4 : i32
        %xor3A_336 = vector.broadcast %xor3A_335 : i32 to vector<16xi32>
        %xor3A_337 = arith.xori %iota3A_322, %xor3A_336 : vector<16xi32>
        %broadcast_in_dim3A_338 = vector.shape_cast %xor3A_337 : vector<16xi32> to vector<16x1xi32>
        %gather3A_339 = vector.shape_cast %broadcast_in_dim3A_338 : vector<16x1xi32> to vector<16xi32>
        %gather3A_340 = tpu.dynamic_gather %add3A_334[%gather3A_339] in [0] : vector<16xf32>, vector<16xi32> -> vector<16xf32>
        %add3A_341 = arith.addf %add3A_334, %gather3A_340 : vector<16xf32>
        %xor3A_342 = arith.constant 8 : i32
        %xor3A_343 = vector.broadcast %xor3A_342 : i32 to vector<16xi32>
        %xor3A_344 = arith.xori %iota3A_322, %xor3A_343 : vector<16xi32>
        %broadcast_in_dim3A_345 = vector.shape_cast %xor3A_344 : vector<16xi32> to vector<16x1xi32>
        %gather3A_346 = vector.shape_cast %broadcast_in_dim3A_345 : vector<16x1xi32> to vector<16xi32>
        %gather3A_347 = tpu.dynamic_gather %add3A_341[%gather3A_346] in [0] : vector<16xf32>, vector<16xi32> -> vector<16xf32>
        %add3A_348 = arith.addf %add3A_341, %gather3A_347 : vector<16xf32>
        %exp3A = math.exp %add3A_348 : vector<16xf32>
        %mul3A_349 = arith.mulf %exp3A, %get3A_173 : vector<16xf32>
        %swap3A_350 = arith.index_cast %scan3A_169 : i32 to index
        %swap3A_351 = arith.constant 0 : index
        %swap3A_352 = tpu.vector_load %arg16[%swap3A_350, %swap3A_351] {strides = array<i32>} : memref<80x128xf32, #tpu.memory_space<vmem>>, vector<1x16xf32>,
        %swap3A_353 = vector.shape_cast %swap3A_352 : vector<1x16xf32> to vector<16xf32>
        %swap3A_354 = vector.shape_cast %mul3A_349 : vector<16xf32> to vector<1x16xf32>
        tpu.vector_store %arg16[%swap3A_350, %swap3A_351], %swap3A_354 {strides = array<i32>} : memref<80x128xf32, #tpu.memory_space<vmem>>, vector<1x16xf32>,
        %mul3A_355 = arith.mulf %exp3A, %get3A_191 : vector<16xf32>
        %swap3A_356 = arith.index_cast %scan3A_169 : i32 to index
        %swap3A_357 = arith.constant 16 : index
        %swap3A_358 = tpu.vector_load %arg16[%swap3A_356, %swap3A_357] {strides = array<i32>} : memref<80x128xf32, #tpu.memory_space<vmem>>, vector<1x16xf32>,
        %swap3A_359 = vector.shape_cast %swap3A_358 : vector<1x16xf32> to vector<16xf32>
        %swap3A_360 = vector.shape_cast %mul3A_355 : vector<16xf32> to vector<1x16xf32>
        tpu.vector_store %arg16[%swap3A_356, %swap3A_357], %swap3A_360 {strides = array<i32>} : memref<80x128xf32, #tpu.memory_space<vmem>>, vector<1x16xf32>,
        %eq3A_361 = arith.constant 0 : i32
        %eq3A_362 = vector.broadcast %eq3A_361 : i32 to vector<16xi32>
        %eq3A_363 = arith.cmpi eq, %iota3A, %eq3A_362 : vector<16xi32>
        %select_n3A = arith.select %eq3A_363, %exp3A, %broadcast_in_dim3A_0 : vector<16xi1>, vector<16xf32>
        %add3A_364 = arith.addf %mul3A_225, %mul3A_244 : vector<16xf32>
        %iota3A_365 = tpu.iota {dimensions = array<i32: 0>} : vector<16xi32>
        %xor3A_366 = arith.constant 1 : i32
        %xor3A_367 = vector.broadcast %xor3A_366 : i32 to vector<16xi32>
        %xor3A_368 = arith.xori %iota3A_365, %xor3A_367 : vector<16xi32>
        %broadcast_in_dim3A_369 = vector.shape_cast %xor3A_368 : vector<16xi32> to vector<16x1xi32>
        %gather3A_370 = vector.shape_cast %broadcast_in_dim3A_369 : vector<16x1xi32> to vector<16xi32>
        %gather3A_371 = tpu.dynamic_gather %add3A_364[%gather3A_370] in [0] : vector<16xf32>, vector<16xi32> -> vector<16xf32>
        %add3A_372 = arith.addf %add3A_364, %gather3A_371 : vector<16xf32>
        %xor3A_373 = arith.constant 2 : i32
        %xor3A_374 = vector.broadcast %xor3A_373 : i32 to vector<16xi32>
        %xor3A_375 = arith.xori %iota3A_365, %xor3A_374 : vector<16xi32>
        %broadcast_in_dim3A_376 = vector.shape_cast %xor3A_375 : vector<16xi32> to vector<16x1xi32>
        %gather3A_377 = vector.shape_cast %broadcast_in_dim3A_376 : vector<16x1xi32> to vector<16xi32>
        %gather3A_378 = tpu.dynamic_gather %add3A_372[%gather3A_377] in [0] : vector<16xf32>, vector<16xi32> -> vector<16xf32>
        %add3A_379 = arith.addf %add3A_372, %gather3A_378 : vector<16xf32>
        %xor3A_380 = arith.constant 4 : i32
        %xor3A_381 = vector.broadcast %xor3A_380 : i32 to vector<16xi32>
        %xor3A_382 = arith.xori %iota3A_365, %xor3A_381 : vector<16xi32>
        %broadcast_in_dim3A_383 = vector.shape_cast %xor3A_382 : vector<16xi32> to vector<16x1xi32>
        %gather3A_384 = vector.shape_cast %broadcast_in_dim3A_383 : vector<16x1xi32> to vector<16xi32>
        %gather3A_385 = tpu.dynamic_gather %add3A_379[%gather3A_384] in [0] : vector<16xf32>, vector<16xi32> -> vector<16xf32>
        %add3A_386 = arith.addf %add3A_379, %gather3A_385 : vector<16xf32>
        %xor3A_387 = arith.constant 8 : i32
        %xor3A_388 = vector.broadcast %xor3A_387 : i32 to vector<16xi32>
        %xor3A_389 = arith.xori %iota3A_365, %xor3A_388 : vector<16xi32>
        %broadcast_in_dim3A_390 = vector.shape_cast %xor3A_389 : vector<16xi32> to vector<16x1xi32>
        %gather3A_391 = vector.shape_cast %broadcast_in_dim3A_390 : vector<16x1xi32> to vector<16xi32>
        %gather3A_392 = tpu.dynamic_gather %add3A_386[%gather3A_391] in [0] : vector<16xf32>, vector<16xi32> -> vector<16xf32>
        %add3A_393 = arith.addf %add3A_386, %gather3A_392 : vector<16xf32>
        %exp3A_394 = math.exp %add3A_393 : vector<16xf32>
        %mul3A_395 = arith.mulf %exp3A_394, %get3A_210 : vector<16xf32>
        %swap3A_396 = arith.index_cast %scan3A_169 : i32 to index
        %swap3A_397 = arith.constant 32 : index
        %swap3A_398 = tpu.vector_load %arg16[%swap3A_396, %swap3A_397] {strides = array<i32>} : memref<80x128xf32, #tpu.memory_space<vmem>>, vector<1x16xf32>,
        %swap3A_399 = vector.shape_cast %swap3A_398 : vector<1x16xf32> to vector<16xf32>
        %swap3A_400 = vector.shape_cast %mul3A_395 : vector<16xf32> to vector<1x16xf32>
        tpu.vector_store %arg16[%swap3A_396, %swap3A_397], %swap3A_400 {strides = array<i32>} : memref<80x128xf32, #tpu.memory_space<vmem>>, vector<1x16xf32>,
        %mul3A_401 = arith.mulf %exp3A_394, %get3A_229 : vector<16xf32>
        %swap3A_402 = arith.index_cast %scan3A_169 : i32 to index
        %swap3A_403 = arith.constant 48 : index
        %swap3A_404 = tpu.vector_load %arg16[%swap3A_402, %swap3A_403] {strides = array<i32>} : memref<80x128xf32, #tpu.memory_space<vmem>>, vector<1x16xf32>,
        %swap3A_405 = vector.shape_cast %swap3A_404 : vector<1x16xf32> to vector<16xf32>
        %swap3A_406 = vector.shape_cast %mul3A_401 : vector<16xf32> to vector<1x16xf32>
        tpu.vector_store %arg16[%swap3A_402, %swap3A_403], %swap3A_406 {strides = array<i32>} : memref<80x128xf32, #tpu.memory_space<vmem>>, vector<1x16xf32>,
        %eq3A_407 = arith.constant 1 : i32
        %eq3A_408 = vector.broadcast %eq3A_407 : i32 to vector<16xi32>
        %eq3A_409 = arith.cmpi eq, %iota3A, %eq3A_408 : vector<16xi32>
        %select_n3A_410 = arith.select %eq3A_409, %exp3A_394, %select_n3A : vector<16xi1>, vector<16xf32>
        %add3A_411 = arith.addf %mul3A_263, %mul3A_282 : vector<16xf32>
        %iota3A_412 = tpu.iota {dimensions = array<i32: 0>} : vector<16xi32>
        %xor3A_413 = arith.constant 1 : i32
        %xor3A_414 = vector.broadcast %xor3A_413 : i32 to vector<16xi32>
        %xor3A_415 = arith.xori %iota3A_412, %xor3A_414 : vector<16xi32>
        %broadcast_in_dim3A_416 = vector.shape_cast %xor3A_415 : vector<16xi32> to vector<16x1xi32>
        %gather3A_417 = vector.shape_cast %broadcast_in_dim3A_416 : vector<16x1xi32> to vector<16xi32>
        %gather3A_418 = tpu.dynamic_gather %add3A_411[%gather3A_417] in [0] : vector<16xf32>, vector<16xi32> -> vector<16xf32>
        %add3A_419 = arith.addf %add3A_411, %gather3A_418 : vector<16xf32>
        %xor3A_420 = arith.constant 2 : i32
        %xor3A_421 = vector.broadcast %xor3A_420 : i32 to vector<16xi32>
        %xor3A_422 = arith.xori %iota3A_412, %xor3A_421 : vector<16xi32>
        %broadcast_in_dim3A_423 = vector.shape_cast %xor3A_422 : vector<16xi32> to vector<16x1xi32>
        %gather3A_424 = vector.shape_cast %broadcast_in_dim3A_423 : vector<16x1xi32> to vector<16xi32>
        %gather3A_425 = tpu.dynamic_gather %add3A_419[%gather3A_424] in [0] : vector<16xf32>, vector<16xi32> -> vector<16xf32>
        %add3A_426 = arith.addf %add3A_419, %gather3A_425 : vector<16xf32>
        %xor3A_427 = arith.constant 4 : i32
        %xor3A_428 = vector.broadcast %xor3A_427 : i32 to vector<16xi32>
        %xor3A_429 = arith.xori %iota3A_412, %xor3A_428 : vector<16xi32>
        %broadcast_in_dim3A_430 = vector.shape_cast %xor3A_429 : vector<16xi32> to vector<16x1xi32>
        %gather3A_431 = vector.shape_cast %broadcast_in_dim3A_430 : vector<16x1xi32> to vector<16xi32>
        %gather3A_432 = tpu.dynamic_gather %add3A_426[%gather3A_431] in [0] : vector<16xf32>, vector<16xi32> -> vector<16xf32>
        %add3A_433 = arith.addf %add3A_426, %gather3A_432 : vector<16xf32>
        %xor3A_434 = arith.constant 8 : i32
        %xor3A_435 = vector.broadcast %xor3A_434 : i32 to vector<16xi32>
        %xor3A_436 = arith.xori %iota3A_412, %xor3A_435 : vector<16xi32>
        %broadcast_in_dim3A_437 = vector.shape_cast %xor3A_436 : vector<16xi32> to vector<16x1xi32>
        %gather3A_438 = vector.shape_cast %broadcast_in_dim3A_437 : vector<16x1xi32> to vector<16xi32>
        %gather3A_439 = tpu.dynamic_gather %add3A_433[%gather3A_438] in [0] : vector<16xf32>, vector<16xi32> -> vector<16xf32>
        %add3A_440 = arith.addf %add3A_433, %gather3A_439 : vector<16xf32>
        %exp3A_441 = math.exp %add3A_440 : vector<16xf32>
        %mul3A_442 = arith.mulf %exp3A_441, %get3A_248 : vector<16xf32>
        %swap3A_443 = arith.index_cast %scan3A_169 : i32 to index
        %swap3A_444 = arith.constant 64 : index
        %swap3A_445 = tpu.vector_load %arg16[%swap3A_443, %swap3A_444] {strides = array<i32>} : memref<80x128xf32, #tpu.memory_space<vmem>>, vector<1x16xf32>,
        %swap3A_446 = vector.shape_cast %swap3A_445 : vector<1x16xf32> to vector<16xf32>
        %swap3A_447 = vector.shape_cast %mul3A_442 : vector<16xf32> to vector<1x16xf32>
        tpu.vector_store %arg16[%swap3A_443, %swap3A_444], %swap3A_447 {strides = array<i32>} : memref<80x128xf32, #tpu.memory_space<vmem>>, vector<1x16xf32>,
        %mul3A_448 = arith.mulf %exp3A_441, %get3A_267 : vector<16xf32>
        %swap3A_449 = arith.index_cast %scan3A_169 : i32 to index
        %swap3A_450 = arith.constant 80 : index
        %swap3A_451 = tpu.vector_load %arg16[%swap3A_449, %swap3A_450] {strides = array<i32>} : memref<80x128xf32, #tpu.memory_space<vmem>>, vector<1x16xf32>,
        %swap3A_452 = vector.shape_cast %swap3A_451 : vector<1x16xf32> to vector<16xf32>
        %swap3A_453 = vector.shape_cast %mul3A_448 : vector<16xf32> to vector<1x16xf32>
        tpu.vector_store %arg16[%swap3A_449, %swap3A_450], %swap3A_453 {strides = array<i32>} : memref<80x128xf32, #tpu.memory_space<vmem>>, vector<1x16xf32>,
        %eq3A_454 = arith.constant 2 : i32
        %eq3A_455 = vector.broadcast %eq3A_454 : i32 to vector<16xi32>
        %eq3A_456 = arith.cmpi eq, %iota3A, %eq3A_455 : vector<16xi32>
        %select_n3A_457 = arith.select %eq3A_456, %exp3A_441, %select_n3A_410 : vector<16xi1>, vector<16xf32>
        %add3A_458 = arith.addf %mul3A_301, %mul3A_320 : vector<16xf32>
        %iota3A_459 = tpu.iota {dimensions = array<i32: 0>} : vector<16xi32>
        %xor3A_460 = arith.constant 1 : i32
        %xor3A_461 = vector.broadcast %xor3A_460 : i32 to vector<16xi32>
        %xor3A_462 = arith.xori %iota3A_459, %xor3A_461 : vector<16xi32>
        %broadcast_in_dim3A_463 = vector.shape_cast %xor3A_462 : vector<16xi32> to vector<16x1xi32>
        %gather3A_464 = vector.shape_cast %broadcast_in_dim3A_463 : vector<16x1xi32> to vector<16xi32>
        %gather3A_465 = tpu.dynamic_gather %add3A_458[%gather3A_464] in [0] : vector<16xf32>, vector<16xi32> -> vector<16xf32>
        %add3A_466 = arith.addf %add3A_458, %gather3A_465 : vector<16xf32>
        %xor3A_467 = arith.constant 2 : i32
        %xor3A_468 = vector.broadcast %xor3A_467 : i32 to vector<16xi32>
        %xor3A_469 = arith.xori %iota3A_459, %xor3A_468 : vector<16xi32>
        %broadcast_in_dim3A_470 = vector.shape_cast %xor3A_469 : vector<16xi32> to vector<16x1xi32>
        %gather3A_471 = vector.shape_cast %broadcast_in_dim3A_470 : vector<16x1xi32> to vector<16xi32>
        %gather3A_472 = tpu.dynamic_gather %add3A_466[%gather3A_471] in [0] : vector<16xf32>, vector<16xi32> -> vector<16xf32>
        %add3A_473 = arith.addf %add3A_466, %gather3A_472 : vector<16xf32>
        %xor3A_474 = arith.constant 4 : i32
        %xor3A_475 = vector.broadcast %xor3A_474 : i32 to vector<16xi32>
        %xor3A_476 = arith.xori %iota3A_459, %xor3A_475 : vector<16xi32>
        %broadcast_in_dim3A_477 = vector.shape_cast %xor3A_476 : vector<16xi32> to vector<16x1xi32>
        %gather3A_478 = vector.shape_cast %broadcast_in_dim3A_477 : vector<16x1xi32> to vector<16xi32>
        %gather3A_479 = tpu.dynamic_gather %add3A_473[%gather3A_478] in [0] : vector<16xf32>, vector<16xi32> -> vector<16xf32>
        %add3A_480 = arith.addf %add3A_473, %gather3A_479 : vector<16xf32>
        %xor3A_481 = arith.constant 8 : i32
        %xor3A_482 = vector.broadcast %xor3A_481 : i32 to vector<16xi32>
        %xor3A_483 = arith.xori %iota3A_459, %xor3A_482 : vector<16xi32>
        %broadcast_in_dim3A_484 = vector.shape_cast %xor3A_483 : vector<16xi32> to vector<16x1xi32>
        %gather3A_485 = vector.shape_cast %broadcast_in_dim3A_484 : vector<16x1xi32> to vector<16xi32>
        %gather3A_486 = tpu.dynamic_gather %add3A_480[%gather3A_485] in [0] : vector<16xf32>, vector<16xi32> -> vector<16xf32>
        %add3A_487 = arith.addf %add3A_480, %gather3A_486 : vector<16xf32>
        %exp3A_488 = math.exp %add3A_487 : vector<16xf32>
        %mul3A_489 = arith.mulf %exp3A_488, %get3A_286 : vector<16xf32>
        %swap3A_490 = arith.index_cast %scan3A_169 : i32 to index
        %swap3A_491 = arith.constant 96 : index
        %swap3A_492 = tpu.vector_load %arg16[%swap3A_490, %swap3A_491] {strides = array<i32>} : memref<80x128xf32, #tpu.memory_space<vmem>>, vector<1x16xf32>,
        %swap3A_493 = vector.shape_cast %swap3A_492 : vector<1x16xf32> to vector<16xf32>
        %swap3A_494 = vector.shape_cast %mul3A_489 : vector<16xf32> to vector<1x16xf32>
        tpu.vector_store %arg16[%swap3A_490, %swap3A_491], %swap3A_494 {strides = array<i32>} : memref<80x128xf32, #tpu.memory_space<vmem>>, vector<1x16xf32>,
        %mul3A_495 = arith.mulf %exp3A_488, %get3A_305 : vector<16xf32>
        %swap3A_496 = arith.index_cast %scan3A_169 : i32 to index
        %swap3A_497 = arith.constant 112 : index
        %swap3A_498 = tpu.vector_load %arg16[%swap3A_496, %swap3A_497] {strides = array<i32>} : memref<80x128xf32, #tpu.memory_space<vmem>>, vector<1x16xf32>,
        %swap3A_499 = vector.shape_cast %swap3A_498 : vector<1x16xf32> to vector<16xf32>
        %swap3A_500 = vector.shape_cast %mul3A_495 : vector<16xf32> to vector<1x16xf32>
        tpu.vector_store %arg16[%swap3A_496, %swap3A_497], %swap3A_500 {strides = array<i32>} : memref<80x128xf32, #tpu.memory_space<vmem>>, vector<1x16xf32>,
        %eq3A_501 = arith.constant 3 : i32
        %eq3A_502 = vector.broadcast %eq3A_501 : i32 to vector<16xi32>
        %eq3A_503 = arith.cmpi eq, %iota3A, %eq3A_502 : vector<16xi32>
        %select_n3A_504 = arith.select %eq3A_503, %exp3A_488, %select_n3A_457 : vector<16xi1>, vector<16xf32>
        %and3A = arith.constant -16 : i32
        %and3A_505 = arith.andi %scan3A_169, %and3A : i32
        %get3A_506 = arith.index_cast %and3A_505 : i32 to index
        %get3A_507 = tpu.vector_load %arg11[%get3A_506] {strides = array<i32>} : memref<80xi32, #tpu.memory_space<vmem>>, vector<16xi32>,
        %get3A_508 = vector.shape_cast %get3A_507 : vector<16xi32> to vector<16xi32>
        %and3A_509 = arith.constant 15 : i32
        %and3A_510 = arith.andi %scan3A_169, %and3A_509 : i32
        %broadcast_in_dim3A_511 = vector.broadcast %and3A_510 : i32 to vector<16xi32>
        %and3A_512 = arith.constant 3 : i32
        %and3A_513 = vector.broadcast %and3A_512 : i32 to vector<16xi32>
        %and3A_514 = arith.andi %get3A_508, %and3A_513 : vector<16xi32>
        %broadcast_in_dim3A_515 = vector.shape_cast %broadcast_in_dim3A_511 : vector<16xi32> to vector<16x1xi32>
        %gather3A_516 = vector.shape_cast %broadcast_in_dim3A_515 : vector<16x1xi32> to vector<16xi32>
        %gather3A_517 = tpu.dynamic_gather %and3A_514[%gather3A_516] in [0] : vector<16xi32>, vector<16xi32> -> vector<16xi32>
        %shift_right_logical3A_518 = arith.constant 2 : i32
        %shift_right_logical3A_519 = vector.broadcast %shift_right_logical3A_518 : i32 to vector<16xi32>
        %shift_right_logical3A_520 = arith.shrui %get3A_508, %shift_right_logical3A_519 : vector<16xi32>
        %and3A_521 = arith.constant 7 : i32
        %and3A_522 = vector.broadcast %and3A_521 : i32 to vector<16xi32>
        %and3A_523 = arith.andi %shift_right_logical3A_520, %and3A_522 : vector<16xi32>
        %convert_element_type3A_524 = arith.sitofp %and3A_523 : vector<16xi32> to vector<16xf32>
        %broadcast_in_dim3A_525 = vector.shape_cast %broadcast_in_dim3A_511 : vector<16xi32> to vector<16x1xi32>
        %gather3A_526 = vector.shape_cast %broadcast_in_dim3A_525 : vector<16x1xi32> to vector<16xi32>
        %gather3A_527 = tpu.dynamic_gather %convert_element_type3A_524[%gather3A_526] in [0] : vector<16xf32>, vector<16xi32> -> vector<16xf32>
        %mul3A_528 = arith.constant 4 : i32
        %mul3A_529 = vector.broadcast %mul3A_528 : i32 to vector<16xi32>
        %mul3A_530 = arith.muli %mul3A_529, %gather3A_517 : vector<16xi32>
        %sub3A = arith.subi %iota3A, %mul3A_530 : vector<16xi32>
        %and3A_531 = arith.constant 15 : i32
        %and3A_532 = vector.broadcast %and3A_531 : i32 to vector<16xi32>
        %and3A_533 = arith.andi %sub3A, %and3A_532 : vector<16xi32>
        %broadcast_in_dim3A_534 = vector.shape_cast %and3A_533 : vector<16xi32> to vector<16x1xi32>
        %gather3A_535 = vector.shape_cast %broadcast_in_dim3A_534 : vector<16x1xi32> to vector<16xi32>
        %gather3A_536 = tpu.dynamic_gather %select_n3A_504[%gather3A_535] in [0] : vector<16xf32>, vector<16xi32> -> vector<16xf32>
        %sub3A_537 = arith.constant 0.000000e+00 : f32
        %sub3A_538 = vector.broadcast %sub3A_537 : f32 to vector<16xf32>
        %sub3A_539 = arith.subf %gather3A_527, %sub3A_538 : vector<16xf32>
        %mul3A_540 = arith.mulf %sub3A_539, %sub3A_539 : vector<16xf32>
        %sub3A_541 = arith.constant 1.000000e+00 : f32
        %sub3A_542 = vector.broadcast %sub3A_541 : f32 to vector<16xf32>
        %sub3A_543 = arith.subf %sub3A_542, %mul3A_540 : vector<16xf32>
        %max3A_544 = arith.constant 0.000000e+00 : f32
        %max3A_545 = vector.broadcast %max3A_544 : f32 to vector<16xf32>
        %max3A_546 = arith.maximumf %sub3A_543, %max3A_545 : vector<16xf32>
        %mul3A_547 = arith.mulf %gather3A_536, %max3A_546 : vector<16xf32>
        %swap3A_548 = arith.index_cast %scan3A_169 : i32 to index
        %swap3A_549 = arith.constant 0 : index
        %swap3A_550 = tpu.vector_load %arg15[%swap3A_548, %swap3A_549] {strides = array<i32>} : memref<80x128xf32, #tpu.memory_space<vmem>>, vector<1x16xf32>,
        %swap3A_551 = vector.shape_cast %swap3A_550 : vector<1x16xf32> to vector<16xf32>
        %swap3A_552 = vector.shape_cast %mul3A_547 : vector<16xf32> to vector<1x16xf32>
        tpu.vector_store %arg15[%swap3A_548, %swap3A_549], %swap3A_552 {strides = array<i32>} : memref<80x128xf32, #tpu.memory_space<vmem>>, vector<1x16xf32>,
        %sub3A_553 = arith.constant 1.000000e+00 : f32
        %sub3A_554 = vector.broadcast %sub3A_553 : f32 to vector<16xf32>
        %sub3A_555 = arith.subf %gather3A_527, %sub3A_554 : vector<16xf32>
        %mul3A_556 = arith.mulf %sub3A_555, %sub3A_555 : vector<16xf32>
        %sub3A_557 = arith.constant 1.000000e+00 : f32
        %sub3A_558 = vector.broadcast %sub3A_557 : f32 to vector<16xf32>
        %sub3A_559 = arith.subf %sub3A_558, %mul3A_556 : vector<16xf32>
        %max3A_560 = arith.constant 0.000000e+00 : f32
        %max3A_561 = vector.broadcast %max3A_560 : f32 to vector<16xf32>
        %max3A_562 = arith.maximumf %sub3A_559, %max3A_561 : vector<16xf32>
        %mul3A_563 = arith.mulf %gather3A_536, %max3A_562 : vector<16xf32>
        %swap3A_564 = arith.index_cast %scan3A_169 : i32 to index
        %swap3A_565 = arith.constant 16 : index
        %swap3A_566 = tpu.vector_load %arg15[%swap3A_564, %swap3A_565] {strides = array<i32>} : memref<80x128xf32, #tpu.memory_space<vmem>>, vector<1x16xf32>,
        %swap3A_567 = vector.shape_cast %swap3A_566 : vector<1x16xf32> to vector<16xf32>
        %swap3A_568 = vector.shape_cast %mul3A_563 : vector<16xf32> to vector<1x16xf32>
        tpu.vector_store %arg15[%swap3A_564, %swap3A_565], %swap3A_568 {strides = array<i32>} : memref<80x128xf32, #tpu.memory_space<vmem>>, vector<1x16xf32>,
        %sub3A_569 = arith.constant 2.000000e+00 : f32
        %sub3A_570 = vector.broadcast %sub3A_569 : f32 to vector<16xf32>
        %sub3A_571 = arith.subf %gather3A_527, %sub3A_570 : vector<16xf32>
        %mul3A_572 = arith.mulf %sub3A_571, %sub3A_571 : vector<16xf32>
        %sub3A_573 = arith.constant 1.000000e+00 : f32
        %sub3A_574 = vector.broadcast %sub3A_573 : f32 to vector<16xf32>
        %sub3A_575 = arith.subf %sub3A_574, %mul3A_572 : vector<16xf32>
        %max3A_576 = arith.constant 0.000000e+00 : f32
        %max3A_577 = vector.broadcast %max3A_576 : f32 to vector<16xf32>
        %max3A_578 = arith.maximumf %sub3A_575, %max3A_577 : vector<16xf32>
        %mul3A_579 = arith.mulf %gather3A_536, %max3A_578 : vector<16xf32>
        %swap3A_580 = arith.index_cast %scan3A_169 : i32 to index
        %swap3A_581 = arith.constant 32 : index
        %swap3A_582 = tpu.vector_load %arg15[%swap3A_580, %swap3A_581] {strides = array<i32>} : memref<80x128xf32, #tpu.memory_space<vmem>>, vector<1x16xf32>,
        %swap3A_583 = vector.shape_cast %swap3A_582 : vector<1x16xf32> to vector<16xf32>
        %swap3A_584 = vector.shape_cast %mul3A_579 : vector<16xf32> to vector<1x16xf32>
        tpu.vector_store %arg15[%swap3A_580, %swap3A_581], %swap3A_584 {strides = array<i32>} : memref<80x128xf32, #tpu.memory_space<vmem>>, vector<1x16xf32>,
        %sub3A_585 = arith.constant 3.000000e+00 : f32
        %sub3A_586 = vector.broadcast %sub3A_585 : f32 to vector<16xf32>
        %sub3A_587 = arith.subf %gather3A_527, %sub3A_586 : vector<16xf32>
        %mul3A_588 = arith.mulf %sub3A_587, %sub3A_587 : vector<16xf32>
        %sub3A_589 = arith.constant 1.000000e+00 : f32
        %sub3A_590 = vector.broadcast %sub3A_589 : f32 to vector<16xf32>
        %sub3A_591 = arith.subf %sub3A_590, %mul3A_588 : vector<16xf32>
        %max3A_592 = arith.constant 0.000000e+00 : f32
        %max3A_593 = vector.broadcast %max3A_592 : f32 to vector<16xf32>
        %max3A_594 = arith.maximumf %sub3A_591, %max3A_593 : vector<16xf32>
        %mul3A_595 = arith.mulf %gather3A_536, %max3A_594 : vector<16xf32>
        %swap3A_596 = arith.index_cast %scan3A_169 : i32 to index
        %swap3A_597 = arith.constant 48 : index
        %swap3A_598 = tpu.vector_load %arg15[%swap3A_596, %swap3A_597] {strides = array<i32>} : memref<80x128xf32, #tpu.memory_space<vmem>>, vector<1x16xf32>,
        %swap3A_599 = vector.shape_cast %swap3A_598 : vector<1x16xf32> to vector<16xf32>
        %swap3A_600 = vector.shape_cast %mul3A_595 : vector<16xf32> to vector<1x16xf32>
        tpu.vector_store %arg15[%swap3A_596, %swap3A_597], %swap3A_600 {strides = array<i32>} : memref<80x128xf32, #tpu.memory_space<vmem>>, vector<1x16xf32>,
        %sub3A_601 = arith.constant 4.000000e+00 : f32
        %sub3A_602 = vector.broadcast %sub3A_601 : f32 to vector<16xf32>
        %sub3A_603 = arith.subf %gather3A_527, %sub3A_602 : vector<16xf32>
        %mul3A_604 = arith.mulf %sub3A_603, %sub3A_603 : vector<16xf32>
        %sub3A_605 = arith.constant 1.000000e+00 : f32
        %sub3A_606 = vector.broadcast %sub3A_605 : f32 to vector<16xf32>
        %sub3A_607 = arith.subf %sub3A_606, %mul3A_604 : vector<16xf32>
        %max3A_608 = arith.constant 0.000000e+00 : f32
        %max3A_609 = vector.broadcast %max3A_608 : f32 to vector<16xf32>
        %max3A_610 = arith.maximumf %sub3A_607, %max3A_609 : vector<16xf32>
        %mul3A_611 = arith.mulf %gather3A_536, %max3A_610 : vector<16xf32>
        %swap3A_612 = arith.index_cast %scan3A_169 : i32 to index
        %swap3A_613 = arith.constant 64 : index
        %swap3A_614 = tpu.vector_load %arg15[%swap3A_612, %swap3A_613] {strides = array<i32>} : memref<80x128xf32, #tpu.memory_space<vmem>>, vector<1x16xf32>,
        %swap3A_615 = vector.shape_cast %swap3A_614 : vector<1x16xf32> to vector<16xf32>
        %swap3A_616 = vector.shape_cast %mul3A_611 : vector<16xf32> to vector<1x16xf32>
        tpu.vector_store %arg15[%swap3A_612, %swap3A_613], %swap3A_616 {strides = array<i32>} : memref<80x128xf32, #tpu.memory_space<vmem>>, vector<1x16xf32>,
        %sub3A_617 = arith.constant 5.000000e+00 : f32
        %sub3A_618 = vector.broadcast %sub3A_617 : f32 to vector<16xf32>
        %sub3A_619 = arith.subf %gather3A_527, %sub3A_618 : vector<16xf32>
        %mul3A_620 = arith.mulf %sub3A_619, %sub3A_619 : vector<16xf32>
        %sub3A_621 = arith.constant 1.000000e+00 : f32
        %sub3A_622 = vector.broadcast %sub3A_621 : f32 to vector<16xf32>
        %sub3A_623 = arith.subf %sub3A_622, %mul3A_620 : vector<16xf32>
        %max3A_624 = arith.constant 0.000000e+00 : f32
        %max3A_625 = vector.broadcast %max3A_624 : f32 to vector<16xf32>
        %max3A_626 = arith.maximumf %sub3A_623, %max3A_625 : vector<16xf32>
        %mul3A_627 = arith.mulf %gather3A_536, %max3A_626 : vector<16xf32>
        %swap3A_628 = arith.index_cast %scan3A_169 : i32 to index
        %swap3A_629 = arith.constant 80 : index
        %swap3A_630 = tpu.vector_load %arg15[%swap3A_628, %swap3A_629] {strides = array<i32>} : memref<80x128xf32, #tpu.memory_space<vmem>>, vector<1x16xf32>,
        %swap3A_631 = vector.shape_cast %swap3A_630 : vector<1x16xf32> to vector<16xf32>
        %swap3A_632 = vector.shape_cast %mul3A_627 : vector<16xf32> to vector<1x16xf32>
        tpu.vector_store %arg15[%swap3A_628, %swap3A_629], %swap3A_632 {strides = array<i32>} : memref<80x128xf32, #tpu.memory_space<vmem>>, vector<1x16xf32>,
        %sub3A_633 = arith.constant 6.000000e+00 : f32
        %sub3A_634 = vector.broadcast %sub3A_633 : f32 to vector<16xf32>
        %sub3A_635 = arith.subf %gather3A_527, %sub3A_634 : vector<16xf32>
        %mul3A_636 = arith.mulf %sub3A_635, %sub3A_635 : vector<16xf32>
        %sub3A_637 = arith.constant 1.000000e+00 : f32
        %sub3A_638 = vector.broadcast %sub3A_637 : f32 to vector<16xf32>
        %sub3A_639 = arith.subf %sub3A_638, %mul3A_636 : vector<16xf32>
        %max3A_640 = arith.constant 0.000000e+00 : f32
        %max3A_641 = vector.broadcast %max3A_640 : f32 to vector<16xf32>
        %max3A_642 = arith.maximumf %sub3A_639, %max3A_641 : vector<16xf32>
        %mul3A_643 = arith.mulf %gather3A_536, %max3A_642 : vector<16xf32>
        %swap3A_644 = arith.index_cast %scan3A_169 : i32 to index
        %swap3A_645 = arith.constant 96 : index
        %swap3A_646 = tpu.vector_load %arg15[%swap3A_644, %swap3A_645] {strides = array<i32>} : memref<80x128xf32, #tpu.memory_space<vmem>>, vector<1x16xf32>,
        %swap3A_647 = vector.shape_cast %swap3A_646 : vector<1x16xf32> to vector<16xf32>
        %swap3A_648 = vector.shape_cast %mul3A_643 : vector<16xf32> to vector<1x16xf32>
        tpu.vector_store %arg15[%swap3A_644, %swap3A_645], %swap3A_648 {strides = array<i32>} : memref<80x128xf32, #tpu.memory_space<vmem>>, vector<1x16xf32>,
        %sub3A_649 = arith.constant 7.000000e+00 : f32
        %sub3A_650 = vector.broadcast %sub3A_649 : f32 to vector<16xf32>
        %sub3A_651 = arith.subf %gather3A_527, %sub3A_650 : vector<16xf32>
        %mul3A_652 = arith.mulf %sub3A_651, %sub3A_651 : vector<16xf32>
        %sub3A_653 = arith.constant 1.000000e+00 : f32
        %sub3A_654 = vector.broadcast %sub3A_653 : f32 to vector<16xf32>
        %sub3A_655 = arith.subf %sub3A_654, %mul3A_652 : vector<16xf32>
        %max3A_656 = arith.constant 0.000000e+00 : f32
        %max3A_657 = vector.broadcast %max3A_656 : f32 to vector<16xf32>
        %max3A_658 = arith.maximumf %sub3A_655, %max3A_657 : vector<16xf32>
        %mul3A_659 = arith.mulf %gather3A_536, %max3A_658 : vector<16xf32>
        %swap3A_660 = arith.index_cast %scan3A_169 : i32 to index
        %swap3A_661 = arith.constant 112 : index
        %swap3A_662 = tpu.vector_load %arg15[%swap3A_660, %swap3A_661] {strides = array<i32>} : memref<80x128xf32, #tpu.memory_space<vmem>>, vector<1x16xf32>,
        %swap3A_663 = vector.shape_cast %swap3A_662 : vector<1x16xf32> to vector<16xf32>
        %swap3A_664 = vector.shape_cast %mul3A_659 : vector<16xf32> to vector<1x16xf32>
        tpu.vector_store %arg15[%swap3A_660, %swap3A_661], %swap3A_664 {strides = array<i32>} : memref<80x128xf32, #tpu.memory_space<vmem>>, vector<1x16xf32>,
      }
      %scan3A_162 = arith.constant 80 : i32
      %dma_start3A_163 = arith.constant 0 : i32
      %dma_start3A_164 = arith.constant 0 : i32
      %dma_start3A_165 = tpu.memref_slice %arg18[%dma_start3A_163, %dma_start3A_164] : memref<10000x128xf32, #tpu.memory_space<vmem_shared>> -> memref<10000x128xf32, #tpu.memory_space<vmem_shared>>
      tpu.enqueue_indirect_dma source(%arg16 : memref<80x128xf32, #tpu.memory_space<vmem>>) target(%dma_start3A_165 : memref<10000x128xf32, #tpu.memory_space<vmem_shared>>) offsets(%arg11 : memref<80xi32, #tpu.memory_space<vmem>>) semaphore(%arg23 : memref<!tpu.dma_semaphore, #tpu.memory_space<semaphore_mem>>) {add = true}
      %dma_start3A_166 = arith.constant 0 : i32
      %dma_start3A_167 = arith.constant 0 : i32
      %dma_start3A_168 = tpu.memref_slice %arg19[%dma_start3A_166, %dma_start3A_167] : memref<320x128xf32, #tpu.memory_space<vmem_shared>> -> memref<320x128xf32, #tpu.memory_space<vmem_shared>>
      tpu.enqueue_indirect_dma source(%arg15 : memref<80x128xf32, #tpu.memory_space<vmem>>) target(%dma_start3A_168 : memref<320x128xf32, #tpu.memory_space<vmem_shared>>) offsets(%arg12 : memref<80xi32, #tpu.memory_space<vmem>>) semaphore(%arg24 : memref<!tpu.dma_semaphore, #tpu.memory_space<semaphore_mem>>) {add = true}
    }
    %scan3A_63 = arith.constant 125 : i32
    %dma_wait3A = arith.constant 0 : i32
    %dma_wait3A_64 = arith.constant 0 : i32
    %dma_wait3A_65 = tpu.memref_slice %arg18[%dma_wait3A, %dma_wait3A_64] : memref<10000x128xf32, #tpu.memory_space<vmem_shared>> -> memref<10000x128xf32, #tpu.memory_space<vmem_shared>>
    tpu.wait_indirect_dma semaphore(%arg23 : memref<!tpu.dma_semaphore, #tpu.memory_space<semaphore_mem>>) src(%arg16 : memref<80x128xf32, #tpu.memory_space<vmem>>) dst(%dma_wait3A_65 : memref<10000x128xf32, #tpu.memory_space<vmem_shared>>)
    %dma_wait3A_66 = arith.constant 0 : i32
    %dma_wait3A_67 = arith.constant 0 : i32
    %dma_wait3A_68 = tpu.memref_slice %arg19[%dma_wait3A_66, %dma_wait3A_67] : memref<320x128xf32, #tpu.memory_space<vmem_shared>> -> memref<320x128xf32, #tpu.memory_space<vmem_shared>>
    tpu.wait_indirect_dma semaphore(%arg24 : memref<!tpu.dma_semaphore, #tpu.memory_space<semaphore_mem>>) src(%arg15 : memref<80x128xf32, #tpu.memory_space<vmem>>) dst(%dma_wait3A_68 : memref<320x128xf32, #tpu.memory_space<vmem_shared>>)
    %barrier3A_69 = arith.constant 0 : index
    tpu.barrier barrier_id(%barrier3A_69)
    %mul3A_70 = arith.constant 624 : i32
    %mul3A_71 = arith.muli %arg1, %mul3A_70 : i32
    "tpu.region"() ({
      %run_scoped3A = tpu.sem_alloc : memref<!tpu.dma_semaphore, #tpu.memory_space<semaphore_mem>>
      %dma_start3A = arith.constant 0 : i32
      %dma_start3A_82 = tpu.memref_slice %arg8[%arg0, %mul3A_71, %dma_start3A] : memref<2x10000x128xf32, #tpu.memory_space<hbm>> -> memref<1x624x128xf32, #tpu.memory_space<hbm>>
      %dma_start3A_83 = tpu.memref_squeeze %dma_start3A_82 : memref<1x624x128xf32, #tpu.memory_space<hbm>> -> memref<624x128xf32, #tpu.memory_space<hbm>>
      %dma_start3A_84 = arith.constant 0 : i32
      %dma_start3A_85 = tpu.memref_slice %arg18[%mul3A_71, %dma_start3A_84] : memref<10000x128xf32, #tpu.memory_space<vmem_shared>> -> memref<624x128xf32, #tpu.memory_space<vmem_shared>>
      tpu.enqueue_dma source(%dma_start3A_85 : memref<624x128xf32, #tpu.memory_space<vmem_shared>>) target(%dma_start3A_83 : memref<624x128xf32, #tpu.memory_space<hbm>>) target_semaphore(%run_scoped3A : memref<!tpu.dma_semaphore, #tpu.memory_space<semaphore_mem>>)
      %dma_wait3A_86 = arith.constant 0 : i32
      %dma_wait3A_87 = tpu.memref_slice %arg8[%arg0, %mul3A_71, %dma_wait3A_86] : memref<2x10000x128xf32, #tpu.memory_space<hbm>> -> memref<1x624x128xf32, #tpu.memory_space<hbm>>
      %dma_wait3A_88 = tpu.memref_squeeze %dma_wait3A_87 : memref<1x624x128xf32, #tpu.memory_space<hbm>> -> memref<624x128xf32, #tpu.memory_space<hbm>>
      %dma_wait3A_89 = arith.constant 0 : i32
      %dma_wait3A_90 = tpu.memref_slice %arg18[%mul3A_71, %dma_wait3A_89] : memref<10000x128xf32, #tpu.memory_space<vmem_shared>> -> memref<624x128xf32, #tpu.memory_space<vmem_shared>>
      tpu.wait_dma2 semaphore(%run_scoped3A : memref<!tpu.dma_semaphore, #tpu.memory_space<semaphore_mem>>) src(%dma_wait3A_90 : memref<624x128xf32, #tpu.memory_space<vmem_shared>>) dst(%dma_wait3A_88 : memref<624x128xf32, #tpu.memory_space<hbm>>)
      tpu.yield
    }) : () -> ()
    %eq3A_72 = arith.constant 15 : i32
    %eq3A_73 = arith.cmpi eq, %arg1, %eq3A_72 : i32
    %convert_element_type3A_74 = arith.extui %eq3A_73 : i1 to i32
    %cond3A_75 = arith.constant 0 : i32
    %cond3A_76 = arith.cmpi ne, %convert_element_type3A_74, %cond3A_75 : i32
    scf.if %cond3A_76 {
      "tpu.region"() ({
        %run_scoped3A = tpu.sem_alloc : memref<!tpu.dma_semaphore, #tpu.memory_space<semaphore_mem>>
        %dma_start3A = arith.constant 9984 : i32
        %dma_start3A_82 = arith.constant 0 : i32
        %dma_start3A_83 = tpu.memref_slice %arg8[%arg0, %dma_start3A, %dma_start3A_82] : memref<2x10000x128xf32, #tpu.memory_space<hbm>> -> memref<1x16x128xf32, #tpu.memory_space<hbm>>
        %dma_start3A_84 = tpu.memref_squeeze %dma_start3A_83 : memref<1x16x128xf32, #tpu.memory_space<hbm>> -> memref<16x128xf32, #tpu.memory_space<hbm>>
        %dma_start3A_85 = arith.constant 9984 : i32
        %dma_start3A_86 = arith.constant 0 : i32
        %dma_start3A_87 = tpu.memref_slice %arg18[%dma_start3A_85, %dma_start3A_86] : memref<10000x128xf32, #tpu.memory_space<vmem_shared>> -> memref<16x128xf32, #tpu.memory_space<vmem_shared>>
        tpu.enqueue_dma source(%dma_start3A_87 : memref<16x128xf32, #tpu.memory_space<vmem_shared>>) target(%dma_start3A_84 : memref<16x128xf32, #tpu.memory_space<hbm>>) target_semaphore(%run_scoped3A : memref<!tpu.dma_semaphore, #tpu.memory_space<semaphore_mem>>)
        %dma_wait3A_88 = arith.constant 9984 : i32
        %dma_wait3A_89 = arith.constant 0 : i32
        %dma_wait3A_90 = tpu.memref_slice %arg8[%arg0, %dma_wait3A_88, %dma_wait3A_89] : memref<2x10000x128xf32, #tpu.memory_space<hbm>> -> memref<1x16x128xf32, #tpu.memory_space<hbm>>
        %dma_wait3A_91 = tpu.memref_squeeze %dma_wait3A_90 : memref<1x16x128xf32, #tpu.memory_space<hbm>> -> memref<16x128xf32, #tpu.memory_space<hbm>>
        %dma_wait3A_92 = arith.constant 9984 : i32
        %dma_wait3A_93 = arith.constant 0 : i32
        %dma_wait3A_94 = tpu.memref_slice %arg18[%dma_wait3A_92, %dma_wait3A_93] : memref<10000x128xf32, #tpu.memory_space<vmem_shared>> -> memref<16x128xf32, #tpu.memory_space<vmem_shared>>
        tpu.wait_dma2 semaphore(%run_scoped3A : memref<!tpu.dma_semaphore, #tpu.memory_space<semaphore_mem>>) src(%dma_wait3A_94 : memref<16x128xf32, #tpu.memory_space<vmem_shared>>) dst(%dma_wait3A_91 : memref<16x128xf32, #tpu.memory_space<hbm>>)
        tpu.yield
      }) : () -> ()
    } else {
    }
    %lt3A_77 = arith.constant 10 : i32
    %lt3A_78 = arith.cmpi slt, %arg1, %lt3A_77 : i32
    %convert_element_type3A_79 = arith.extui %lt3A_78 : i1 to i32
    %cond3A_80 = arith.constant 0 : i32
    %cond3A_81 = arith.cmpi ne, %convert_element_type3A_79, %cond3A_80 : i32
    scf.if %cond3A_81 {
      %mul3A_82 = arith.constant 32 : i32
      %mul3A_83 = arith.muli %arg1, %mul3A_82 : i32
      %mul3A_84 = arith.constant 32 : i32
      %mul3A_85 = arith.muli %arg1, %mul3A_84 : i32
      "tpu.region"() ({
        %run_scoped3A = tpu.sem_alloc : memref<!tpu.dma_semaphore, #tpu.memory_space<semaphore_mem>>
        %dma_start3A = arith.constant 0 : i32
        %dma_start3A_86 = tpu.memref_slice %arg9[%arg0, %mul3A_85, %dma_start3A] : memref<2x320x128xf32, #tpu.memory_space<hbm>> -> memref<1x32x128xf32, #tpu.memory_space<hbm>>
        %dma_start3A_87 = tpu.memref_squeeze %dma_start3A_86 : memref<1x32x128xf32, #tpu.memory_space<hbm>> -> memref<32x128xf32, #tpu.memory_space<hbm>>
        %dma_start3A_88 = arith.constant 0 : i32
        %dma_start3A_89 = tpu.memref_slice %arg19[%mul3A_83, %dma_start3A_88] : memref<320x128xf32, #tpu.memory_space<vmem_shared>> -> memref<32x128xf32, #tpu.memory_space<vmem_shared>>
        tpu.enqueue_dma source(%dma_start3A_89 : memref<32x128xf32, #tpu.memory_space<vmem_shared>>) target(%dma_start3A_87 : memref<32x128xf32, #tpu.memory_space<hbm>>) target_semaphore(%run_scoped3A : memref<!tpu.dma_semaphore, #tpu.memory_space<semaphore_mem>>)
        %dma_wait3A_90 = arith.constant 0 : i32
        %dma_wait3A_91 = tpu.memref_slice %arg9[%arg0, %mul3A_85, %dma_wait3A_90] : memref<2x320x128xf32, #tpu.memory_space<hbm>> -> memref<1x32x128xf32, #tpu.memory_space<hbm>>
        %dma_wait3A_92 = tpu.memref_squeeze %dma_wait3A_91 : memref<1x32x128xf32, #tpu.memory_space<hbm>> -> memref<32x128xf32, #tpu.memory_space<hbm>>
        %dma_wait3A_93 = arith.constant 0 : i32
        %dma_wait3A_94 = tpu.memref_slice %arg19[%mul3A_83, %dma_wait3A_93] : memref<320x128xf32, #tpu.memory_space<vmem_shared>> -> memref<32x128xf32, #tpu.memory_space<vmem_shared>>
        tpu.wait_dma2 semaphore(%run_scoped3A : memref<!tpu.dma_semaphore, #tpu.memory_space<semaphore_mem>>) src(%dma_wait3A_94 : memref<32x128xf32, #tpu.memory_space<vmem_shared>>) dst(%dma_wait3A_92 : memref<32x128xf32, #tpu.memory_space<hbm>>)
        tpu.yield
      }) : () -> ()
    } else {
    }
    return
  }
}

module attributes {stable_mosaic.version = 14 : i64} {
  func.func @_edge_mm_body(%arg0: i32, %arg1: memref<8000x16xf32, #tpu.memory_space<vmem>>, %arg2: memref<16x128xf32, #tpu.memory_space<vmem>>, %arg3: memref<16x64xf32, #tpu.memory_space<vmem>>, %arg4: memref<8000x128xf32, #tpu.memory_space<vmem>>, %arg5: memref<8000x64xf32, #tpu.memory_space<vmem>>) attributes {dimension_semantics = [#tpu.dimension_semantics<arbitrary>], iteration_bounds = array<i64: 40>, scalar_prefetch = 0 : i64, scratch_operands = 0 : i64, tpu.core_type = #tpu.core_type<tc>, window_params = [{transform_indices = @transform_0, window_bounds = array<i64: 8000, 16>}, {pipeline_mode = #tpu.pipeline_mode<synchronous>, transform_indices = @transform_1, window_bounds = array<i64: 16, 128>}, {pipeline_mode = #tpu.pipeline_mode<synchronous>, transform_indices = @transform_2, window_bounds = array<i64: 16, 64>}, {transform_indices = @transform_3, window_bounds = array<i64: 8000, 128>}, {transform_indices = @transform_4, window_bounds = array<i64: 8000, 64>}]} {
    %get3A = arith.constant 0 : index
    %get3A_0 = arith.constant 0 : index
    %get3A_1 = vector.load %arg1[%get3A, %get3A_0] : memref<8000x16xf32, #tpu.memory_space<vmem>>, vector<8000x16xf32>
    %get3A_2 = arith.constant 0 : index
    %get3A_3 = arith.constant 0 : index
    %get3A_4 = vector.load %arg2[%get3A_2, %get3A_3] : memref<16x128xf32, #tpu.memory_space<vmem>>, vector<16x128xf32>
    %dot_general3A = arith.constant dense<0.000000e+00> : vector<8000x128xf32>
    %dot_general3A_5 = tpu.matmul %get3A_1, %get3A_4, %dot_general3A {dimension_numbers = #tpu.dot_dimension_numbers<[1], [0], [0], [1], [0, 0, 1, 1], [], []>, transpose_lhs_hint = false} : vector<8000x16xf32>, vector<16x128xf32>, vector<8000x128xf32> -> vector<8000x128xf32>
    %swap3A = arith.constant 0 : index
    %swap3A_6 = arith.constant 0 : index
    %swap3A_7 = vector.load %arg4[%swap3A, %swap3A_6] : memref<8000x128xf32, #tpu.memory_space<vmem>>, vector<8000x128xf32>
    tpu.vector_store %arg4[%swap3A, %swap3A_6], %dot_general3A_5 {strides = array<i32>} : memref<8000x128xf32, #tpu.memory_space<vmem>>, vector<8000x128xf32>,
    %get3A_8 = arith.constant 0 : index
    %get3A_9 = arith.constant 0 : index
    %get3A_10 = vector.load %arg3[%get3A_8, %get3A_9] : memref<16x64xf32, #tpu.memory_space<vmem>>, vector<16x64xf32>
    %dot_general3A_11 = arith.constant dense<0.000000e+00> : vector<8000x64xf32>
    %dot_general3A_12 = tpu.matmul %get3A_1, %get3A_10, %dot_general3A_11 {dimension_numbers = #tpu.dot_dimension_numbers<[1], [0], [0], [1], [0, 0, 1, 1], [], []>, transpose_lhs_hint = false} : vector<8000x16xf32>, vector<16x64xf32>, vector<8000x64xf32> -> vector<8000x64xf32>
    %swap3A_13 = arith.constant 0 : index
    %swap3A_14 = arith.constant 0 : index
    %swap3A_15 = vector.load %arg5[%swap3A_13, %swap3A_14] : memref<8000x64xf32, #tpu.memory_space<vmem>>, vector<8000x64xf32>
    tpu.vector_store %arg5[%swap3A_13, %swap3A_14], %dot_general3A_12 {strides = array<i32>} : memref<8000x64xf32, #tpu.memory_space<vmem>>, vector<8000x64xf32>,
    return
  }
  func.func @transform_0(%arg0: i32) -> (i32, i32) {
    %c0_i32 = arith.constant 0 : i32
    %c0_i32_0 = arith.constant 0 : i32
    return %arg0, %c0_i32 : i32, i32
  }
  func.func @transform_1(%arg0: i32) -> (i32, i32) {
    %c0_i32 = arith.constant 0 : i32
    %c0_i32_0 = arith.constant 0 : i32
    %c0_i32_1 = arith.constant 0 : i32
    return %c0_i32, %c0_i32_0 : i32, i32
  }
  func.func @transform_2(%arg0: i32) -> (i32, i32) {
    %c0_i32 = arith.constant 0 : i32
    %c0_i32_0 = arith.constant 0 : i32
    %c0_i32_1 = arith.constant 0 : i32
    return %c0_i32, %c0_i32_0 : i32, i32
  }
  func.func @transform_3(%arg0: i32) -> (i32, i32) {
    %c0_i32 = arith.constant 0 : i32
    %c0_i32_0 = arith.constant 0 : i32
    return %arg0, %c0_i32 : i32, i32
  }
  func.func @transform_4(%arg0: i32) -> (i32, i32) {
    %c0_i32 = arith.constant 0 : i32
    %c0_i32_0 = arith.constant 0 : i32
    return %arg0, %c0_i32 : i32, i32
  }
}

module attributes {stable_mosaic.version = 14 : i64} {
  func.func @_node_mm_body(%arg0: memref<10000x128xf32, #tpu.memory_space<vmem>>, %arg1: memref<128x128xf32, #tpu.memory_space<vmem>>, %arg2: memref<128x128xf32, #tpu.memory_space<vmem>>, %arg3: memref<10000x128xf32, #tpu.memory_space<vmem>>, %arg4: memref<10000x128xf32, #tpu.memory_space<vmem>>) attributes {dimension_semantics = [], scalar_prefetch = 0 : i64, scratch_operands = 0 : i64, tpu.core_type = #tpu.core_type<tc>} {
    %get3A = arith.constant 0 : index
    %get3A_0 = arith.constant 0 : index
    %get3A_1 = vector.load %arg0[%get3A, %get3A_0] : memref<10000x128xf32, #tpu.memory_space<vmem>>, vector<10000x128xf32>
    %get3A_2 = arith.constant 0 : index
    %get3A_3 = arith.constant 0 : index
    %get3A_4 = vector.load %arg1[%get3A_2, %get3A_3] : memref<128x128xf32, #tpu.memory_space<vmem>>, vector<128x128xf32>
    %dot_general3A = arith.constant dense<0.000000e+00> : vector<10000x128xf32>
    %dot_general3A_5 = tpu.matmul %get3A_1, %get3A_4, %dot_general3A {dimension_numbers = #tpu.dot_dimension_numbers<[1], [0], [0], [1], [0, 0, 1, 1], [], []>, transpose_lhs_hint = false} : vector<10000x128xf32>, vector<128x128xf32>, vector<10000x128xf32> -> vector<10000x128xf32>
    %swap3A = arith.constant 0 : index
    %swap3A_6 = arith.constant 0 : index
    %swap3A_7 = vector.load %arg3[%swap3A, %swap3A_6] : memref<10000x128xf32, #tpu.memory_space<vmem>>, vector<10000x128xf32>
    tpu.vector_store %arg3[%swap3A, %swap3A_6], %dot_general3A_5 {strides = array<i32>} : memref<10000x128xf32, #tpu.memory_space<vmem>>, vector<10000x128xf32>,
    %get3A_8 = arith.constant 0 : index
    %get3A_9 = arith.constant 0 : index
    %get3A_10 = vector.load %arg2[%get3A_8, %get3A_9] : memref<128x128xf32, #tpu.memory_space<vmem>>, vector<128x128xf32>
    %dot_general3A_11 = arith.constant dense<0.000000e+00> : vector<10000x128xf32>
    %dot_general3A_12 = tpu.matmul %get3A_1, %get3A_10, %dot_general3A_11 {dimension_numbers = #tpu.dot_dimension_numbers<[1], [0], [0], [1], [0, 0, 1, 1], [], []>, transpose_lhs_hint = false} : vector<10000x128xf32>, vector<128x128xf32>, vector<10000x128xf32> -> vector<10000x128xf32>
    %swap3A_13 = arith.constant 0 : index
    %swap3A_14 = arith.constant 0 : index
    %swap3A_15 = vector.load %arg4[%swap3A_13, %swap3A_14] : memref<10000x128xf32, #tpu.memory_space<vmem>>, vector<10000x128xf32>
    tpu.vector_store %arg4[%swap3A_13, %swap3A_14], %dot_general3A_12 {strides = array<i32>} : memref<10000x128xf32, #tpu.memory_space<vmem>>, vector<10000x128xf32>,
    return
  }
}

module attributes {stable_mosaic.version = 14 : i64} {
  func.func @_combine0_body(%arg0: memref<2x10000x128xf32, #tpu.memory_space<vmem>>, %arg1: memref<2x10000x4xf32, #tpu.memory_space<vmem>>, %arg2: memref<1x128xf32, #tpu.memory_space<vmem>>, %arg3: memref<1x128xf32, #tpu.memory_space<vmem>>, %arg4: memref<1x128xf32, #tpu.memory_space<vmem>>, %arg5: memref<128x64xf32, #tpu.memory_space<vmem>>, %arg6: memref<128x64xf32, #tpu.memory_space<vmem>>, %arg7: memref<10000x128xf32, #tpu.memory_space<vmem>>) attributes {dimension_semantics = [], scalar_prefetch = 0 : i64, scratch_operands = 0 : i64, tpu.core_type = #tpu.core_type<tc>} {
    %get3A = arith.constant 0 : index
    %get3A_0 = arith.constant 0 : index
    %get3A_1 = arith.constant 0 : index
    %get3A_2 = vector.load %arg0[%get3A, %get3A_0, %get3A_1] : memref<2x10000x128xf32, #tpu.memory_space<vmem>>, vector<1x10000x128xf32>
    %get3A_3 = vector.shape_cast %get3A_2 : vector<1x10000x128xf32> to vector<10000x128xf32>
    %get3A_4 = arith.constant 1 : index
    %get3A_5 = arith.constant 0 : index
    %get3A_6 = arith.constant 0 : index
    %get3A_7 = vector.load %arg0[%get3A_4, %get3A_5, %get3A_6] : memref<2x10000x128xf32, #tpu.memory_space<vmem>>, vector<1x10000x128xf32>
    %get3A_8 = vector.shape_cast %get3A_7 : vector<1x10000x128xf32> to vector<10000x128xf32>
    %add3A = arith.addf %get3A_3, %get3A_8 : vector<10000x128xf32>
    %get3A_9 = arith.constant 0 : index
    %get3A_10 = arith.constant 0 : index
    %get3A_11 = arith.constant 0 : index
    %get3A_12 = vector.load %arg1[%get3A_9, %get3A_10, %get3A_11] : memref<2x10000x4xf32, #tpu.memory_space<vmem>>, vector<1x10000x4xf32>
    %get3A_13 = vector.shape_cast %get3A_12 : vector<1x10000x4xf32> to vector<10000x4xf32>
    %get3A_14 = arith.constant 1 : index
    %get3A_15 = arith.constant 0 : index
    %get3A_16 = arith.constant 0 : index
    %get3A_17 = vector.load %arg1[%get3A_14, %get3A_15, %get3A_16] : memref<2x10000x4xf32, #tpu.memory_space<vmem>>, vector<1x10000x4xf32>
    %get3A_18 = vector.shape_cast %get3A_17 : vector<1x10000x4xf32> to vector<10000x4xf32>
    %add3A_19 = arith.addf %get3A_13, %get3A_18 : vector<10000x4xf32>
    %slice3A = vector.extract_strided_slice %add3A_19 {offsets = [0, 0], sizes = [10000, 1], strides = [1, 1]} : vector<10000x4xf32> to vector<10000x1xf32>
    %broadcast_in_dim3A = vector.shape_cast %slice3A : vector<10000x1xf32> to vector<10000x1xf32>
    %broadcast_in_dim3A_20 = vector.broadcast %broadcast_in_dim3A : vector<10000x1xf32> to vector<10000x32xf32>
    %slice3A_21 = vector.extract_strided_slice %add3A_19 {offsets = [0, 1], sizes = [10000, 1], strides = [1, 1]} : vector<10000x4xf32> to vector<10000x1xf32>
    %broadcast_in_dim3A_22 = vector.shape_cast %slice3A_21 : vector<10000x1xf32> to vector<10000x1xf32>
    %broadcast_in_dim3A_23 = vector.broadcast %broadcast_in_dim3A_22 : vector<10000x1xf32> to vector<10000x32xf32>
    %slice3A_24 = vector.extract_strided_slice %add3A_19 {offsets = [0, 2], sizes = [10000, 1], strides = [1, 1]} : vector<10000x4xf32> to vector<10000x1xf32>
    %broadcast_in_dim3A_25 = vector.shape_cast %slice3A_24 : vector<10000x1xf32> to vector<10000x1xf32>
    %broadcast_in_dim3A_26 = vector.broadcast %broadcast_in_dim3A_25 : vector<10000x1xf32> to vector<10000x32xf32>
    %slice3A_27 = vector.extract_strided_slice %add3A_19 {offsets = [0, 3], sizes = [10000, 1], strides = [1, 1]} : vector<10000x4xf32> to vector<10000x1xf32>
    %broadcast_in_dim3A_28 = vector.shape_cast %slice3A_27 : vector<10000x1xf32> to vector<10000x1xf32>
    %broadcast_in_dim3A_29 = vector.broadcast %broadcast_in_dim3A_28 : vector<10000x1xf32> to vector<10000x32xf32>
    %concatenate3A = tpu.concatenate %broadcast_in_dim3A_20, %broadcast_in_dim3A_23, %broadcast_in_dim3A_26, %broadcast_in_dim3A_29 in 1 : vector<10000x32xf32>, vector<10000x32xf32>, vector<10000x32xf32>, vector<10000x32xf32> -> vector<10000x128xf32>
    %add3A_30 = arith.constant 1.000000e-16 : f32
    %add3A_31 = vector.broadcast %add3A_30 : f32 to vector<10000x128xf32>
    %add3A_32 = arith.addf %concatenate3A, %add3A_31 : vector<10000x128xf32>
    %div3A = arith.divf %add3A, %add3A_32 : vector<10000x128xf32>
    %get3A_33 = arith.constant 0 : index
    %get3A_34 = arith.constant 0 : index
    %get3A_35 = vector.load %arg2[%get3A_33, %get3A_34] : memref<1x128xf32, #tpu.memory_space<vmem>>, vector<1x128xf32>
    %add3A_36 = vector.broadcast %get3A_35 : vector<1x128xf32> to vector<10000x128xf32>
    %add3A_37 = arith.addf %div3A, %add3A_36 : vector<10000x128xf32>
    %gt3A = arith.constant 0.000000e+00 : f32
    %gt3A_38 = vector.broadcast %gt3A : f32 to vector<10000x128xf32>
    %gt3A_39 = arith.cmpf ogt, %add3A_37, %gt3A_38 : vector<10000x128xf32>
    %min3A = arith.constant 0.000000e+00 : f32
    %min3A_40 = vector.broadcast %min3A : f32 to vector<10000x128xf32>
    %min3A_41 = arith.minimumf %add3A_37, %min3A_40 : vector<10000x128xf32>
    %exp3A = math.exp %min3A_41 : vector<10000x128xf32>
    %sub3A = arith.constant 1.000000e+00 : f32
    %sub3A_42 = vector.broadcast %sub3A : f32 to vector<10000x128xf32>
    %sub3A_43 = arith.subf %exp3A, %sub3A_42 : vector<10000x128xf32>
    %select_n3A = arith.select %gt3A_39, %add3A_37, %sub3A_43 : vector<10000x128xi1>, vector<10000x128xf32>
    %reduce_sum3A = arith.constant dense<0.000000e+00> : vector<128xf32>
    %reduce_sum3A_44 = vector.multi_reduction <add>, %select_n3A, %reduce_sum3A [0] : vector<10000x128xf32> to vector<128xf32>
    %broadcast_in_dim3A_45 = vector.shape_cast %reduce_sum3A_44 : vector<128xf32> to vector<1x128xf32>
    %div3A_46 = arith.constant 1.000000e+04 : f32
    %div3A_47 = vector.broadcast %div3A_46 : f32 to vector<1x128xf32>
    %div3A_48 = arith.divf %broadcast_in_dim3A_45, %div3A_47 : vector<1x128xf32>
    %sub3A_49 = vector.broadcast %div3A_48 : vector<1x128xf32> to vector<10000x128xf32>
    %sub3A_50 = arith.subf %select_n3A, %sub3A_49 : vector<10000x128xf32>
    %integer_pow3A = arith.mulf %sub3A_50, %sub3A_50 : vector<10000x128xf32>
    %reduce_sum3A_51 = arith.constant dense<0.000000e+00> : vector<128xf32>
    %reduce_sum3A_52 = vector.multi_reduction <add>, %integer_pow3A, %reduce_sum3A_51 [0] : vector<10000x128xf32> to vector<128xf32>
    %broadcast_in_dim3A_53 = vector.shape_cast %reduce_sum3A_52 : vector<128xf32> to vector<1x128xf32>
    %div3A_54 = arith.constant 1.000000e+04 : f32
    %div3A_55 = vector.broadcast %div3A_54 : f32 to vector<1x128xf32>
    %div3A_56 = arith.divf %broadcast_in_dim3A_53, %div3A_55 : vector<1x128xf32>
    %sub3A_57 = vector.broadcast %div3A_48 : vector<1x128xf32> to vector<10000x128xf32>
    %sub3A_58 = arith.subf %select_n3A, %sub3A_57 : vector<10000x128xf32>
    %add3A_59 = arith.constant 9.99999974E-6 : f32
    %add3A_60 = vector.broadcast %add3A_59 : f32 to vector<1x128xf32>
    %add3A_61 = arith.addf %div3A_56, %add3A_60 : vector<1x128xf32>
    %sqrt3A = math.sqrt %add3A_61 : vector<1x128xf32>
    %div3A_62 = vector.broadcast %sqrt3A : vector<1x128xf32> to vector<10000x128xf32>
    %div3A_63 = arith.divf %sub3A_58, %div3A_62 : vector<10000x128xf32>
    %get3A_64 = arith.constant 0 : index
    %get3A_65 = arith.constant 0 : index
    %get3A_66 = vector.load %arg3[%get3A_64, %get3A_65] : memref<1x128xf32, #tpu.memory_space<vmem>>, vector<1x128xf32>
    %mul3A = vector.broadcast %get3A_66 : vector<1x128xf32> to vector<10000x128xf32>
    %mul3A_67 = arith.mulf %div3A_63, %mul3A : vector<10000x128xf32>
    %get3A_68 = arith.constant 0 : index
    %get3A_69 = arith.constant 0 : index
    %get3A_70 = vector.load %arg4[%get3A_68, %get3A_69] : memref<1x128xf32, #tpu.memory_space<vmem>>, vector<1x128xf32>
    %add3A_71 = vector.broadcast %get3A_70 : vector<1x128xf32> to vector<10000x128xf32>
    %add3A_72 = arith.addf %mul3A_67, %add3A_71 : vector<10000x128xf32>
    %get3A_73 = arith.constant 0 : index
    %get3A_74 = arith.constant 0 : index
    %get3A_75 = vector.load %arg5[%get3A_73, %get3A_74] : memref<128x64xf32, #tpu.memory_space<vmem>>, vector<128x64xf32>
    %dot_general3A = arith.constant dense<0.000000e+00> : vector<10000x64xf32>
    %dot_general3A_76 = tpu.matmul %add3A_72, %get3A_75, %dot_general3A {dimension_numbers = #tpu.dot_dimension_numbers<[1], [0], [0], [1], [0, 0, 1, 1], [], []>, transpose_lhs_hint = false} : vector<10000x128xf32>, vector<128x64xf32>, vector<10000x64xf32> -> vector<10000x64xf32>
    %swap3A = arith.constant 0 : index
    %swap3A_77 = arith.constant 0 : index
    %swap3A_78 = vector.load %arg7[%swap3A, %swap3A_77] : memref<10000x128xf32, #tpu.memory_space<vmem>>, vector<10000x64xf32>
    tpu.vector_store %arg7[%swap3A, %swap3A_77], %dot_general3A_76 {strides = array<i32>} : memref<10000x128xf32, #tpu.memory_space<vmem>>, vector<10000x64xf32>,
    %get3A_79 = arith.constant 0 : index
    %get3A_80 = arith.constant 0 : index
    %get3A_81 = vector.load %arg6[%get3A_79, %get3A_80] : memref<128x64xf32, #tpu.memory_space<vmem>>, vector<128x64xf32>
    %dot_general3A_82 = arith.constant dense<0.000000e+00> : vector<10000x64xf32>
    %dot_general3A_83 = tpu.matmul %add3A_72, %get3A_81, %dot_general3A_82 {dimension_numbers = #tpu.dot_dimension_numbers<[1], [0], [0], [1], [0, 0, 1, 1], [], []>, transpose_lhs_hint = false} : vector<10000x128xf32>, vector<128x64xf32>, vector<10000x64xf32> -> vector<10000x64xf32>
    %swap3A_84 = arith.constant 0 : index
    %swap3A_85 = arith.constant 64 : index
    %swap3A_86 = vector.load %arg7[%swap3A_84, %swap3A_85] : memref<10000x128xf32, #tpu.memory_space<vmem>>, vector<10000x64xf32>
    tpu.vector_store %arg7[%swap3A_84, %swap3A_85], %dot_general3A_83 {strides = array<i32>} : memref<10000x128xf32, #tpu.memory_space<vmem>>, vector<10000x64xf32>,
    return
  }
}

module attributes {stable_mosaic.version = 14 : i64} {
  func.func @_norm1_body(%arg0: memref<2x10000x128xf32, #tpu.memory_space<vmem>>, %arg1: memref<1x64xf32, #tpu.memory_space<vmem>>, %arg2: memref<1x64xf32, #tpu.memory_space<vmem>>, %arg3: memref<1x64xf32, #tpu.memory_space<vmem>>, %arg4: memref<10000x64xf32, #tpu.memory_space<vmem>>) attributes {dimension_semantics = [], scalar_prefetch = 0 : i64, scratch_operands = 0 : i64, tpu.core_type = #tpu.core_type<tc>} {
    %get3A = arith.constant 0 : index
    %get3A_0 = arith.constant 0 : index
    %get3A_1 = arith.constant 0 : index
    %get3A_2 = vector.load %arg0[%get3A, %get3A_0, %get3A_1] : memref<2x10000x128xf32, #tpu.memory_space<vmem>>, vector<1x10000x64xf32>
    %get3A_3 = vector.shape_cast %get3A_2 : vector<1x10000x64xf32> to vector<10000x64xf32>
    %get3A_4 = arith.constant 1 : index
    %get3A_5 = arith.constant 0 : index
    %get3A_6 = arith.constant 0 : index
    %get3A_7 = vector.load %arg0[%get3A_4, %get3A_5, %get3A_6] : memref<2x10000x128xf32, #tpu.memory_space<vmem>>, vector<1x10000x64xf32>
    %get3A_8 = vector.shape_cast %get3A_7 : vector<1x10000x64xf32> to vector<10000x64xf32>
    %add3A = arith.addf %get3A_3, %get3A_8 : vector<10000x64xf32>
    %get3A_9 = arith.constant 0 : index
    %get3A_10 = arith.constant 0 : index
    %get3A_11 = arith.constant 64 : index
    %get3A_12 = vector.load %arg0[%get3A_9, %get3A_10, %get3A_11] : memref<2x10000x128xf32, #tpu.memory_space<vmem>>, vector<1x10000x1xf32>
    %get3A_13 = vector.shape_cast %get3A_12 : vector<1x10000x1xf32> to vector<10000x1xf32>
    %get3A_14 = arith.constant 1 : index
    %get3A_15 = arith.constant 0 : index
    %get3A_16 = arith.constant 64 : index
    %get3A_17 = vector.load %arg0[%get3A_14, %get3A_15, %get3A_16] : memref<2x10000x128xf32, #tpu.memory_space<vmem>>, vector<1x10000x1xf32>
    %get3A_18 = vector.shape_cast %get3A_17 : vector<1x10000x1xf32> to vector<10000x1xf32>
    %add3A_19 = arith.addf %get3A_13, %get3A_18 : vector<10000x1xf32>
    %add3A_20 = arith.constant 1.000000e-16 : f32
    %add3A_21 = vector.broadcast %add3A_20 : f32 to vector<10000x1xf32>
    %add3A_22 = arith.addf %add3A_19, %add3A_21 : vector<10000x1xf32>
    %div3A = vector.broadcast %add3A_22 : vector<10000x1xf32> to vector<10000x64xf32>
    %div3A_23 = arith.divf %add3A, %div3A : vector<10000x64xf32>
    %get3A_24 = arith.constant 0 : index
    %get3A_25 = arith.constant 0 : index
    %get3A_26 = vector.load %arg1[%get3A_24, %get3A_25] : memref<1x64xf32, #tpu.memory_space<vmem>>, vector<1x64xf32>
    %add3A_27 = vector.broadcast %get3A_26 : vector<1x64xf32> to vector<10000x64xf32>
    %add3A_28 = arith.addf %div3A_23, %add3A_27 : vector<10000x64xf32>
    %gt3A = arith.constant 0.000000e+00 : f32
    %gt3A_29 = vector.broadcast %gt3A : f32 to vector<10000x64xf32>
    %gt3A_30 = arith.cmpf ogt, %add3A_28, %gt3A_29 : vector<10000x64xf32>
    %min3A = arith.constant 0.000000e+00 : f32
    %min3A_31 = vector.broadcast %min3A : f32 to vector<10000x64xf32>
    %min3A_32 = arith.minimumf %add3A_28, %min3A_31 : vector<10000x64xf32>
    %exp3A = math.exp %min3A_32 : vector<10000x64xf32>
    %sub3A = arith.constant 1.000000e+00 : f32
    %sub3A_33 = vector.broadcast %sub3A : f32 to vector<10000x64xf32>
    %sub3A_34 = arith.subf %exp3A, %sub3A_33 : vector<10000x64xf32>
    %select_n3A = arith.select %gt3A_30, %add3A_28, %sub3A_34 : vector<10000x64xi1>, vector<10000x64xf32>
    %reduce_sum3A = arith.constant dense<0.000000e+00> : vector<64xf32>
    %reduce_sum3A_35 = vector.multi_reduction <add>, %select_n3A, %reduce_sum3A [0] : vector<10000x64xf32> to vector<64xf32>
    %broadcast_in_dim3A = vector.shape_cast %reduce_sum3A_35 : vector<64xf32> to vector<1x64xf32>
    %div3A_36 = arith.constant 1.000000e+04 : f32
    %div3A_37 = vector.broadcast %div3A_36 : f32 to vector<1x64xf32>
    %div3A_38 = arith.divf %broadcast_in_dim3A, %div3A_37 : vector<1x64xf32>
    %sub3A_39 = vector.broadcast %div3A_38 : vector<1x64xf32> to vector<10000x64xf32>
    %sub3A_40 = arith.subf %select_n3A, %sub3A_39 : vector<10000x64xf32>
    %integer_pow3A = arith.mulf %sub3A_40, %sub3A_40 : vector<10000x64xf32>
    %reduce_sum3A_41 = arith.constant dense<0.000000e+00> : vector<64xf32>
    %reduce_sum3A_42 = vector.multi_reduction <add>, %integer_pow3A, %reduce_sum3A_41 [0] : vector<10000x64xf32> to vector<64xf32>
    %broadcast_in_dim3A_43 = vector.shape_cast %reduce_sum3A_42 : vector<64xf32> to vector<1x64xf32>
    %div3A_44 = arith.constant 1.000000e+04 : f32
    %div3A_45 = vector.broadcast %div3A_44 : f32 to vector<1x64xf32>
    %div3A_46 = arith.divf %broadcast_in_dim3A_43, %div3A_45 : vector<1x64xf32>
    %sub3A_47 = vector.broadcast %div3A_38 : vector<1x64xf32> to vector<10000x64xf32>
    %sub3A_48 = arith.subf %select_n3A, %sub3A_47 : vector<10000x64xf32>
    %add3A_49 = arith.constant 9.99999974E-6 : f32
    %add3A_50 = vector.broadcast %add3A_49 : f32 to vector<1x64xf32>
    %add3A_51 = arith.addf %div3A_46, %add3A_50 : vector<1x64xf32>
    %sqrt3A = math.sqrt %add3A_51 : vector<1x64xf32>
    %div3A_52 = vector.broadcast %sqrt3A : vector<1x64xf32> to vector<10000x64xf32>
    %div3A_53 = arith.divf %sub3A_48, %div3A_52 : vector<10000x64xf32>
    %get3A_54 = arith.constant 0 : index
    %get3A_55 = arith.constant 0 : index
    %get3A_56 = vector.load %arg2[%get3A_54, %get3A_55] : memref<1x64xf32, #tpu.memory_space<vmem>>, vector<1x64xf32>
    %mul3A = vector.broadcast %get3A_56 : vector<1x64xf32> to vector<10000x64xf32>
    %mul3A_57 = arith.mulf %div3A_53, %mul3A : vector<10000x64xf32>
    %get3A_58 = arith.constant 0 : index
    %get3A_59 = arith.constant 0 : index
    %get3A_60 = vector.load %arg3[%get3A_58, %get3A_59] : memref<1x64xf32, #tpu.memory_space<vmem>>, vector<1x64xf32>
    %add3A_61 = vector.broadcast %get3A_60 : vector<1x64xf32> to vector<10000x64xf32>
    %add3A_62 = arith.addf %mul3A_57, %add3A_61 : vector<10000x64xf32>
    %swap3A = arith.constant 0 : index
    %swap3A_63 = arith.constant 0 : index
    %swap3A_64 = vector.load %arg4[%swap3A, %swap3A_63] : memref<10000x64xf32, #tpu.memory_space<vmem>>, vector<10000x64xf32>
    tpu.vector_store %arg4[%swap3A, %swap3A_63], %add3A_62 {strides = array<i32>} : memref<10000x64xf32, #tpu.memory_space<vmem>>, vector<10000x64xf32>,
    return
  }
}

module attributes {stable_mosaic.version = 14 : i64} {
  func.func @_s2s_body(%arg0: memref<10000x64xf32, #tpu.memory_space<vmem>>, %arg1: memref<1x10000xi32, #tpu.memory_space<vmem>>, %arg2: memref<64x128xf32, #tpu.memory_space<vmem>>, %arg3: memref<64x64xf32, #tpu.memory_space<vmem>>, %arg4: memref<64x64xf32, #tpu.memory_space<vmem>>, %arg5: memref<256x128xf32, #tpu.memory_space<vmem>>, %arg6: memref<256x64xf32, #tpu.memory_space<vmem>>, %arg7: memref<1x256xf32, #tpu.memory_space<vmem>>, %arg8: memref<1x256xf32, #tpu.memory_space<vmem>>, %arg9: memref<64x64xf32, #tpu.memory_space<vmem>>, %arg10: memref<64x64xf32, #tpu.memory_space<vmem>>, %arg11: memref<64x64xf32, #tpu.memory_space<vmem>>) attributes {dimension_semantics = [], scalar_prefetch = 0 : i64, scratch_operands = 0 : i64, tpu.core_type = #tpu.core_type<tc>} {
    %get3A = arith.constant 0 : index
    %get3A_0 = arith.constant 0 : index
    %get3A_1 = vector.load %arg0[%get3A, %get3A_0] : memref<10000x64xf32, #tpu.memory_space<vmem>>, vector<10000x64xf32>
    %get3A_2 = arith.constant 0 : index
    %get3A_3 = arith.constant 0 : index
    %get3A_4 = vector.load %arg1[%get3A_2, %get3A_3] : memref<1x10000xi32, #tpu.memory_space<vmem>>, vector<1x10000xi32>
    %get3A_5 = vector.shape_cast %get3A_4 : vector<1x10000xi32> to vector<10000xi32>
    %iota3A = tpu.iota {dimensions = array<i32: 1>} : vector<1x64xi32>
    %broadcast_in_dim3A = vector.shape_cast %get3A_5 : vector<10000xi32> to vector<10000x1xi32>
    %eq3A = vector.broadcast %broadcast_in_dim3A : vector<10000x1xi32> to vector<10000x64xi32>
    %eq3A_6 = vector.broadcast %iota3A : vector<1x64xi32> to vector<10000x64xi32>
    %eq3A_7 = arith.cmpi eq, %eq3A, %eq3A_6 : vector<10000x64xi32>
    %convert_element_type3A = arith.extui %eq3A_7 : vector<10000x64xi1> to vector<10000x64xi32>
    %convert_element_type3A_8 = arith.sitofp %convert_element_type3A : vector<10000x64xi32> to vector<10000x64xf32>
    %get3A_9 = arith.constant 0 : index
    %get3A_10 = arith.constant 0 : index
    %get3A_11 = vector.load %arg2[%get3A_9, %get3A_10] : memref<64x128xf32, #tpu.memory_space<vmem>>, vector<64x128xf32>
    %get3A_12 = arith.constant 0 : index
    %get3A_13 = arith.constant 0 : index
    %get3A_14 = vector.load %arg5[%get3A_12, %get3A_13] : memref<256x128xf32, #tpu.memory_space<vmem>>, vector<256x128xf32>
    %dot_general3A = arith.constant dense<0.000000e+00> : vector<64x256xf32>
    %dot_general3A_15 = tpu.matmul %get3A_11, %get3A_14, %dot_general3A {dimension_numbers = #tpu.dot_dimension_numbers<[1], [1], [0], [0], [0, 0, 1, 0], [], []>, transpose_lhs_hint = false} : vector<64x128xf32>, vector<256x128xf32>, vector<64x256xf32> -> vector<64x256xf32>
    %get3A_16 = arith.constant 0 : index
    %get3A_17 = arith.constant 0 : index
    %get3A_18 = vector.load %arg3[%get3A_16, %get3A_17] : memref<64x64xf32, #tpu.memory_space<vmem>>, vector<64x64xf32>
    %get3A_19 = arith.constant 0 : index
    %get3A_20 = arith.constant 0 : index
    %get3A_21 = vector.load %arg6[%get3A_19, %get3A_20] : memref<256x64xf32, #tpu.memory_space<vmem>>, vector<256x64xf32>
    %dot_general3A_22 = arith.constant dense<0.000000e+00> : vector<64x256xf32>
    %dot_general3A_23 = tpu.matmul %get3A_18, %get3A_21, %dot_general3A_22 {dimension_numbers = #tpu.dot_dimension_numbers<[1], [1], [0], [0], [0, 0, 1, 0], [], []>, transpose_lhs_hint = false} : vector<64x64xf32>, vector<256x64xf32>, vector<64x256xf32> -> vector<64x256xf32>
    %add3A = arith.addf %dot_general3A_15, %dot_general3A_23 : vector<64x256xf32>
    %get3A_24 = arith.constant 0 : index
    %get3A_25 = arith.constant 0 : index
    %get3A_26 = vector.load %arg7[%get3A_24, %get3A_25] : memref<1x256xf32, #tpu.memory_space<vmem>>, vector<1x256xf32>
    %add3A_27 = vector.broadcast %get3A_26 : vector<1x256xf32> to vector<64x256xf32>
    %add3A_28 = arith.addf %add3A, %add3A_27 : vector<64x256xf32>
    %get3A_29 = arith.constant 0 : index
    %get3A_30 = arith.constant 0 : index
    %get3A_31 = vector.load %arg8[%get3A_29, %get3A_30] : memref<1x256xf32, #tpu.memory_space<vmem>>, vector<1x256xf32>
    %add3A_32 = vector.broadcast %get3A_31 : vector<1x256xf32> to vector<64x256xf32>
    %add3A_33 = arith.addf %add3A_28, %add3A_32 : vector<64x256xf32>
    %slice3A = vector.extract_strided_slice %add3A_33 {offsets = [0, 0], sizes = [64, 64], strides = [1, 1]} : vector<64x256xf32> to vector<64x64xf32>
    %logistic3A = arith.negf %slice3A : vector<64x64xf32>
    %logistic3A_34 = math.exp %logistic3A : vector<64x64xf32>
    %logistic3A_35 = arith.constant 1.000000e+00 : f32
    %logistic3A_36 = vector.broadcast %logistic3A_35 : f32 to vector<64x64xf32>
    %logistic3A_37 = arith.addf %logistic3A_36, %logistic3A_34 : vector<64x64xf32>
    %logistic3A_38 = arith.divf %logistic3A_36, %logistic3A_37 : vector<64x64xf32>
    %slice3A_39 = vector.extract_strided_slice %add3A_33 {offsets = [0, 64], sizes = [64, 64], strides = [1, 1]} : vector<64x256xf32> to vector<64x64xf32>
    %logistic3A_40 = arith.negf %slice3A_39 : vector<64x64xf32>
    %logistic3A_41 = math.exp %logistic3A_40 : vector<64x64xf32>
    %logistic3A_42 = arith.constant 1.000000e+00 : f32
    %logistic3A_43 = vector.broadcast %logistic3A_42 : f32 to vector<64x64xf32>
    %logistic3A_44 = arith.addf %logistic3A_43, %logistic3A_41 : vector<64x64xf32>
    %logistic3A_45 = arith.divf %logistic3A_43, %logistic3A_44 : vector<64x64xf32>
    %slice3A_46 = vector.extract_strided_slice %add3A_33 {offsets = [0, 128], sizes = [64, 64], strides = [1, 1]} : vector<64x256xf32> to vector<64x64xf32>
    %tanh3A = math.tanh %slice3A_46 : vector<64x64xf32>
    %slice3A_47 = vector.extract_strided_slice %add3A_33 {offsets = [0, 192], sizes = [64, 64], strides = [1, 1]} : vector<64x256xf32> to vector<64x64xf32>
    %logistic3A_48 = arith.negf %slice3A_47 : vector<64x64xf32>
    %logistic3A_49 = math.exp %logistic3A_48 : vector<64x64xf32>
    %logistic3A_50 = arith.constant 1.000000e+00 : f32
    %logistic3A_51 = vector.broadcast %logistic3A_50 : f32 to vector<64x64xf32>
    %logistic3A_52 = arith.addf %logistic3A_51, %logistic3A_49 : vector<64x64xf32>
    %logistic3A_53 = arith.divf %logistic3A_51, %logistic3A_52 : vector<64x64xf32>
    %get3A_54 = arith.constant 0 : index
    %get3A_55 = arith.constant 0 : index
    %get3A_56 = vector.load %arg4[%get3A_54, %get3A_55] : memref<64x64xf32, #tpu.memory_space<vmem>>, vector<64x64xf32>
    %mul3A = arith.mulf %logistic3A_45, %get3A_56 : vector<64x64xf32>
    %mul3A_57 = arith.mulf %logistic3A_38, %tanh3A : vector<64x64xf32>
    %add3A_58 = arith.addf %mul3A, %mul3A_57 : vector<64x64xf32>
    %tanh3A_59 = math.tanh %add3A_58 : vector<64x64xf32>
    %mul3A_60 = arith.mulf %logistic3A_53, %tanh3A_59 : vector<64x64xf32>
    %swap3A = arith.constant 0 : index
    %swap3A_61 = arith.constant 0 : index
    %swap3A_62 = vector.load %arg10[%swap3A, %swap3A_61] : memref<64x64xf32, #tpu.memory_space<vmem>>, vector<64x64xf32>
    tpu.vector_store %arg10[%swap3A, %swap3A_61], %add3A_58 {strides = array<i32>} : memref<64x64xf32, #tpu.memory_space<vmem>>, vector<64x64xf32>,
    %swap3A_63 = arith.constant 0 : index
    %swap3A_64 = arith.constant 0 : index
    %swap3A_65 = vector.load %arg9[%swap3A_63, %swap3A_64] : memref<64x64xf32, #tpu.memory_space<vmem>>, vector<64x64xf32>
    tpu.vector_store %arg9[%swap3A_63, %swap3A_64], %mul3A_60 {strides = array<i32>} : memref<64x64xf32, #tpu.memory_space<vmem>>, vector<64x64xf32>,
    %dot_general3A_66 = arith.constant dense<0.000000e+00> : vector<10000x64xf32>
    %dot_general3A_67 = tpu.matmul %get3A_1, %mul3A_60, %dot_general3A_66 {dimension_numbers = #tpu.dot_dimension_numbers<[1], [1], [0], [0], [0, 0, 1, 0], [], []>, precision = #tpu.contract_precision<fp32>, transpose_lhs_hint = false} : vector<10000x64xf32>, vector<64x64xf32>, vector<10000x64xf32> -> vector<10000x64xf32>
    %mul3A_68 = arith.mulf %dot_general3A_67, %convert_element_type3A_8 : vector<10000x64xf32>
    %reduce_sum3A = arith.constant dense<0.000000e+00> : vector<10000xf32>
    %reduce_sum3A_69 = vector.multi_reduction <add>, %mul3A_68, %reduce_sum3A [1] : vector<10000x64xf32> to vector<10000xf32>
    %exp3A = math.exp %reduce_sum3A_69 : vector<10000xf32>
    %broadcast_in_dim3A_70 = vector.shape_cast %exp3A : vector<10000xf32> to vector<1x10000xf32>
    %dot_general3A_71 = arith.constant dense<0.000000e+00> : vector<1x64xf32>
    %dot_general3A_72 = tpu.matmul %broadcast_in_dim3A_70, %convert_element_type3A_8, %dot_general3A_71 {dimension_numbers = #tpu.dot_dimension_numbers<[1], [0], [0], [1], [0, 0, 1, 1], [], []>, precision = #tpu.contract_precision<fp32>, transpose_lhs_hint = false} : vector<1x10000xf32>, vector<10000x64xf32>, vector<1x64xf32> -> vector<1x64xf32>
    %broadcast_in_dim3A_73 = vector.shape_cast %exp3A : vector<10000xf32> to vector<10000x1xf32>
    %mul3A_74 = vector.broadcast %broadcast_in_dim3A_73 : vector<10000x1xf32> to vector<10000x64xf32>
    %mul3A_75 = arith.mulf %mul3A_74, %get3A_1 : vector<10000x64xf32>
    %dot_general3A_76 = arith.constant dense<0.000000e+00> : vector<64x64xf32>
    %dot_general3A_77 = tpu.matmul %convert_element_type3A_8, %mul3A_75, %dot_general3A_76 {dimension_numbers = #tpu.dot_dimension_numbers<[0], [0], [1], [1], [0, 1, 1, 1], [], []>, precision = #tpu.contract_precision<fp32>, transpose_lhs_hint = false} : vector<10000x64xf32>, vector<10000x64xf32>, vector<64x64xf32> -> vector<64x64xf32>
    %transpose3A = tpu.transpose %dot_general3A_72, [1, 0] : vector<1x64xf32> -> vector<64x1xf32>
    %add3A_78 = arith.constant 1.000000e-16 : f32
    %add3A_79 = vector.broadcast %add3A_78 : f32 to vector<64x1xf32>
    %add3A_80 = arith.addf %transpose3A, %add3A_79 : vector<64x1xf32>
    %div3A = vector.broadcast %add3A_80 : vector<64x1xf32> to vector<64x64xf32>
    %div3A_81 = arith.divf %dot_general3A_77, %div3A : vector<64x64xf32>
    %swap3A_82 = arith.constant 0 : index
    %swap3A_83 = arith.constant 0 : index
    %swap3A_84 = vector.load %arg11[%swap3A_82, %swap3A_83] : memref<64x64xf32, #tpu.memory_space<vmem>>, vector<64x64xf32>
    tpu.vector_store %arg11[%swap3A_82, %swap3A_83], %div3A_81 {strides = array<i32>} : memref<64x64xf32, #tpu.memory_space<vmem>>, vector<64x64xf32>,
    return
  }
}

module attributes {stable_mosaic.version = 14 : i64} {
  func.func @_s2s_body(%arg0: memref<10000x64xf32, #tpu.memory_space<vmem>>, %arg1: memref<1x10000xi32, #tpu.memory_space<vmem>>, %arg2: memref<64x128xf32, #tpu.memory_space<vmem>>, %arg3: memref<64x64xf32, #tpu.memory_space<vmem>>, %arg4: memref<64x64xf32, #tpu.memory_space<vmem>>, %arg5: memref<256x128xf32, #tpu.memory_space<vmem>>, %arg6: memref<256x64xf32, #tpu.memory_space<vmem>>, %arg7: memref<1x256xf32, #tpu.memory_space<vmem>>, %arg8: memref<1x256xf32, #tpu.memory_space<vmem>>, %arg9: memref<64x64xf32, #tpu.memory_space<vmem>>, %arg10: memref<64x64xf32, #tpu.memory_space<vmem>>, %arg11: memref<64x64xf32, #tpu.memory_space<vmem>>) attributes {dimension_semantics = [], scalar_prefetch = 0 : i64, scratch_operands = 0 : i64, tpu.core_type = #tpu.core_type<tc>} {
    %get3A = arith.constant 0 : index
    %get3A_0 = arith.constant 0 : index
    %get3A_1 = vector.load %arg0[%get3A, %get3A_0] : memref<10000x64xf32, #tpu.memory_space<vmem>>, vector<10000x64xf32>
    %get3A_2 = arith.constant 0 : index
    %get3A_3 = arith.constant 0 : index
    %get3A_4 = vector.load %arg1[%get3A_2, %get3A_3] : memref<1x10000xi32, #tpu.memory_space<vmem>>, vector<1x10000xi32>
    %get3A_5 = vector.shape_cast %get3A_4 : vector<1x10000xi32> to vector<10000xi32>
    %iota3A = tpu.iota {dimensions = array<i32: 1>} : vector<1x64xi32>
    %broadcast_in_dim3A = vector.shape_cast %get3A_5 : vector<10000xi32> to vector<10000x1xi32>
    %eq3A = vector.broadcast %broadcast_in_dim3A : vector<10000x1xi32> to vector<10000x64xi32>
    %eq3A_6 = vector.broadcast %iota3A : vector<1x64xi32> to vector<10000x64xi32>
    %eq3A_7 = arith.cmpi eq, %eq3A, %eq3A_6 : vector<10000x64xi32>
    %convert_element_type3A = arith.extui %eq3A_7 : vector<10000x64xi1> to vector<10000x64xi32>
    %convert_element_type3A_8 = arith.sitofp %convert_element_type3A : vector<10000x64xi32> to vector<10000x64xf32>
    %get3A_9 = arith.constant 0 : index
    %get3A_10 = arith.constant 0 : index
    %get3A_11 = vector.load %arg2[%get3A_9, %get3A_10] : memref<64x128xf32, #tpu.memory_space<vmem>>, vector<64x128xf32>
    %get3A_12 = arith.constant 0 : index
    %get3A_13 = arith.constant 0 : index
    %get3A_14 = vector.load %arg5[%get3A_12, %get3A_13] : memref<256x128xf32, #tpu.memory_space<vmem>>, vector<256x128xf32>
    %dot_general3A = arith.constant dense<0.000000e+00> : vector<64x256xf32>
    %dot_general3A_15 = tpu.matmul %get3A_11, %get3A_14, %dot_general3A {dimension_numbers = #tpu.dot_dimension_numbers<[1], [1], [0], [0], [0, 0, 1, 0], [], []>, transpose_lhs_hint = false} : vector<64x128xf32>, vector<256x128xf32>, vector<64x256xf32> -> vector<64x256xf32>
    %get3A_16 = arith.constant 0 : index
    %get3A_17 = arith.constant 0 : index
    %get3A_18 = vector.load %arg3[%get3A_16, %get3A_17] : memref<64x64xf32, #tpu.memory_space<vmem>>, vector<64x64xf32>
    %get3A_19 = arith.constant 0 : index
    %get3A_20 = arith.constant 0 : index
    %get3A_21 = vector.load %arg6[%get3A_19, %get3A_20] : memref<256x64xf32, #tpu.memory_space<vmem>>, vector<256x64xf32>
    %dot_general3A_22 = arith.constant dense<0.000000e+00> : vector<64x256xf32>
    %dot_general3A_23 = tpu.matmul %get3A_18, %get3A_21, %dot_general3A_22 {dimension_numbers = #tpu.dot_dimension_numbers<[1], [1], [0], [0], [0, 0, 1, 0], [], []>, transpose_lhs_hint = false} : vector<64x64xf32>, vector<256x64xf32>, vector<64x256xf32> -> vector<64x256xf32>
    %add3A = arith.addf %dot_general3A_15, %dot_general3A_23 : vector<64x256xf32>
    %get3A_24 = arith.constant 0 : index
    %get3A_25 = arith.constant 0 : index
    %get3A_26 = vector.load %arg7[%get3A_24, %get3A_25] : memref<1x256xf32, #tpu.memory_space<vmem>>, vector<1x256xf32>
    %add3A_27 = vector.broadcast %get3A_26 : vector<1x256xf32> to vector<64x256xf32>
    %add3A_28 = arith.addf %add3A, %add3A_27 : vector<64x256xf32>
    %get3A_29 = arith.constant 0 : index
    %get3A_30 = arith.constant 0 : index
    %get3A_31 = vector.load %arg8[%get3A_29, %get3A_30] : memref<1x256xf32, #tpu.memory_space<vmem>>, vector<1x256xf32>
    %add3A_32 = vector.broadcast %get3A_31 : vector<1x256xf32> to vector<64x256xf32>
    %add3A_33 = arith.addf %add3A_28, %add3A_32 : vector<64x256xf32>
    %slice3A = vector.extract_strided_slice %add3A_33 {offsets = [0, 0], sizes = [64, 64], strides = [1, 1]} : vector<64x256xf32> to vector<64x64xf32>
    %logistic3A = arith.negf %slice3A : vector<64x64xf32>
    %logistic3A_34 = math.exp %logistic3A : vector<64x64xf32>
    %logistic3A_35 = arith.constant 1.000000e+00 : f32
    %logistic3A_36 = vector.broadcast %logistic3A_35 : f32 to vector<64x64xf32>
    %logistic3A_37 = arith.addf %logistic3A_36, %logistic3A_34 : vector<64x64xf32>
    %logistic3A_38 = arith.divf %logistic3A_36, %logistic3A_37 : vector<64x64xf32>
    %slice3A_39 = vector.extract_strided_slice %add3A_33 {offsets = [0, 64], sizes = [64, 64], strides = [1, 1]} : vector<64x256xf32> to vector<64x64xf32>
    %logistic3A_40 = arith.negf %slice3A_39 : vector<64x64xf32>
    %logistic3A_41 = math.exp %logistic3A_40 : vector<64x64xf32>
    %logistic3A_42 = arith.constant 1.000000e+00 : f32
    %logistic3A_43 = vector.broadcast %logistic3A_42 : f32 to vector<64x64xf32>
    %logistic3A_44 = arith.addf %logistic3A_43, %logistic3A_41 : vector<64x64xf32>
    %logistic3A_45 = arith.divf %logistic3A_43, %logistic3A_44 : vector<64x64xf32>
    %slice3A_46 = vector.extract_strided_slice %add3A_33 {offsets = [0, 128], sizes = [64, 64], strides = [1, 1]} : vector<64x256xf32> to vector<64x64xf32>
    %tanh3A = math.tanh %slice3A_46 : vector<64x64xf32>
    %slice3A_47 = vector.extract_strided_slice %add3A_33 {offsets = [0, 192], sizes = [64, 64], strides = [1, 1]} : vector<64x256xf32> to vector<64x64xf32>
    %logistic3A_48 = arith.negf %slice3A_47 : vector<64x64xf32>
    %logistic3A_49 = math.exp %logistic3A_48 : vector<64x64xf32>
    %logistic3A_50 = arith.constant 1.000000e+00 : f32
    %logistic3A_51 = vector.broadcast %logistic3A_50 : f32 to vector<64x64xf32>
    %logistic3A_52 = arith.addf %logistic3A_51, %logistic3A_49 : vector<64x64xf32>
    %logistic3A_53 = arith.divf %logistic3A_51, %logistic3A_52 : vector<64x64xf32>
    %get3A_54 = arith.constant 0 : index
    %get3A_55 = arith.constant 0 : index
    %get3A_56 = vector.load %arg4[%get3A_54, %get3A_55] : memref<64x64xf32, #tpu.memory_space<vmem>>, vector<64x64xf32>
    %mul3A = arith.mulf %logistic3A_45, %get3A_56 : vector<64x64xf32>
    %mul3A_57 = arith.mulf %logistic3A_38, %tanh3A : vector<64x64xf32>
    %add3A_58 = arith.addf %mul3A, %mul3A_57 : vector<64x64xf32>
    %tanh3A_59 = math.tanh %add3A_58 : vector<64x64xf32>
    %mul3A_60 = arith.mulf %logistic3A_53, %tanh3A_59 : vector<64x64xf32>
    %swap3A = arith.constant 0 : index
    %swap3A_61 = arith.constant 0 : index
    %swap3A_62 = vector.load %arg10[%swap3A, %swap3A_61] : memref<64x64xf32, #tpu.memory_space<vmem>>, vector<64x64xf32>
    tpu.vector_store %arg10[%swap3A, %swap3A_61], %add3A_58 {strides = array<i32>} : memref<64x64xf32, #tpu.memory_space<vmem>>, vector<64x64xf32>,
    %swap3A_63 = arith.constant 0 : index
    %swap3A_64 = arith.constant 0 : index
    %swap3A_65 = vector.load %arg9[%swap3A_63, %swap3A_64] : memref<64x64xf32, #tpu.memory_space<vmem>>, vector<64x64xf32>
    tpu.vector_store %arg9[%swap3A_63, %swap3A_64], %mul3A_60 {strides = array<i32>} : memref<64x64xf32, #tpu.memory_space<vmem>>, vector<64x64xf32>,
    %dot_general3A_66 = arith.constant dense<0.000000e+00> : vector<10000x64xf32>
    %dot_general3A_67 = tpu.matmul %get3A_1, %mul3A_60, %dot_general3A_66 {dimension_numbers = #tpu.dot_dimension_numbers<[1], [1], [0], [0], [0, 0, 1, 0], [], []>, precision = #tpu.contract_precision<fp32>, transpose_lhs_hint = false} : vector<10000x64xf32>, vector<64x64xf32>, vector<10000x64xf32> -> vector<10000x64xf32>
    %mul3A_68 = arith.mulf %dot_general3A_67, %convert_element_type3A_8 : vector<10000x64xf32>
    %reduce_sum3A = arith.constant dense<0.000000e+00> : vector<10000xf32>
    %reduce_sum3A_69 = vector.multi_reduction <add>, %mul3A_68, %reduce_sum3A [1] : vector<10000x64xf32> to vector<10000xf32>
    %exp3A = math.exp %reduce_sum3A_69 : vector<10000xf32>
    %broadcast_in_dim3A_70 = vector.shape_cast %exp3A : vector<10000xf32> to vector<1x10000xf32>
    %dot_general3A_71 = arith.constant dense<0.000000e+00> : vector<1x64xf32>
    %dot_general3A_72 = tpu.matmul %broadcast_in_dim3A_70, %convert_element_type3A_8, %dot_general3A_71 {dimension_numbers = #tpu.dot_dimension_numbers<[1], [0], [0], [1], [0, 0, 1, 1], [], []>, precision = #tpu.contract_precision<fp32>, transpose_lhs_hint = false} : vector<1x10000xf32>, vector<10000x64xf32>, vector<1x64xf32> -> vector<1x64xf32>
    %broadcast_in_dim3A_73 = vector.shape_cast %exp3A : vector<10000xf32> to vector<10000x1xf32>
    %mul3A_74 = vector.broadcast %broadcast_in_dim3A_73 : vector<10000x1xf32> to vector<10000x64xf32>
    %mul3A_75 = arith.mulf %mul3A_74, %get3A_1 : vector<10000x64xf32>
    %dot_general3A_76 = arith.constant dense<0.000000e+00> : vector<64x64xf32>
    %dot_general3A_77 = tpu.matmul %convert_element_type3A_8, %mul3A_75, %dot_general3A_76 {dimension_numbers = #tpu.dot_dimension_numbers<[0], [0], [1], [1], [0, 1, 1, 1], [], []>, precision = #tpu.contract_precision<fp32>, transpose_lhs_hint = false} : vector<10000x64xf32>, vector<10000x64xf32>, vector<64x64xf32> -> vector<64x64xf32>
    %transpose3A = tpu.transpose %dot_general3A_72, [1, 0] : vector<1x64xf32> -> vector<64x1xf32>
    %add3A_78 = arith.constant 1.000000e-16 : f32
    %add3A_79 = vector.broadcast %add3A_78 : f32 to vector<64x1xf32>
    %add3A_80 = arith.addf %transpose3A, %add3A_79 : vector<64x1xf32>
    %div3A = vector.broadcast %add3A_80 : vector<64x1xf32> to vector<64x64xf32>
    %div3A_81 = arith.divf %dot_general3A_77, %div3A : vector<64x64xf32>
    %swap3A_82 = arith.constant 0 : index
    %swap3A_83 = arith.constant 0 : index
    %swap3A_84 = vector.load %arg11[%swap3A_82, %swap3A_83] : memref<64x64xf32, #tpu.memory_space<vmem>>, vector<64x64xf32>
    tpu.vector_store %arg11[%swap3A_82, %swap3A_83], %div3A_81 {strides = array<i32>} : memref<64x64xf32, #tpu.memory_space<vmem>>, vector<64x64xf32>,
    return
  }
}

module attributes {stable_mosaic.version = 14 : i64} {
  func.func @_pool_body(%arg0: memref<10000x64xf32, #tpu.memory_space<vmem>>, %arg1: memref<1x10000xi32, #tpu.memory_space<vmem>>, %arg2: memref<64x1xf32, #tpu.memory_space<vmem>>, %arg3: memref<1x1xf32, #tpu.memory_space<vmem>>, %arg4: memref<64x64xf32, #tpu.memory_space<vmem>>, %arg5: memref<64x64xf32, #tpu.memory_space<vmem>>, %arg6: memref<64x64xf32, #tpu.memory_space<vmem>>, %arg7: memref<64x64xf32, #tpu.memory_space<vmem>>) attributes {dimension_semantics = [], scalar_prefetch = 0 : i64, scratch_operands = 0 : i64, tpu.core_type = #tpu.core_type<tc>} {
    %get3A = arith.constant 0 : index
    %get3A_0 = arith.constant 0 : index
    %get3A_1 = vector.load %arg0[%get3A, %get3A_0] : memref<10000x64xf32, #tpu.memory_space<vmem>>, vector<10000x64xf32>
    %get3A_2 = arith.constant 0 : index
    %get3A_3 = arith.constant 0 : index
    %get3A_4 = vector.load %arg1[%get3A_2, %get3A_3] : memref<1x10000xi32, #tpu.memory_space<vmem>>, vector<1x10000xi32>
    %get3A_5 = vector.shape_cast %get3A_4 : vector<1x10000xi32> to vector<10000xi32>
    %iota3A = tpu.iota {dimensions = array<i32: 1>} : vector<1x64xi32>
    %broadcast_in_dim3A = vector.shape_cast %get3A_5 : vector<10000xi32> to vector<10000x1xi32>
    %eq3A = vector.broadcast %broadcast_in_dim3A : vector<10000x1xi32> to vector<10000x64xi32>
    %eq3A_6 = vector.broadcast %iota3A : vector<1x64xi32> to vector<10000x64xi32>
    %eq3A_7 = arith.cmpi eq, %eq3A, %eq3A_6 : vector<10000x64xi32>
    %convert_element_type3A = arith.extui %eq3A_7 : vector<10000x64xi1> to vector<10000x64xi32>
    %convert_element_type3A_8 = arith.sitofp %convert_element_type3A : vector<10000x64xi32> to vector<10000x64xf32>
    %reduce_sum3A = arith.constant dense<0.000000e+00> : vector<64xf32>
    %reduce_sum3A_9 = vector.multi_reduction <add>, %convert_element_type3A_8, %reduce_sum3A [0] : vector<10000x64xf32> to vector<64xf32>
    %dot_general3A = arith.constant dense<0.000000e+00> : vector<64x64xf32>
    %dot_general3A_10 = tpu.matmul %convert_element_type3A_8, %get3A_1, %dot_general3A {dimension_numbers = #tpu.dot_dimension_numbers<[0], [0], [1], [1], [0, 1, 1, 1], [], []>, precision = #tpu.contract_precision<fp32>, transpose_lhs_hint = false} : vector<10000x64xf32>, vector<10000x64xf32>, vector<64x64xf32> -> vector<64x64xf32>
    %swap3A = arith.constant 0 : index
    %swap3A_11 = arith.constant 0 : index
    %swap3A_12 = vector.load %arg4[%swap3A, %swap3A_11] : memref<64x64xf32, #tpu.memory_space<vmem>>, vector<64x64xf32>
    tpu.vector_store %arg4[%swap3A, %swap3A_11], %dot_general3A_10 {strides = array<i32>} : memref<64x64xf32, #tpu.memory_space<vmem>>, vector<64x64xf32>,
    %max3A = arith.constant 1.000000e+00 : f32
    %max3A_13 = vector.broadcast %max3A : f32 to vector<64xf32>
    %max3A_14 = arith.maximumf %reduce_sum3A_9, %max3A_13 : vector<64xf32>
    %broadcast_in_dim3A_15 = vector.shape_cast %max3A_14 : vector<64xf32> to vector<64x1xf32>
    %div3A = vector.broadcast %broadcast_in_dim3A_15 : vector<64x1xf32> to vector<64x64xf32>
    %div3A_16 = arith.divf %dot_general3A_10, %div3A : vector<64x64xf32>
    %swap3A_17 = arith.constant 0 : index
    %swap3A_18 = arith.constant 0 : index
    %swap3A_19 = vector.load %arg6[%swap3A_17, %swap3A_18] : memref<64x64xf32, #tpu.memory_space<vmem>>, vector<64x64xf32>
    tpu.vector_store %arg6[%swap3A_17, %swap3A_18], %div3A_16 {strides = array<i32>} : memref<64x64xf32, #tpu.memory_space<vmem>>, vector<64x64xf32>,
    %iota3A_20 = tpu.iota {dimensions = array<i32: 0>} : vector<64x1xi32>
    %broadcast_in_dim3A_21 = vector.shape_cast %get3A_5 : vector<10000xi32> to vector<10000x1xi32>
    %broadcast_in_dim3A_22 = arith.constant 0xFF800000 : f32
    %broadcast_in_dim3A_23 = vector.broadcast %broadcast_in_dim3A_22 : f32 to vector<64x64xf32>
    %scan3A = arith.constant 0xFF800000 : f32
    %scan3A_24 = arith.constant 0 : i32
    %scan3A_25 = arith.constant 64 : i32
    %scan3A_26 = arith.addi %scan3A_24, %scan3A_25 : i32
    %scan3A_27 = arith.constant 1 : i32
    %scan3A_28 = scf.for %scan3A_58 = %scan3A_24 to %scan3A_26 step %scan3A_27 iter_args(%scan3A_59 = %broadcast_in_dim3A_23) -> (vector<64x64xf32>)  : i32 {
      %eq3A_60 = vector.broadcast %scan3A_58 : i32 to vector<10000x1xi32>
      %eq3A_61 = arith.cmpi eq, %broadcast_in_dim3A_21, %eq3A_60 : vector<10000x1xi32>
      %broadcast_in_dim3A_62 = vector.shape_cast %eq3A_61 : vector<10000x1xi1> to vector<10000x1xi1>
      %broadcast_in_dim3A_63 = vector.broadcast %broadcast_in_dim3A_62 : vector<10000x1xi1> to vector<10000x64xi1>
      %broadcast_in_dim3A_64 = vector.broadcast %scan3A : f32 to vector<10000x64xf32>
      %select_n3A = arith.select %broadcast_in_dim3A_63, %get3A_1, %broadcast_in_dim3A_64 : vector<10000x64xi1>, vector<10000x64xf32>
      %reduce_max3A = arith.constant dense<0xFF800000> : vector<64xf32>
      %reduce_max3A_65 = vector.multi_reduction <maximumf>, %select_n3A, %reduce_max3A [0] : vector<10000x64xf32> to vector<64xf32>
      %eq3A_66 = vector.broadcast %scan3A_58 : i32 to vector<64x1xi32>
      %eq3A_67 = arith.cmpi eq, %iota3A_20, %eq3A_66 : vector<64x1xi32>
      %broadcast_in_dim3A_68 = vector.shape_cast %reduce_max3A_65 : vector<64xf32> to vector<1x64xf32>
      %broadcast_in_dim3A_69 = vector.shape_cast %eq3A_67 : vector<64x1xi1> to vector<64x1xi1>
      %broadcast_in_dim3A_70 = vector.broadcast %broadcast_in_dim3A_69 : vector<64x1xi1> to vector<64x64xi1>
      %broadcast_in_dim3A_71 = vector.shape_cast %broadcast_in_dim3A_68 : vector<1x64xf32> to vector<1x64xf32>
      %broadcast_in_dim3A_72 = vector.broadcast %broadcast_in_dim3A_71 : vector<1x64xf32> to vector<64x64xf32>
      %select_n3A_73 = arith.select %broadcast_in_dim3A_70, %broadcast_in_dim3A_72, %scan3A_59 : vector<64x64xi1>, vector<64x64xf32>
      scf.yield %select_n3A_73 : vector<64x64xf32>
    }
    %scan3A_29 = arith.constant 64 : i32
    %swap3A_30 = arith.constant 0 : index
    %swap3A_31 = arith.constant 0 : index
    %swap3A_32 = vector.load %arg5[%swap3A_30, %swap3A_31] : memref<64x64xf32, #tpu.memory_space<vmem>>, vector<64x64xf32>
    tpu.vector_store %arg5[%swap3A_30, %swap3A_31], %scan3A_28 {strides = array<i32>} : memref<64x64xf32, #tpu.memory_space<vmem>>, vector<64x64xf32>,
    %get3A_33 = arith.constant 0 : index
    %get3A_34 = arith.constant 0 : index
    %get3A_35 = vector.load %arg2[%get3A_33, %get3A_34] : memref<64x1xf32, #tpu.memory_space<vmem>>, vector<64x1xf32>
    %dot_general3A_36 = arith.constant dense<0.000000e+00> : vector<10000x1xf32>
    %dot_general3A_37 = tpu.matmul %get3A_1, %get3A_35, %dot_general3A_36 {dimension_numbers = #tpu.dot_dimension_numbers<[1], [0], [0], [1], [0, 0, 1, 1], [], []>, transpose_lhs_hint = false} : vector<10000x64xf32>, vector<64x1xf32>, vector<10000x1xf32> -> vector<10000x1xf32>
    %squeeze3A = vector.shape_cast %dot_general3A_37 : vector<10000x1xf32> to vector<10000xf32>
    %get3A_38 = arith.constant 0 : index
    %get3A_39 = arith.constant 0 : index
    %get3A_40 = vector.load %arg3[%get3A_38, %get3A_39] : memref<1x1xf32, #tpu.memory_space<vmem>>, vector<1x1xf32>
    %get3A_41 = vector.extract %get3A_40[0, 0] : f32 from vector<1x1xf32>
    %add3A = vector.broadcast %get3A_41 : f32 to vector<10000xf32>
    %add3A_42 = arith.addf %squeeze3A, %add3A : vector<10000xf32>
    %exp3A = math.exp %add3A_42 : vector<10000xf32>
    %broadcast_in_dim3A_43 = vector.shape_cast %exp3A : vector<10000xf32> to vector<1x10000xf32>
    %dot_general3A_44 = arith.constant dense<0.000000e+00> : vector<1x64xf32>
    %dot_general3A_45 = tpu.matmul %broadcast_in_dim3A_43, %convert_element_type3A_8, %dot_general3A_44 {dimension_numbers = #tpu.dot_dimension_numbers<[1], [0], [0], [1], [0, 0, 1, 1], [], []>, precision = #tpu.contract_precision<fp32>, transpose_lhs_hint = false} : vector<1x10000xf32>, vector<10000x64xf32>, vector<1x64xf32> -> vector<1x64xf32>
    %broadcast_in_dim3A_46 = vector.shape_cast %exp3A : vector<10000xf32> to vector<10000x1xf32>
    %mul3A = vector.broadcast %broadcast_in_dim3A_46 : vector<10000x1xf32> to vector<10000x64xf32>
    %mul3A_47 = arith.mulf %mul3A, %get3A_1 : vector<10000x64xf32>
    %dot_general3A_48 = arith.constant dense<0.000000e+00> : vector<64x64xf32>
    %dot_general3A_49 = tpu.matmul %convert_element_type3A_8, %mul3A_47, %dot_general3A_48 {dimension_numbers = #tpu.dot_dimension_numbers<[0], [0], [1], [1], [0, 1, 1, 1], [], []>, precision = #tpu.contract_precision<fp32>, transpose_lhs_hint = false} : vector<10000x64xf32>, vector<10000x64xf32>, vector<64x64xf32> -> vector<64x64xf32>
    %transpose3A = tpu.transpose %dot_general3A_45, [1, 0] : vector<1x64xf32> -> vector<64x1xf32>
    %add3A_50 = arith.constant 1.000000e-16 : f32
    %add3A_51 = vector.broadcast %add3A_50 : f32 to vector<64x1xf32>
    %add3A_52 = arith.addf %transpose3A, %add3A_51 : vector<64x1xf32>
    %div3A_53 = vector.broadcast %add3A_52 : vector<64x1xf32> to vector<64x64xf32>
    %div3A_54 = arith.divf %dot_general3A_49, %div3A_53 : vector<64x64xf32>
    %swap3A_55 = arith.constant 0 : index
    %swap3A_56 = arith.constant 0 : index
    %swap3A_57 = vector.load %arg7[%swap3A_55, %swap3A_56] : memref<64x64xf32, #tpu.memory_space<vmem>>, vector<64x64xf32>
    tpu.vector_store %arg7[%swap3A_55, %swap3A_56], %div3A_54 {strides = array<i32>} : memref<64x64xf32, #tpu.memory_space<vmem>>, vector<64x64xf32>,
    return
  }
}

module attributes {stable_mosaic.version = 14 : i64} {
  func.func @_mlp_body(%arg0: memref<64x64xf32, #tpu.memory_space<vmem>>, %arg1: memref<64x64xf32, #tpu.memory_space<vmem>>, %arg2: memref<64x64xf32, #tpu.memory_space<vmem>>, %arg3: memref<64x64xf32, #tpu.memory_space<vmem>>, %arg4: memref<64x128xf32, #tpu.memory_space<vmem>>, %arg5: memref<384x128xf32, #tpu.memory_space<vmem>>, %arg6: memref<1x128xf32, #tpu.memory_space<vmem>>, %arg7: memref<128x64xf32, #tpu.memory_space<vmem>>, %arg8: memref<1x64xf32, #tpu.memory_space<vmem>>, %arg9: memref<64x32xf32, #tpu.memory_space<vmem>>, %arg10: memref<1x32xf32, #tpu.memory_space<vmem>>, %arg11: memref<32x1xf32, #tpu.memory_space<vmem>>, %arg12: memref<1x1xf32, #tpu.memory_space<vmem>>, %arg13: memref<64x1xf32, #tpu.memory_space<vmem>>) attributes {dimension_semantics = [], scalar_prefetch = 0 : i64, scratch_operands = 0 : i64, tpu.core_type = #tpu.core_type<tc>} {
    %get3A = arith.constant 0 : index
    %get3A_0 = arith.constant 0 : index
    %get3A_1 = vector.load %arg0[%get3A, %get3A_0] : memref<64x64xf32, #tpu.memory_space<vmem>>, vector<64x64xf32>
    %get3A_2 = arith.constant 0 : index
    %get3A_3 = arith.constant 0 : index
    %get3A_4 = vector.load %arg1[%get3A_2, %get3A_3] : memref<64x64xf32, #tpu.memory_space<vmem>>, vector<64x64xf32>
    %get3A_5 = arith.constant 0 : index
    %get3A_6 = arith.constant 0 : index
    %get3A_7 = vector.load %arg2[%get3A_5, %get3A_6] : memref<64x64xf32, #tpu.memory_space<vmem>>, vector<64x64xf32>
    %get3A_8 = arith.constant 0 : index
    %get3A_9 = arith.constant 0 : index
    %get3A_10 = vector.load %arg3[%get3A_8, %get3A_9] : memref<64x64xf32, #tpu.memory_space<vmem>>, vector<64x64xf32>
    %get3A_11 = arith.constant 0 : index
    %get3A_12 = arith.constant 0 : index
    %get3A_13 = vector.load %arg4[%get3A_11, %get3A_12] : memref<64x128xf32, #tpu.memory_space<vmem>>, vector<64x128xf32>
    %concatenate3A = tpu.concatenate %get3A_1, %get3A_4, %get3A_7, %get3A_10, %get3A_13 in 1 : vector<64x64xf32>, vector<64x64xf32>, vector<64x64xf32>, vector<64x64xf32>, vector<64x128xf32> -> vector<64x384xf32>
    %get3A_14 = arith.constant 0 : index
    %get3A_15 = arith.constant 0 : index
    %get3A_16 = vector.load %arg5[%get3A_14, %get3A_15] : memref<384x128xf32, #tpu.memory_space<vmem>>, vector<384x128xf32>
    %dot_general3A = arith.constant dense<0.000000e+00> : vector<64x128xf32>
    %dot_general3A_17 = tpu.matmul %concatenate3A, %get3A_16, %dot_general3A {dimension_numbers = #tpu.dot_dimension_numbers<[1], [0], [0], [1], [0, 0, 1, 1], [], []>, transpose_lhs_hint = false} : vector<64x384xf32>, vector<384x128xf32>, vector<64x128xf32> -> vector<64x128xf32>
    %get3A_18 = arith.constant 0 : index
    %get3A_19 = arith.constant 0 : index
    %get3A_20 = vector.load %arg6[%get3A_18, %get3A_19] : memref<1x128xf32, #tpu.memory_space<vmem>>, vector<1x128xf32>
    %add3A = vector.broadcast %get3A_20 : vector<1x128xf32> to vector<64x128xf32>
    %add3A_21 = arith.addf %dot_general3A_17, %add3A : vector<64x128xf32>
    %max3A = arith.constant 0.000000e+00 : f32
    %max3A_22 = vector.broadcast %max3A : f32 to vector<64x128xf32>
    %max3A_23 = arith.maximumf %add3A_21, %max3A_22 : vector<64x128xf32>
    %get3A_24 = arith.constant 0 : index
    %get3A_25 = arith.constant 0 : index
    %get3A_26 = vector.load %arg7[%get3A_24, %get3A_25] : memref<128x64xf32, #tpu.memory_space<vmem>>, vector<128x64xf32>
    %dot_general3A_27 = arith.constant dense<0.000000e+00> : vector<64x64xf32>
    %dot_general3A_28 = tpu.matmul %max3A_23, %get3A_26, %dot_general3A_27 {dimension_numbers = #tpu.dot_dimension_numbers<[1], [0], [0], [1], [0, 0, 1, 1], [], []>, transpose_lhs_hint = false} : vector<64x128xf32>, vector<128x64xf32>, vector<64x64xf32> -> vector<64x64xf32>
    %get3A_29 = arith.constant 0 : index
    %get3A_30 = arith.constant 0 : index
    %get3A_31 = vector.load %arg8[%get3A_29, %get3A_30] : memref<1x64xf32, #tpu.memory_space<vmem>>, vector<1x64xf32>
    %add3A_32 = vector.broadcast %get3A_31 : vector<1x64xf32> to vector<64x64xf32>
    %add3A_33 = arith.addf %dot_general3A_28, %add3A_32 : vector<64x64xf32>
    %max3A_34 = arith.constant 0.000000e+00 : f32
    %max3A_35 = vector.broadcast %max3A_34 : f32 to vector<64x64xf32>
    %max3A_36 = arith.maximumf %add3A_33, %max3A_35 : vector<64x64xf32>
    %get3A_37 = arith.constant 0 : index
    %get3A_38 = arith.constant 0 : index
    %get3A_39 = vector.load %arg9[%get3A_37, %get3A_38] : memref<64x32xf32, #tpu.memory_space<vmem>>, vector<64x32xf32>
    %dot_general3A_40 = arith.constant dense<0.000000e+00> : vector<64x32xf32>
    %dot_general3A_41 = tpu.matmul %max3A_36, %get3A_39, %dot_general3A_40 {dimension_numbers = #tpu.dot_dimension_numbers<[1], [0], [0], [1], [0, 0, 1, 1], [], []>, transpose_lhs_hint = false} : vector<64x64xf32>, vector<64x32xf32>, vector<64x32xf32> -> vector<64x32xf32>
    %get3A_42 = arith.constant 0 : index
    %get3A_43 = arith.constant 0 : index
    %get3A_44 = vector.load %arg10[%get3A_42, %get3A_43] : memref<1x32xf32, #tpu.memory_space<vmem>>, vector<1x32xf32>
    %add3A_45 = vector.broadcast %get3A_44 : vector<1x32xf32> to vector<64x32xf32>
    %add3A_46 = arith.addf %dot_general3A_41, %add3A_45 : vector<64x32xf32>
    %max3A_47 = arith.constant 0.000000e+00 : f32
    %max3A_48 = vector.broadcast %max3A_47 : f32 to vector<64x32xf32>
    %max3A_49 = arith.maximumf %add3A_46, %max3A_48 : vector<64x32xf32>
    %get3A_50 = arith.constant 0 : index
    %get3A_51 = arith.constant 0 : index
    %get3A_52 = vector.load %arg11[%get3A_50, %get3A_51] : memref<32x1xf32, #tpu.memory_space<vmem>>, vector<32x1xf32>
    %dot_general3A_53 = arith.constant dense<0.000000e+00> : vector<64x1xf32>
    %dot_general3A_54 = tpu.matmul %max3A_49, %get3A_52, %dot_general3A_53 {dimension_numbers = #tpu.dot_dimension_numbers<[1], [0], [0], [1], [0, 0, 1, 1], [], []>, transpose_lhs_hint = false} : vector<64x32xf32>, vector<32x1xf32>, vector<64x1xf32> -> vector<64x1xf32>
    %get3A_55 = arith.constant 0 : index
    %get3A_56 = arith.constant 0 : index
    %get3A_57 = vector.load %arg12[%get3A_55, %get3A_56] : memref<1x1xf32, #tpu.memory_space<vmem>>, vector<1x1xf32>
    %add3A_58 = vector.broadcast %get3A_57 : vector<1x1xf32> to vector<64x1xf32>
    %add3A_59 = arith.addf %dot_general3A_54, %add3A_58 : vector<64x1xf32>
    %swap3A = arith.constant 0 : index
    %swap3A_60 = arith.constant 0 : index
    %swap3A_61 = vector.load %arg13[%swap3A, %swap3A_60] : memref<64x1xf32, #tpu.memory_space<vmem>>, vector<64x1xf32>
    tpu.vector_store %arg13[%swap3A, %swap3A_60], %add3A_59 {strides = array<i32>} : memref<64x1xf32, #tpu.memory_space<vmem>>, vector<64x1xf32>,
    return
  }
}

</mosaic_0001>

<sc_bundles>
// kernel: kernel.13.cloned.1.call-start
scs
__scs_entry_jumppad:
0x0: {  	(pc) =	sbr.rel $0x88, $3  }
0x1: {  	(tag) =	ssettag $0x0;
	lr =	simm.s32 $0x1  }
0x2: {  	[smem:$0x3F81] =	sst lr;
	_ =	strace $0xD0000000  }
0x3: {  	_ = 	snop  }
0x4: {  	_ = 	snop  }
0x5: {  	_ = 	snop  }
0x6: {  	_ = 	snop  }
0x7: {  	_ = 	snop  }
__scs_overlays_trampoline_lowered:
0x8: {  	[smem:$0x3F90] =	sst s0  }
0x9: {  	[smem:$0x3F91] =	sst s1  }
0xa: {  	[smem:$0x3F92] =	sst s2  }
0xb: {  	[smem:$0x3F93] =	sst s3  }
0xc: {  	[smem:$0x3F94] =	sst s4  }
0xd: {  	[smem:$0x3F95] =	sst s5  }
0xe: {  	[smem:$0x3F96] =	sst s6  }
0xf: {  	[smem:$0x3F97] =	sst s7  }
0x10: {  	[smem:$0x3F98] =	sst s8  }
0x11: {  	[smem:$0x3F99] =	sst s9;
	s0 =	simm.s32 @!p0 $0x0  }
0x12: {  	s1 =	sld [smem:$0x3F7F];
	s0 =	simm.s32 @p0 $0x1  }
0x13: {  	[smem:$0x3F9A] =	sst s0;
	s0 =	simm.s32 @!p1 $0x0  }
0x14: {  	s2 =	sld [smem:$0x3F7E];
	s0 =	simm.s32 @p1 $0x1  }
0x15: {  	[smem:$0x3F9B] =	sst s0;
	s0 =	simm.s32 @!p2 $0x0  }
0x16: {  	s3 =	sld [smem:$0x3FDB];
	s0 =	simm.s32 @p2 $0x1  }
0x17: {  	s4 =	simm.s32 $0x1BF5;
	[smem:$0x3F9D] =	sst s0  }
0x18: {  	s0 =	sld [smem:$0x3F80];
	_ =	swait.ge [sflag:s4], $0x0  }
0x19: {  	s7 =	sld [smem:$0x3F81]  }
0x1a: {  	s8 =	sadd.s32 $0xFFFFE003, lr  }
0x1b: {  	s9 =	sadd.s32 $0xFFFFFEF7, lr;
	s5 =	simm.s32 $0xFFFFFFFF;
	p2 =	slt.u32 s8, $0xFFFFF086  }
0x1c: {  	p1 =	slt.u32 s9, $0xF7A;
	s5 =	simm.s32 @!p2 $0x0  }
0x1d: {  	s5 =	simm.s32 @p1 $0x1;
	p0 =	seq.s32 s7, s2  }
0x1e: {  	s7 =	smul.u32 @!p0 $0xF7A, s2;
	p2 =	seq.s32 @!p0 s5, $0x0  }
0x1f: {  	s9 =	smul.u32 $0xF7A, s1;
	s8 =	simm.s32 @!p0 $0x1BF5;
	p2 =	por !p2, p0  }
0x20: {  	[sflag:s8] =	ssyncset.s32 @!p0 $0xFFFFF086;
	s6 =	sadd.s32 @!p0 s3, s7;
	s7 =	simm.s32 @!p0 $0x108  }
0x21: {  	s3 =	sadd.s32 s3, s9;
	s6 =	sadd.s32 @!p0 $0x88, s6;
	s7 =	simm.s32 @p2 $0x1082  }
0x22: {  	[simem:s7], [sflag:s8] =	dma.local @!p0 [hbm:s6], $0xF7A  }
0x23: {  	s9 =	sor.u32 $0xD0000000, s2;
	s6 =	simm.s32 $0x108;
	_ =	swait.ge @!p0 [sflag:s8], $0x0  }
0x24: {  	s3 =	sadd.s32 $0x88, s3;
	s6 =	simm.s32 @!p1 $0x1082;
	[sflag:s4] =	ssyncset.s32 $0xFFFFF086  }
0x25: {  	[simem:s6], [sflag:s4] =	dma.local [hbm:s3], $0xF7A  }
0x26: {  	[smem:$0x3F81] =	sst s1;
	(tag) =	ssettag s2;
	_ =	strace s9  }
0x27: {  	s1 =	sld [smem:$0x3F91]  }
0x28: {  	s2 =	sld [smem:$0x3F92]  }
0x29: {  	s4 =	sld [smem:$0x3F94]  }
0x2a: {  	p0 =	seq.s32 s5, $0x0;
	s5 =	sld [smem:$0x3F95]  }
0x2b: {  	s6 =	sld [smem:$0x3F96]  }
0x2c: {  	s7 =	sld [smem:$0x3F97]  }
0x2d: {  	s3 =	simm.s32 $0x108;
	s8 =	sld [smem:$0x3F98]  }
0x2e: {  	s3 =	simm.s32 @!p0 $0x1082;
	s9 =	sld [smem:$0x3F99]  }
0x2f: {  	lr =	sadd.s32 s0, s3;
	s0 =	sld [smem:$0x3F90]  }
0x30: {  	s3 =	sld [smem:$0x3F93]  }
0x31: {  	[smem:$0x3F9C] =	sst s10  }
0x32: {  	s10 =	sld [smem:$0x3F9A];
	_ =	sdelay $0x3  }
0x33: {  	p0 =	seq.s32 s10, $0x1;
	s10 =	sld [smem:$0x3F9C];
	_ =	sdelay $0x3  }
0x34: {  	[smem:$0x3F9C] =	sst s10  }
0x35: {  	s10 =	sld [smem:$0x3F9B];
	_ =	sdelay $0x3  }
0x36: {  	p1 =	seq.s32 s10, $0x1;
	s10 =	sld [smem:$0x3F9C];
	_ =	sdelay $0x3  }
0x37: {  	[smem:$0x3F9C] =	sst s10  }
0x38: {  	s10 =	sld [smem:$0x3F9D]  }
0x39: {  	_ = 	snop;
	(pc) =	sbr.ind lr, $3  }
0x3a: {  	_ = 	snop  }
0x3b: {  	_ = 	snop  }
0x3c: {  	p2 =	seq.s32 s10, $0x1;
	s10 =	sld [smem:$0x3F9C]  }
0x3d: {  	_ =	shalt  }
0x3e: {  	_ =	shalt  }
0x3f: {  	_ =	shalt  }
0x40: {  	_ =	shalt  }
0x41: {  	_ =	shalt  }
0x42: {  	_ =	shalt  }
0x43: {  	_ =	shalt  }
0x44: {  	_ =	shalt  }
0x45: {  	_ =	shalt  }
0x46: {  	_ =	shalt  }
0x47: {  	_ =	shalt  }
0x48: {  	_ =	shalt  }
0x49: {  	_ =	shalt  }
0x4a: {  	_ =	shalt  }
0x4b: {  	_ =	shalt  }
0x4c: {  	_ =	shalt  }
0x4d: {  	_ =	shalt  }
0x4e: {  	_ =	shalt  }
0x4f: {  	_ =	shalt  }
0x50: {  	_ =	shalt  }
0x51: {  	_ =	shalt  }
0x52: {  	_ =	shalt  }
0x53: {  	_ =	shalt  }
0x54: {  	_ =	shalt  }
0x55: {  	_ =	shalt  }
0x56: {  	_ =	shalt  }
0x57: {  	_ =	shalt  }
0x58: {  	_ =	shalt  }
0x59: {  	_ =	shalt  }
0x5a: {  	_ =	shalt  }
0x5b: {  	_ =	shalt  }
0x5c: {  	_ =	shalt  }
0x5d: {  	_ =	shalt  }
0x5e: {  	_ =	shalt  }
0x5f: {  	_ =	shalt  }
0x60: {  	_ =	shalt  }
0x61: {  	_ =	shalt  }
0x62: {  	_ =	shalt  }
0x63: {  	_ =	shalt  }
0x64: {  	_ =	shalt  }
0x65: {  	_ =	shalt  }
0x66: {  	_ =	shalt  }
0x67: {  	_ =	shalt  }
0x68: {  	_ =	shalt  }
0x69: {  	_ =	shalt  }
0x6a: {  	_ =	shalt  }
0x6b: {  	_ =	shalt  }
0x6c: {  	_ =	shalt  }
0x6d: {  	_ =	shalt  }
0x6e: {  	_ =	shalt  }
0x6f: {  	_ =	shalt  }
0x70: {  	_ =	shalt  }
0x71: {  	_ =	shalt  }
0x72: {  	_ =	shalt  }
0x73: {  	_ =	shalt  }
0x74: {  	_ =	shalt  }
0x75: {  	_ =	shalt  }
0x76: {  	_ =	shalt  }
0x77: {  	_ =	shalt  }
0x78: {  	_ =	shalt  }
0x79: {  	_ =	shalt  }
0x7a: {  	_ =	shalt  }
0x7b: {  	_ =	shalt  }
0x7c: {  	_ =	shalt  }
0x7d: {  	_ =	shalt  }
0x7e: {  	_ =	shalt  }
0x7f: {  	_ =	shalt  }
0x80: {  	_ =	shalt  }
0x81: {  	_ =	shalt  }
0x82: {  	_ =	shalt  }
0x83: {  	_ =	shalt  }
0x84: {  	_ =	shalt  }
0x85: {  	_ =	shalt  }
0x86: {  	_ =	shalt  }
0x87: {  	_ =	shalt  }
.Lfunc_end0:
.L_simem_size_0:
called_computation_lowered:
.L_overlay_start_0:
0x88: {  	s2 =	sld [smem:$0x3FD9]  }
0x89: {  	s3 =	sld [smem:$0x3FFE];
	_ =	sdelay $0x1  }
0x8a: {  	s1 =	srdreg.scid  }
0x8b: {  	s0 =	sand.u32 $0x1, s1  }
0x8c: {  	s17 =	sshll.u32 s0, $0xA;
	s2 =	sadd.s32 s3, s2  }
0x8d: {  	s2 =	sadd.s32 s2, s17  }
0x8e: {  	[smem:$0x3FA8] =	sst s2  }
0x8f: {  	_ = 	snop  }
0x90: {  	s2 =	sld [smem:$0x3FD0];
	(tm) =	ssettm $0x1  }
0x91: {  	s18 =	sld [smem:$0x3FFB];
	_ =	sdelay $0x3  }
0x92: {  	_ =	strace s18  }
0x93: {  	s3 =	sld [smem:$0x3FFC];
	_ =	sdelay $0x3  }
0x94: {  	_ =	strace s3  }
0x95: {  	s3 =	sld [smem:$0x3FFD];
	_ =	sdelay $0x3  }
0x96: {  	_ =	strace s3  }
0x97: {  	_ =	strace $0x8FFFFFFF  }
0x98: {  	s19 =	sld [smem:$0x3FDB];
	_ =	sdelay $0x1  }
0x99: {  	s4 =	simm.s32 $_scs_section_size  }
0x9a: {  	s5 =	simm.s32 $_size__tile_overlayer_lowered;
	s6 =	simm.s32 $_tile_overlayer_lowered  }
0x9b: {  	s22 =	simm.s32 $0x1BFF;
	s21 =	sshll.u32 s6, $0x1;
	s3 =	sadd.s32 s4, s19  }
0x9c: {  	s7 =	simm.s32 $0x0;
	s20 =	sshll.u32 s5, $0x1;
	s5 =	sadd.s32 s21, s3  }
0x9d: {  	[timem:s7], [sflag:s22] =	dma.local [hbm:s5], s20  }
0x9e: {  	_ =	swait.ge [sflag:s22], s20  }
0x9f: {  	s4 =	ssub.s32 $0x0, s20;
	[sflag:s22] =	ssyncset.done $0x0  }
0xa0: {  	[sflag:s22] =	ssyncadd.s32 s4;
	_ =	sdelay $0x1  }
0xa1: {  	s23 =	simm.s32 $0x1B8B  }
0xa2: {  	_ =	swait.ge [sflag:s23], $0x1  }
0xa3: {  	[sflag:s23] =	ssyncset.done $0x0  }
0xa4: {  	s25 =	simm.s32 $0x1B8E;
	s24 =	sld [smem:$0x3FFE];
	[sflag:s23] =	ssyncadd.s32 $0xFFFFFFFF  }
0xa5: {  	s26 =	simm.s32 $execute0_lowered;
	[smem:$0x3FD2] =	sst s25  }
0xa6: {  	s5 =	sshll.u32 s26, $0x1;
	_ =	strace $0x80000046;
	[dreg:$0x1] =	wrdreg $0xFFFFFFFF  }
0xa7: {  	s28 =	simm.s32 $_size_execute0_lowered;
	s3 =	sadd.s32 s3, s5;
	[dreg:$0x0] =	wrdreg $0x0  }
0xa8: {  	s5 =	sshll.u32 s28, $0x1;
	[dreg:$0x2] =	wrdreg s3  }
0xa9: {  	[dreg:$0x3] =	wrdreg s5  }
0xaa: {  	[dreg:$0x4] =	wrdreg $0xC0  }
0xab: {  	_ =	task [dreg:s7], $0x5FFFF  }
0xac: {  	[dreg:$0x1] =	wrdreg $0xFFFFFFFF  }
0xad: {  	[dreg:$0x0] =	wrdreg $0x60  }
0xae: {  	[dreg:$0x2] =	wrdreg s24  }
0xaf: {  	[dreg:$0x3] =	wrdreg s2  }
0xb0: {  	[dreg:$0x4] =	wrdreg $0xA2000  }
0xb1: {  	[dreg:$0x5] =	wrdreg $0x1DA800  }
0xb2: {  	[dreg:$0x6] =	wrdreg $0x9  }
0xb3: {  	_ =	task.clear_ibuf [dreg:s7], $0x7FFFF;
	_ =	strace $0x90000046  }
0xb4: {  	s29 =	simm.s32 $0x9;
	_ =	strace $0x80000048  }
0xb5: {  	_ =	swait.ge [sflag:s29], $0x1  }
0xb6: {  	[sflag:s29] =	ssyncadd.s32 $0xFFFFFFFF  }
0xb7: {  	_ =	strace $0x90000048  }
0xb8: {  	_ =	sfence  }
0xb9: {  	s30 =	sld [smem:$0x0];
	_ =	sdelay $0x2  }
0xba: {  	s31 =	sshll.u32 s1, $0xD;
	s1 =	sshrl.u32 s1, $0x2  }
0xbb: {  	s3 =	sand.u32 $0x4000, s31;
	s1 =	sadd.s32 s1, s30  }
0xbc: {  	s0 =	sor.u32 s3, s0;
	s1 =	sshll.u32 s1, $0x11  }
0xbd: {  	s0 =	sor.u32 s1, s0  }
0xbe: {  	s0 =	sadd.s32 $0x8F2B, s0  }
0xbf: {  	[sflag:s0] =	ssyncadd.remote.s32 $0x1  }
0xc0: {  	_ =	sfence.sel $0xFFFF  }
0xc1: {  	[dreg:$0x0] =	wrdreg $0xFFFFFFFF;
	(pc) =	sbr.abs _section_cstart, $3  }
0xc2: {  	[dreg:$0x1] =	wrdreg $0xFFFFFFFF  }
0xc3: {  	_ =	task.clear_ibuf [dreg:s7], $0x2FFFF;
	_ =	strace $0x9FFFFFFF  }
0xc4: {  	(tm) =	ssettm $0x7FFFFFFF  }
0xc5: {  	_ =	shalt  }
tec
execute0_lowered:
.L_overlay_start_1:
0x0: {  	(tag) =	ssettag $0x1  }
0x1: {  	s0 =	rddreg [dreg:$0x0]  }
0x2: {  	s2 =	rddreg [dreg:$0x2]  }
0x3: {  	s3 =	rddreg [dreg:$0x3];
	s1 =	simm.s32 $0x0;
	s24 =	srdreg.scid  }
0x4: {  	s16 =	stileid.u32;
	s28 =	simm.s32 $0x6;
	s30 =	simm.s32 $0x80  }
0x5: {  	s31 =	simm.s32 $0x50;
	s29 =	simm.s32 $0x5180;
	[smem:$0x7FF] =	sst s1  }
0x6: {  	s6 =	sadd.s32 $0x19600, s0;
	s7 =	sadd.s32 $0x40800, s0;
	s1 =	sand.u32 $0x1, s24  }
0x7: {  	s8 =	sadd.s32 $0x4FB600, s0;
	s9 =	sadd.s32 $0xF800, s0;
	s5 =	sshll.u32 s16, $0xC  }
0x8: {  	s11 =	smul.u32 $0x4E000, s16;
	s10 =	sadd.s32 $0x5A00, s0;
	s12 =	sadd.s32 $0x6A200, s0  }
0x9: {  	s18 =	smul.u32 $0x13800, s16;
	s21 =	sshll.u32 s16, $0x1;
	p0 =	sne.s32 s16, $0xF  }
0xa: {  	_ =	strace $0x80000047;
	s4 =	smul.u32 $0xA000, s1;
	s13 =	ssub.s32 $0x2, s1  }
0xb: {  	p2 =	sgt.u32 @p0 s16, $0x9;
	s16 =	simm.s32 $0x0;
	s11 =	sshrl.u32 s11, $0x2  }
0xc: {  	s25 =	sshrl.u32 s13, $0x1;
	p1 =	por p2, !p0;
	p2 =	por !p2, !p0  }
0xd: {  	s4 =	sadd.s32 s5, s4;
	s20 =	sadd.s32 s11, s2;
	s11 =	smul.u32 $0x138800, s1  }
0xe: {  	v0 =	vimm.s32 $0xEFCDAB89;
	v1 =	vimm.s32 $0x67452301;
	s1 =	sor.u32 s1, s21;
	s26 =	sadd.s32 $0x2800, s20;
	[dreg:$0xc] =	wrdreg s20  }
0xf: {  	v2 =	vimm.s32 $0xDCFE98BA;
	v3 =	vimm.s32 $0x54761032;
	s21 =	sadd.s32 $0x138000, s2;
	s14 =	sadd.s32 $0x5000, s20;
	[dreg:$0x5] =	wrdreg s26  }
0x10: {  	v4 =	vimm.s32 $0xBA98FEDC;
	v5 =	vimm.s32 $0x32107654;
	s4 =	sshrl.u32 s4, $0x3;
	s17 =	sadd.s32 $0x7800, s20;
	[dreg:$0x6] =	wrdreg s14  }
0x11: {  	v6 =	vimm.s32 $0xFEDCBA98;
	v7 =	vimm.s32 $0x76543210;
	s15 =	sadd.s32 $0xA000, s20;
	s19 =	sadd.s32 $0xC800, s20;
	[dreg:$0x7] =	wrdreg s17  }
0x12: {  	vm0 =	vmmov $0x1;
	vm1 =	vcmask $0x310;
	v0 =	vunpack.c.l.s4.s8 v0;
	s22 =	sadd.s32 $0x11800, s20;
	s0 =	sadd.s32 s4, s0;
	[dreg:$0x8] =	wrdreg s15  }
0x13: {  	v1 =	vunpack.c.l.s4.s8 v1;
	v2 =	vunpack.c.l.s4.s8 v2;
	v3 =	vunpack.c.l.s4.s8 v3;
	s4 =	ssub.s32 s13, s25;
	[dreg:$0x9] =	wrdreg s19;
	s17 =	sadd.s32 $0xF000, s20  }
0x14: {  	v4 =	vunpack.c.l.s4.s8 v4;
	v5 =	vunpack.c.l.s4.s8 v5;
	v6 =	vunpack.c.l.s4.s8 v6;
	s14 =	sadd.s32 s18, s11;
	[dreg:$0xb] =	wrdreg s22;
	s13 =	sshrl.u32 s11, $0x3  }
0x15: {  	v0 =	vunpack.c.0.s8.s32 v0;
	v1 =	vunpack.c.0.s8.s32 v1;
	v2 =	vunpack.c.0.s8.s32 v2;
	s19 =	sadd.s32 s5, s3;
	s22 =	smul.u32 $0x2710, s1;
	s1 =	simm.s32 $0x2980  }
0x16: {  	v3 =	vunpack.c.0.s8.s32 v3;
	v4 =	vunpack.c.0.s8.s32 v4;
	v5 =	vunpack.c.0.s8.s32 v5;
	s5 =	simm.s32 $0x1;
	[dreg:$0xa] =	wrdreg s17;
	s14 =	sshrl.u32 s14, $0x3  }
0x17: {  	vm2 =	vcmask $0x710;
	v7 =	vunpack.c.l.s4.s8 v7;
	v1 =	vcombine.low v1, v0;
	s24 =	sadd.s32 s12, s13;
	s0 =	sadd.s32 $0x67A00, s0;
	[dreg:$0xe] =	wrdreg s19  }
0x18: {  	v2 =	vcombine.low v3, v2;
	v3 =	vcombine.low v5, v4;
	v4 =	vunpack.c.0.s8.s32 v6;
	s26 =	smax.u32 s4, $0x1;
	s4 =	simm.s32 $0x2;
	[dreg:$0x10] =	wrdreg s0  }
0x19: {  	vm3 =	vcmask $0xB10;
	v0 =	vimm.f32 $0.0e+00;
	v5 =	vunpack.c.0.s8.s32 v7;
	s13 =	simm.s32 $0x100;
	s23 =	sadd.s32 s12, s14;
	[dreg:$0x11] =	wrdreg s26  }
0x1a: {  	v1 =	vand.u32 $0xF, v1;
	v2 =	vand.u32 $0xF, v2;
	v4 =	vand.u32 $0xF, v4;
	s25 =	sadd.s32 $0x27000, s24;
	s26 =	simm.s32 $0x7980;
	[dreg:$0xd] =	wrdreg s23  }
0x1b: {  	v3 =	vand.u32 $0xF, v3;
	s0 =	simm.s32 $0x180;
	v4 =	vcombine.low v4, v5;
	s12 =	simm.s32 $0x3;
	v5 =	vlaneseq.u32;
	[dreg:$0xf] =	wrdreg s25  }
.LBB2_1:
0x1c: {  	s15 =	simm.s32 $0x0  }
0x1d: {  	s14 =	sand.u32 $0xFE00, s15  }
0x1e: {  	s15 =	sand.u32 $0x70, s15;
	s17 =	sshrl.u32 s14, $0x2  }
0x1f: {  	s14 =	simm.s32 $0x40;
	s17 =	sor.u32 s15, s17;
	s15 =	simm.s32 $0x0  }
.LBB2_2:
0x20: {  	p3 =	sne.s32 s14, $0x9FC0  }
0x21: {  	[tilespmem:s17+$0x7980] =	vst v0;
	s15 =	sadd.s32 $0x10, s15;
	s17 =	smov.u32 s14;
	s14 =	sadd.s32 $0x40, s14  }
.Ltmp0:
0x22: {  	(pc) =	sbr.rel @p3 .LBB2_2-.Ltmp0, $4  }
0x23: {  	_ = 	snop  }
0x24: {  	s17 =	sand.u32 $0xFE00, s17  }
0x25: {  	s18 =	sand.u32 $0x70, s15;
	s17 =	sshrl.u32 s17, $0x2  }
0x26: {  	s17 =	sor.u32 s18, s17  }
0x27: {  	[tilespmem:s17+$0x7980] =	vst v0  }
0x28: {  	[spmem:s20] =	stream.linear.scatter [tilespmem:s26], [sflag:$0x6], $0x2800, $0x38;
	[tilespmem:$0x1E480] =	vst v63  }
0x29: {  	_ =	swait.ge [sflag:s28], $0x2800  }
0x2a: {  	[sflag:s28] =	ssyncset.done $0x0  }
0x2b: {  	s14 =	rddreg [dreg:$0x5];
	[sflag:s28] =	ssyncadd.s32 $0xFFFFD800  }
0x2c: {  	[spmem:s14] =	stream.linear.scatter [tilespmem:s26], [sflag:$0x6], $0x2800, $0x38;
	[tilespmem:$0x1E480] =	vst v63  }
0x2d: {  	_ =	swait.ge [sflag:s28], $0x2800  }
0x2e: {  	[sflag:s28] =	ssyncset.done $0x0  }
0x2f: {  	s17 =	rddreg [dreg:$0x6];
	[sflag:s28] =	ssyncadd.s32 $0xFFFFD800  }
0x30: {  	[spmem:s17] =	stream.linear.scatter [tilespmem:s26], [sflag:$0x6], $0x2800, $0x38;
	[tilespmem:$0x1E480] =	vst v63  }
0x31: {  	_ =	swait.ge [sflag:s28], $0x2800  }
0x32: {  	[sflag:s28] =	ssyncset.done $0x0  }
0x33: {  	s18 =	rddreg [dreg:$0x7];
	[sflag:s28] =	ssyncadd.s32 $0xFFFFD800  }
0x34: {  	[spmem:s18] =	stream.linear.scatter [tilespmem:s26], [sflag:$0x6], $0x2800, $0x38;
	[tilespmem:$0x1E480] =	vst v63  }
0x35: {  	_ =	swait.ge [sflag:s28], $0x2800  }
0x36: {  	[sflag:s28] =	ssyncset.done $0x0  }
0x37: {  	s20 =	rddreg [dreg:$0x8];
	[sflag:s28] =	ssyncadd.s32 $0xFFFFD800  }
0x38: {  	[spmem:s20] =	stream.linear.scatter [tilespmem:s26], [sflag:$0x6], $0x2800, $0x38;
	[tilespmem:$0x1E480] =	vst v63  }
0x39: {  	_ =	swait.ge [sflag:s28], $0x2800  }
0x3a: {  	[sflag:s28] =	ssyncset.done $0x0  }
0x3b: {  	s23 =	rddreg [dreg:$0x9];
	[sflag:s28] =	ssyncadd.s32 $0xFFFFD800  }
0x3c: {  	[spmem:s23] =	stream.linear.scatter [tilespmem:s26], [sflag:$0x6], $0x2800, $0x38;
	[tilespmem:$0x1E480] =	vst v63  }
0x3d: {  	_ =	swait.ge [sflag:s28], $0x2800  }
0x3e: {  	[sflag:s28] =	ssyncset.done $0x0  }
0x3f: {  	s24 =	rddreg [dreg:$0xa];
	[sflag:s28] =	ssyncadd.s32 $0xFFFFD800  }
0x40: {  	[spmem:s24] =	stream.linear.scatter [tilespmem:s26], [sflag:$0x6], $0x2800, $0x38;
	[tilespmem:$0x1E480] =	vst v63  }
0x41: {  	_ =	swait.ge [sflag:s28], $0x2800  }
0x42: {  	[sflag:s28] =	ssyncset.done $0x0  }
0x43: {  	s25 =	rddreg [dreg:$0xb];
	[sflag:s28] =	ssyncadd.s32 $0xFFFFD800  }
0x44: {  	[spmem:s25] =	stream.linear.scatter [tilespmem:s26], [sflag:$0x6], $0x2000, $0x38;
	[tilespmem:$0x1E480] =	vst v63  }
0x45: {  	_ =	swait.ge [sflag:s28], $0x2000  }
0x46: {  	[sflag:s28] =	ssyncset.done $0x0  }
0x47: {  	s14 =	simm.s32 @!p1 $0x7980;
	[sflag:s28] =	ssyncadd.s32 $0xFFFFE000  }
0x48: {  	[spmem:s19] =	stream.linear.scatter @!p1 [tilespmem:s14], [sflag:$0x6], $0x1000, $0x38;
	[tilespmem:$0x1E480] =	vst v63  }
0x49: {  	s14 =	simm.s32 @!p1 $0x6  }
0x4a: {  	_ =	swait.ge @!p1 [sflag:s14], $0x1000  }
0x4b: {  	[sflag:s14] =	ssyncset.done @!p1 $0x0  }
0x4c: {  	[sflag:s14] =	ssyncadd.s32 @!p1 $0xFFFFF000;
	s14 =	simm.s32 @!p0 $0x7980  }
0x4d: {  	[spmem:s21] =	stream.linear.scatter @!p0 [tilespmem:s14], [sflag:$0x6], $0x800, $0x38;
	[tilespmem:$0x1E480] =	vst v63  }
0x4e: {  	s14 =	simm.s32 @!p0 $0x6  }
0x4f: {  	_ =	swait.ge @!p0 [sflag:s14], $0x800  }
0x50: {  	[sflag:s14] =	ssyncset.done @!p0 $0x0  }
0x51: {  	[sflag:s14] =	ssyncadd.s32 @!p0 $0xFFFFF800  }
0x52: {  	s15 =	simm.s32 $0xA180;
	s17 =	simm.s32 $0x0;
	s14 =	rddreg [dreg:$0x1]  }
0x53: {  	[tilespmem:s15], [sflag:$0x6] =	stream.linear.gather [hbm4b:s14+s17], $0x80, $0x38;
	[tilespmem:$0x1E480] =	vst v63  }
0x54: {  	_ =	swait.ge [sflag:s28], $0x80  }
0x55: {  	[sflag:s28] =	ssyncset.done $0x0  }
0x56: {  	[sflag:s28] =	ssyncadd.s32 $0xFFFFFF80  }
0x57: {  	[bflag:$0x0] =	sbarrier.arrive $0xFFFF  }
0x58: {  	v6 =	vld [tilespmem:$0xA180]  }
0x59: {  	v7 =	vld [tilespmem:$0xA190]  }
0x5a: {  	v8 =	vld [tilespmem:$0xA1A0]  }
0x5b: {  	v9 =	vld [tilespmem:$0xA1B0]  }
0x5c: {  	v10 =	vld [tilespmem:$0xA1C0]  }
0x5d: {  	p4 =	por @p0 $0x0, $0x0;
	p3 =	por @!p1 $0x1, $0x1;
	v11 =	vld [tilespmem:$0xA1D0]  }
0x5e: {  	p3 =	por @!p2 p4, p4;
	p4 =	por @!p0 $0x0, $0x0;
	v12 =	vld [tilespmem:$0xA1E0]  }
0x5f: {  	s11 =	smov.u32 s21;
	p3 =	por @!p0 p4, p4;
	s18 =	simm.s32 $0x0;
	v13 =	vld [tilespmem:$0xA1F0]  }
.LBB2_4:
0x60: {  	p4 =	seq.s32 s18, $0x0  }
0x61: {  	s14 =	simm.s32 @!p4 $0x4  }
0x62: {  	_ =	swait.ge @!p4 [sflag:s14], $0x2800  }
0x63: {  	s15 =	smul.u32 $0x50, s18;
	[sflag:s14] =	ssyncset.done @!p4 $0x0  }
0x64: {  	[sflag:s14] =	ssyncadd.s32 @!p4 $0xFFFFD800;
	s14 =	simm.s32 @!p4 $0x5  }
0x65: {  	s15 =	sadd.s32 s22, s15;
	_ =	swait.ge @!p4 [sflag:s14], $0x2800  }
0x66: {  	s19 =	sshrl.u32 s15, $0x3;
	[sflag:s14] =	ssyncset.done @!p4 $0x0  }
0x67: {  	s24 =	sadd.s32 s9, s19;
	[sflag:s14] =	ssyncadd.s32 @!p4 $0xFFFFD800  }
0x68: {  	[tilespmem:s17], [sflag:$0x6] =	stream.linear.gather [hbm4b:s24+s17], $0x50, $0x38;
	[tilespmem:$0x1E480] =	vst v63  }
0x69: {  	_ =	swait.ge [sflag:s28], $0x50  }
0x6a: {  	[sflag:s28] =	ssyncset.done $0x0  }
0x6b: {  	s25 =	sadd.s32 s10, s19;
	[sflag:s28] =	ssyncadd.s32 $0xFFFFFFB0  }
0x6c: {  	[tilespmem:s30], [sflag:$0x6] =	stream.linear.gather [hbm4b:s25+s17], $0x50, $0x38;
	[tilespmem:$0x1E480] =	vst v63  }
0x6d: {  	_ =	swait.ge [sflag:s28], $0x50  }
0x6e: {  	[sflag:s28] =	ssyncset.done $0x0  }
0x6f: {  	[sflag:s28] =	ssyncadd.s32 $0xFFFFFFB0  }
0x70: {  	v14 =	vld [tilespmem:$0x80]  }
0x71: {  	v15 =	vld [tilespmem:$0x90]  }
0x72: {  	v16 =	vld [tilespmem:$0xA0]  }
0x73: {  	v17 =	vld [tilespmem:$0xB0]  }
0x74: {  	v18 =	vld [tilespmem:$0xC0]  }
0x75: {  	v14 =	vshrl.u32 v14, $0x5  }
0x76: {  	[tilespmem:$0x100] =	vst v14;
	v14 =	vshrl.u32 v15, $0x5  }
0x77: {  	[tilespmem:$0x110] =	vst v14;
	v14 =	vshrl.u32 v16, $0x5  }
0x78: {  	[tilespmem:$0x120] =	vst v14;
	v14 =	vshrl.u32 v17, $0x5  }
0x79: {  	[tilespmem:$0x130] =	vst v14;
	v14 =	vshrl.u32 v18, $0x5  }
0x7a: {  	[tilespmem:$0x140] =	vst v14  }
0x7b: {  	[tilespmem:s0], [sflag:$0x1] =	stream.indirect.gather [hbm4b:s6+s31], $0x80, s17, s31, $0xb8;
	[tilespmem:$0x1E480] =	vst v63  }
0x7c: {  	s15 =	sshll.u32 s15, $0x4  }
0x7d: {  	[tilespmem:s1], [sflag:$0x2] =	stream.indirect.gather [hbm4b:s7+s31], $0x80, s30, s31, $0xb8;
	[tilespmem:$0x1E480] =	vst v63  }
0x7e: {  	s14 =	sadd.s32 s8, s15  }
0x7f: {  	[tilespmem:s29], [sflag:$0x3] =	stream.linear.gather [hbm4b:s14+s17], $0x2800, $0x38;
	[tilespmem:$0x1E480] =	vst v63  }
0x80: {  	_ =	swait.ge [sflag:s5], $0x2800  }
0x81: {  	[sflag:s5] =	ssyncset.done $0x0  }
0x82: {  	[sflag:s5] =	ssyncadd.s32 $0xFFFFD800  }
0x83: {  	_ =	swait.ge [sflag:s4], $0x2800  }
0x84: {  	[sflag:s4] =	ssyncset.done $0x0  }
0x85: {  	[sflag:s4] =	ssyncadd.s32 $0xFFFFD800  }
0x86: {  	_ =	swait.ge [sflag:s12], $0x2800  }
0x87: {  	[sflag:s12] =	ssyncset.done $0x0  }
0x88: {  	s20 =	simm.s32 $0x51C0;
	[sflag:s12] =	ssyncadd.s32 $0xFFFFD800  }
0x89: {  	v14 =	vld [tilespmem:s20+$0xFFFFFFF0]  }
0x8a: {  	v15 =	vld [tilespmem:s20+$0xFFFFFFD0]  }
0x8b: {  	s23 =	simm.s32 $0x29C0;
	v16 =	vld [tilespmem:s20+$0x10]  }
0x8c: {  	v18 =	vld [tilespmem:s23+$0x30]  }
0x8d: {  	s24 =	simm.s32 $0x1C0;
	v19 =	vld [tilespmem:s23+$0x10]  }
0x8e: {  	v20 =	vld [tilespmem:s24+$0x10]  }
0x8f: {  	v21 =	vld [tilespmem:s23+$0x0]  }
0x90: {  	v22 =	vld [tilespmem:s24+$0x0]  }
0x91: {  	v23 =	vld [tilespmem:s23+$0xFFFFFFF0]  }
0x92: {  	v24 =	vld [tilespmem:s24+$0xFFFFFFF0]  }
0x93: {  	v25 =	vld [tilespmem:s23+$0xFFFFFFE0]  }
0x94: {  	v26 =	vld [tilespmem:s24+$0xFFFFFFC0]  }
0x95: {  	v27 =	vld [tilespmem:s23+$0xFFFFFFD0]  }
0x96: {  	v28 =	vld [tilespmem:s24+$0xFFFFFFD0]  }
0x97: {  	v29 =	vld [tilespmem:s23+$0xFFFFFFC0]  }
0x98: {  	v30 =	vld [tilespmem:s24+$0xFFFFFFE0]  }
0x99: {  	v32 =	vld [tilespmem:s23+$0x20]  }
0x9a: {  	v33 =	vld [tilespmem:s24+$0x20]  }
0x9b: {  	v52 =	vld [tilespmem:s24+$0x30]  }
0x9c: {  	v17 =	vld [tilespmem:s20+$0x0];
	v19 =	vadd.f32 v19, v20  }
0x9d: {  	v50 =	vld [tilespmem:s20+$0xFFFFFFE0];
	v21 =	vadd.f32 v21, v22;
	v23 =	vadd.f32 v23, v24  }
0x9e: {  	v27 =	vadd.f32 v27, v28;
	v16 =	vadd.f32 v16, v19;
	v19 =	vld [tilespmem:s20+$0xFFFFFFC0]  }
0x9f: {  	v54 =	vld [tilespmem:s20+$0x30];
	v29 =	vadd.f32 v29, v26;
	v25 =	vadd.f32 v25, v30  }
0xa0: {  	v32 =	vadd.f32 v32, v33;
	v18 =	vadd.f32 v18, v52  }
0xa1: {  	v17 =	vadd.f32 v17, v21;
	v14 =	vadd.f32 v14, v23  }
0xa2: {  	v15 =	vadd.f32 v15, v27;
	v21 =	vadd.f32 v50, v25;
	v31 =	vmul.f32 $2.000000030e-01, v16  }
0xa3: {  	v51 =	vmul.f32 $2.000000030e-01, v17;
	v53 =	vmul.f32 $2.000000030e-01, v14;
	v19 =	vadd.f32 v19, v29  }
0xa4: {  	v56 =	vld [tilespmem:s20+$0x20];
	v18 =	vadd.f32 v54, v18;
	v55 =	vmul.f32 $2.000000030e-01, v15;
	v58 =	vmul.f32 $2.000000030e-01, v21  }
0xa5: {  	v16 =	vmax.f32 v16, v31;
	v17 =	vmax.f32 v17, v51;
	v57 =	vmul.f32 $2.000000030e-01, v19  }
0xa6: {  	v15 =	vmax.f32 v15, v55;
	v17 =	vmul.f32 v17, v10;
	v16 =	vmul.f32 v16, v11  }
0xa7: {  	v14 =	vmax.f32 v14, v53;
	v15 =	vmul.f32 v15, v7;
	v19 =	vmax.f32 v19, v57  }
0xa8: {  	v16 =	vadd.f32 v16, v17;
	v17 =	vmul.f32 v19, v6;
	v19 =	vmax.f32 v21, v58  }
0xa9: {  	v59 =	vadd.f32 v56, v32;
	v14 =	vmul.f32 v14, v9;
	v19 =	vmul.f32 v19, v8  }
0xaa: {  	v60 =	vperm.xlane v16, v1;
	v15 =	vadd.f32 v15, v17  }
0xab: {  	v25 =	vmul.f32 $2.000000030e-01, v59;
	v17 =	vmul.f32 $2.000000030e-01, v18;
	v14 =	vadd.f32 v14, v19  }
0xac: {  	v16 =	vadd.f32 v60, v16;
	v19 =	vperm.xlane v15, v1  }
0xad: {  	v17 =	vmax.f32 v18, v17;
	v18 =	vmax.f32 v59, v25;
	v62 =	vperm.xlane v14, v1  }
0xae: {  	v17 =	vmul.f32 v17, v13;
	v18 =	vmul.f32 v18, v12;
	v15 =	vadd.f32 v19, v15  }
0xaf: {  	v61 =	vperm.xlane v16, v2;
	v14 =	vadd.f32 v62, v14  }
0xb0: {  	v17 =	vadd.f32 v17, v18;
	v18 =	vperm.xlane v15, v2  }
0xb1: {  	v16 =	vadd.f32 v61, v16;
	v23 =	vperm.xlane v14, v2  }
0xb2: {  	v19 =	vperm.xlane v17, v1;
	v15 =	vadd.f32 v18, v15  }
0xb3: {  	v21 =	vperm.xlane v16, v3;
	v14 =	vadd.f32 v23, v14  }
0xb4: {  	v17 =	vadd.f32 v19, v17;
	v18 =	vperm.xlane v15, v3  }
0xb5: {  	v16 =	vadd.f32 v21, v16;
	v23 =	vperm.xlane v14, v3  }
0xb6: {  	v19 =	vperm.xlane v17, v2;
	v15 =	vadd.f32 v18, v15  }
0xb7: {  	v21 =	vperm.xlane v16, v4;
	v14 =	vadd.f32 v23, v14  }
0xb8: {  	v17 =	vadd.f32 v19, v17;
	v18 =	vperm.xlane v15, v4  }
0xb9: {  	v16 =	vadd.f32 v21, v16;
	v63 =	vperm.xlane v14, v4  }
0xba: {  	v19 =	vperm.xlane v17, v3;
	v15 =	vadd.f32 v18, v15  }
0xbb: {  	v16 =	vmul.f32 $1.442695020e+00, v16;
	v14 =	vadd.f32 v63, v14  }
0xbc: {  	v17 =	vadd.f32 v19, v17;
	v15 =	vmul.f32 $1.442695020e+00, v15  }
0xbd: {  	(erf) = vpow2.f32 v16;
	v14 =	vmul.f32 $1.442695020e+00, v14  }
0xbe: {  	v16 =	vperm.xlane v17, v4;
	(erf) = vpow2.f32 v15  }
0xbf: {  	(erf) = vpow2.f32 v14  }
0xc0: {  	v15 =	vadd.f32 v16, v17;
	_ =	sdelay $0x1  }
0xc1: {  	v14 =	vmul.f32 $1.442695020e+00, v15;
	_ =	sdelay $0x1  }
0xc2: {  	(erf) = vpow2.f32 v14;
	_ =	sdelay $0x1  }
0xc3: {  	v14 =	vpop (erf)  }
0xc4: {  	v16 =	vmul.f32 v14, v20;
	v17 =	vpop (erf)  }
0xc5: {  	s19 =	simm.s32 $0x79C0;
	v15 =	vmul.f32 v14, v22;
	v18 =	vpop (erf)  }
0xc6: {  	[tilespmem:s19+$0x10] =	vst v16;
	v16 =	vmul.f32 v18, v24  }
0xc7: {  	[tilespmem:s19+$0x0] =	vst v15;
	v15 =	vmul.f32 v17, v26;
	_ =	sdelay $0x1  }
0xc8: {  	v19 =	vmul.f32 v18, v30;
	[tilespmem:s19+$0xFFFFFFC0] =	vst v15  }
0xc9: {  	v15 =	vmul.f32 v17, v28;
	[tilespmem:s19+$0xFFFFFFF0] =	vst v16;
	v16 =	vpop (erf)  }
0xca: {  	[tilespmem:s19+$0xFFFFFFE0] =	vst v19;
	v19 =	vmul.f32 v16, v33  }
0xcb: {  	[tilespmem:s19+$0xFFFFFFD0] =	vst v15;
	v15 =	vmul.f32 v16, v52  }
0xcc: {  	[tilespmem:s19+$0x20] =	vst v19  }
0xcd: {  	s21 =	sand.u32 $0x70, s17;
	[tilespmem:s19+$0x30] =	vst v15  }
0xce: {  	v15 =	vld [tilespmem:s21+$0x80];
	_ =	sdelay $0x4  }
0xcf: {  	s25 =	sand.u32 $0xF, s17;
	v19 =	vshrl.u32 v15, $0x2  }
0xd0: {  	v20 =	vmov s25;
	v15 =	vand.u32 $0x3, v15;
	v19 =	vand.u32 $0x7, v19  }
0xd1: {  	v17 =	vnsel vm0, $0x0, v17;
	v15 =	vperm.xlane v15, v20;
	v19 =	vcvt.s32.f32 v19  }
0xd2: {  	v17 =	vsel vm1, v17, v18  }
0xd3: {  	v14 =	vsel vm2, v17, v14;
	v17 =	vshll.u32 v15, $0x2;
	v15 =	vperm.xlane v19, v20  }
0xd4: {  	v18 =	vsub.s32 v5, v17;
	v19 =	vsel vm3, v14, v16  }
0xd5: {  	s15 =	simm.s32 $0x7A40;
	s14 =	simm.s32 $0x1;
	s25 =	simm.s32 $0x51C0;
	v14 =	vmul.f32 v15, v15;
	v16 =	vadd.f32 $-4.000000000e+00, v15;
	v17 =	vadd.f32 $-5.000000000e+00, v15  }
.LBB2_5:
0xd6: {  	v18 =	vperm.xlane v19, v18;
	v19 =	vadd.f32 $-1.000000000e+00, v15;
	v20 =	vadd.f32 $-2.000000000e+00, v15;
	s24 =	sadd.s32 $0x80, s24;
	s23 =	sadd.s32 $0x80, s23;
	s20 =	sadd.s32 $0x80, s20  }
0xd7: {  	p4 =	sne.s32 s14, $0x4F;
	v21 =	vadd.f32 $-3.000000000e+00, v15;
	s19 =	smov.u32 s14;
	s14 =	sadd.s32 $0x1, s14;
	v16 =	vmul.f32 v16, v16;
	v17 =	vmul.f32 v17, v17  }
0xd8: {  	v22 =	vadd.f32 $-6.000000000e+00, v15;
	v15 =	vadd.f32 $-7.000000000e+00, v15;
	v20 =	vmul.f32 v20, v20  }
0xd9: {  	v21 =	vmul.f32 v21, v21;
	v16 =	vsub.f32 $1.000000000e+00, v16;
	v17 =	vsub.f32 $1.000000000e+00, v17  }
0xda: {  	v19 =	vmul.f32 v19, v19;
	v22 =	vmul.f32 v22, v22;
	v20 =	vsub.f32 $1.000000000e+00, v20  }
0xdb: {  	v21 =	vsub.f32 $1.000000000e+00, v21;
	v16 =	vmax.f32 v16, $0.0e+00;
	v17 =	vmax.f32 v17, $0.0e+00  }
0xdc: {  	v19 =	vsub.f32 $1.000000000e+00, v19;
	v16 =	vmul.f32 v16, v18;
	v17 =	vmul.f32 v17, v18  }
0xdd: {  	v15 =	vmul.f32 v15, v15;
	v22 =	vsub.f32 $1.000000000e+00, v22;
	v21 =	vmax.f32 v21, $0.0e+00  }
0xde: {  	v14 =	vsub.f32 $1.000000000e+00, v14;
	v19 =	vmax.f32 v19, $0.0e+00;
	v21 =	vmul.f32 v21, v18;
	[tilespmem:s25+$0x10] =	vst v17  }
0xdf: {  	v17 =	vmul.f32 v19, v18;
	v19 =	vmax.f32 v20, $0.0e+00;
	[tilespmem:s25+$0x0] =	vst v16;
	v16 =	vmax.f32 v22, $0.0e+00  }
0xe0: {  	v15 =	vsub.f32 $1.000000000e+00, v15;
	v19 =	vmul.f32 v19, v18;
	[tilespmem:s25+$0xFFFFFFF0] =	vst v21;
	v16 =	vmul.f32 v16, v18  }
0xe1: {  	v14 =	vmax.f32 v14, $0.0e+00;
	[tilespmem:s25+$0xFFFFFFD0] =	vst v17  }
0xe2: {  	v14 =	vmul.f32 v14, v18;
	v15 =	vmax.f32 v15, $0.0e+00;
	v20 =	vld [tilespmem:s20+$0xFFFFFFF0];
	[tilespmem:s25+$0xFFFFFFE0] =	vst v19  }
0xe3: {  	v15 =	vmul.f32 v15, v18;
	v21 =	vld [tilespmem:s20+$0xFFFFFFD0];
	[tilespmem:s25+$0x20] =	vst v16  }
0xe4: {  	v17 =	vld [tilespmem:s20+$0x10];
	[tilespmem:s25+$0xFFFFFFC0] =	vst v14  }
0xe5: {  	v19 =	vld [tilespmem:s20+$0x0];
	[tilespmem:s25+$0x30] =	vst v15;
	s25 =	smov.u32 s20  }
0xe6: {  	v22 =	vld [tilespmem:s23+$0x30]  }
0xe7: {  	v15 =	vld [tilespmem:s23+$0x10]  }
0xe8: {  	v16 =	vld [tilespmem:s24+$0x10]  }
0xe9: {  	v23 =	vld [tilespmem:s23+$0x0]  }
0xea: {  	v18 =	vld [tilespmem:s24+$0x0]  }
0xeb: {  	v24 =	vld [tilespmem:s23+$0xFFFFFFF0]  }
0xec: {  	v14 =	vld [tilespmem:s24+$0xFFFFFFF0]  }
0xed: {  	v25 =	vld [tilespmem:s23+$0xFFFFFFE0];
	v26 =	vadd.f32 v15, v16  }
0xee: {  	v15 =	vld [tilespmem:s24+$0xFFFFFFC0]  }
0xef: {  	v27 =	vld [tilespmem:s23+$0xFFFFFFD0];
	v23 =	vadd.f32 v23, v18;
	v26 =	vadd.f32 v17, v26  }
0xf0: {  	v17 =	vld [tilespmem:s24+$0xFFFFFFD0]  }
0xf1: {  	v28 =	vld [tilespmem:s23+$0xFFFFFFC0];
	v24 =	vadd.f32 v24, v14;
	v23 =	vadd.f32 v19, v23;
	v29 =	vmul.f32 $2.000000030e-01, v26  }
0xf2: {  	v19 =	vld [tilespmem:s24+$0xFFFFFFE0]  }
0xf3: {  	v30 =	vld [tilespmem:s20+$0xFFFFFFC0];
	v24 =	vadd.f32 v20, v24;
	v20 =	vmul.f32 $2.000000030e-01, v23;
	v26 =	vmax.f32 v26, v29  }
0xf4: {  	v29 =	vld [tilespmem:s20+$0xFFFFFFE0]  }
0xf5: {  	v27 =	vadd.f32 v27, v17;
	v31 =	vmul.f32 $2.000000030e-01, v24;
	v20 =	vmax.f32 v23, v20;
	v23 =	vld [tilespmem:s23+$0x20]  }
0xf6: {  	v26 =	vmul.f32 v26, v11;
	v28 =	vadd.f32 v28, v15;
	v32 =	vmul.f32 v20, v10;
	v20 =	vld [tilespmem:s24+$0x20]  }
0xf7: {  	v27 =	vadd.f32 v21, v27;
	v25 =	vadd.f32 v25, v19;
	v24 =	vmax.f32 v24, v31;
	v21 =	vld [tilespmem:s24+$0x30]  }
0xf8: {  	v28 =	vadd.f32 v30, v28;
	v26 =	vadd.f32 v26, v32  }
0xf9: {  	v24 =	vmul.f32 v24, v9;
	v30 =	vmul.f32 $2.000000030e-01, v27;
	v25 =	vadd.f32 v29, v25;
	v29 =	vld [tilespmem:s20+$0x30]  }
0xfa: {  	v31 =	vmul.f32 $2.000000030e-01, v28;
	v32 =	vld [tilespmem:s20+$0x20];
	v33 =	vperm.xlane v26, v1  }
0xfb: {  	v27 =	vmax.f32 v27, v30;
	v30 =	vmul.f32 $2.000000030e-01, v25;
	v23 =	vadd.f32 v23, v20  }
0xfc: {  	v28 =	vmax.f32 v28, v31;
	v22 =	vadd.f32 v22, v21;
	v26 =	vadd.f32 v33, v26  }
0xfd: {  	v27 =	vmul.f32 v27, v7;
	v28 =	vmul.f32 v28, v6;
	v25 =	vmax.f32 v25, v30  }
0xfe: {  	v25 =	vmul.f32 v25, v8;
	v22 =	vadd.f32 v29, v22;
	v29 =	vperm.xlane v26, v2  }
0xff: {  	v23 =	vadd.f32 v32, v23;
	v27 =	vadd.f32 v27, v28  }
0x100: {  	v28 =	vmul.f32 $2.000000030e-01, v22;
	v24 =	vadd.f32 v24, v25;
	v25 =	vadd.f32 v29, v26  }
0x101: {  	v26 =	vmul.f32 $2.000000030e-01, v23;
	v29 =	vperm.xlane v27, v1  }
0x102: {  	v22 =	vmax.f32 v22, v28;
	v28 =	vperm.xlane v24, v1;
	v30 =	vperm.xlane v25, v3  }
0x103: {  	v23 =	vmax.f32 v23, v26;
	v22 =	vmul.f32 v22, v13;
	v26 =	vadd.f32 v29, v27  }
0x104: {  	v23 =	vmul.f32 v23, v12;
	v24 =	vadd.f32 v28, v24;
	v25 =	vadd.f32 v30, v25  }
0x105: {  	v27 =	vperm.xlane v26, v2  }
0x106: {  	v28 =	vperm.xlane v24, v2;
	v29 =	vperm.xlane v25, v4;
	v22 =	vadd.f32 v22, v23  }
0x107: {  	v23 =	vadd.f32 v27, v26  }
0x108: {  	v24 =	vadd.f32 v28, v24;
	v25 =	vadd.f32 v29, v25;
	v26 =	vperm.xlane v22, v1  }
0x109: {  	v27 =	vperm.xlane v23, v3  }
0x10a: {  	v28 =	vperm.xlane v24, v3;
	v25 =	vmul.f32 $1.442695020e+00, v25;
	v22 =	vadd.f32 v26, v22  }
0x10b: {  	v23 =	vadd.f32 v27, v23  }
0x10c: {  	v24 =	vadd.f32 v28, v24;
	v26 =	vperm.xlane v22, v2;
	(erf) = vpow2.f32 v25  }
0x10d: {  	v25 =	vperm.xlane v23, v4  }
0x10e: {  	v27 =	vperm.xlane v24, v4;
	v22 =	vadd.f32 v26, v22  }
0x10f: {  	v23 =	vadd.f32 v25, v23  }
0x110: {  	v24 =	vadd.f32 v27, v24;
	v25 =	vperm.xlane v22, v3  }
0x111: {  	v23 =	vmul.f32 $1.442695020e+00, v23  }
0x112: {  	v26 =	vmul.f32 $1.442695020e+00, v24;
	v22 =	vadd.f32 v25, v22  }
0x113: {  	(erf) = vpow2.f32 v23  }
0x114: {  	v23 =	vperm.xlane v22, v4;
	(erf) = vpow2.f32 v26  }
0x115: {  	v24 =	vpop (erf)  }
0x116: {  	v18 =	vmul.f32 v24, v18;
	v16 =	vmul.f32 v24, v16;
	v22 =	vadd.f32 v23, v22;
	_ =	sdelay $0x1  }
0x117: {  	[tilespmem:s15+$0x0] =	vst v18;
	v18 =	vmul.f32 $1.442695020e+00, v22  }
0x118: {  	[tilespmem:s15+$0x10] =	vst v16  }
0x119: {  	(erf) = vpow2.f32 v18;
	_ =	sdelay $0x1  }
0x11a: {  	v16 =	vpop (erf)  }
0x11b: {  	v15 =	vmul.f32 v16, v15;
	v17 =	vmul.f32 v16, v17;
	v16 =	vnsel vm0, $0x0, v16;
	v18 =	vpop (erf)  }
0x11c: {  	v19 =	vmul.f32 v18, v19;
	v14 =	vmul.f32 v18, v14;
	v16 =	vsel vm1, v16, v18  }
0x11d: {  	[tilespmem:s15+$0xFFFFFFC0] =	vst v15;
	v16 =	vsel vm2, v16, v24  }
0x11e: {  	[tilespmem:s15+$0xFFFFFFF0] =	vst v14  }
0x11f: {  	[tilespmem:s15+$0xFFFFFFE0] =	vst v19  }
0x120: {  	[tilespmem:s15+$0xFFFFFFD0] =	vst v17  }
0x121: {  	v14 =	vpop (erf)  }
0x122: {  	v15 =	vmul.f32 v14, v20;
	v17 =	vmul.f32 v14, v21;
	_ =	sdelay $0x1  }
0x123: {  	[tilespmem:s15+$0x20] =	vst v15  }
0x124: {  	s21 =	sand.u32 $0x70, s19;
	[tilespmem:s15+$0x30] =	vst v17  }
0x125: {  	v15 =	vld [tilespmem:s21+$0x80];
	_ =	sdelay $0x3  }
0x126: {  	s19 =	sand.u32 $0xF, s19  }
0x127: {  	v17 =	vmov s19;
	v18 =	vand.u32 $0x3, v15;
	v15 =	vshrl.u32 v15, $0x2  }
0x128: {  	v18 =	vperm.xlane v18, v17;
	v15 =	vand.u32 $0x7, v15  }
.Ltmp1:
0x129: {  	v15 =	vcvt.s32.f32 v15;
	(pc) =	sbr.rel @p4 .LBB2_5-.Ltmp1, $4  }
0x12a: {  	v18 =	vshll.u32 v18, $0x2  }
0x12b: {  	v15 =	vperm.xlane v15, v17;
	v18 =	vsub.s32 v5, v18  }
0x12c: {  	v19 =	vsel vm3, v16, v14  }
0x12d: {  	s15 =	sadd.s32 $0x80, s15;
	v14 =	vmul.f32 v15, v15;
	v16 =	vadd.f32 $-4.000000000e+00, v15;
	v17 =	vadd.f32 $-5.000000000e+00, v15  }
0x12e: {  	v61 =	vadd.f32 $-2.000000000e+00, v15;
	v20 =	vadd.f32 $-1.000000000e+00, v15  }
0x12f: {  	v18 =	vperm.xlane v19, v18;
	v21 =	vadd.f32 $-3.000000000e+00, v15;
	v22 =	vadd.f32 $-6.000000000e+00, v15  }
0x130: {  	v15 =	vadd.f32 $-7.000000000e+00, v15;
	v17 =	vmul.f32 v17, v17;
	v16 =	vmul.f32 v16, v16  }
0x131: {  	v14 =	vsub.f32 $1.000000000e+00, v14;
	v19 =	vmul.f32 v61, v61;
	v21 =	vmul.f32 v21, v21  }
0x132: {  	v20 =	vmul.f32 v20, v20;
	v22 =	vmul.f32 v22, v22;
	v17 =	vsub.f32 $1.000000000e+00, v17  }
0x133: {  	v15 =	vmul.f32 v15, v15;
	v16 =	vsub.f32 $1.000000000e+00, v16;
	v14 =	vmax.f32 v14, $0.0e+00  }
0x134: {  	v21 =	vsub.f32 $1.000000000e+00, v21;
	v14 =	vmul.f32 v14, v18;
	v17 =	vmax.f32 v17, $0.0e+00  }
0x135: {  	v20 =	vsub.f32 $1.000000000e+00, v20;
	v16 =	vmax.f32 v16, $0.0e+00;
	v17 =	vmul.f32 v17, v18  }
0x136: {  	v19 =	vsub.f32 $1.000000000e+00, v19;
	v16 =	vmul.f32 v16, v18;
	v21 =	vmax.f32 v21, $0.0e+00;
	[tilespmem:s25+$0xFFFFFFC0] =	vst v14  }
0x137: {  	v15 =	vsub.f32 $1.000000000e+00, v15;
	v20 =	vmax.f32 v20, $0.0e+00;
	v21 =	vmul.f32 v21, v18;
	[tilespmem:s25+$0x10] =	vst v17  }
0x138: {  	v22 =	vsub.f32 $1.000000000e+00, v22;
	v19 =	vmax.f32 v19, $0.0e+00;
	v62 =	vmul.f32 v20, v18;
	[tilespmem:s25+$0x0] =	vst v16  }
0x139: {  	v15 =	vmax.f32 v15, $0.0e+00;
	v19 =	vmul.f32 v19, v18;
	[tilespmem:s25+$0xFFFFFFF0] =	vst v21  }
0x13a: {  	s18 =	sadd.s32 $0x1, s18;
	v63 =	vmax.f32 v22, $0.0e+00;
	v15 =	vmul.f32 v15, v18;
	[tilespmem:s25+$0xFFFFFFD0] =	vst v62  }
0x13b: {  	p4 =	sne.s32 s18, $0x7D;
	v16 =	vmul.f32 v63, v18;
	[tilespmem:s25+$0xFFFFFFE0] =	vst v19  }
.Ltmp2:
0x13c: {  	[tilespmem:s25+$0x30] =	vst v15;
	(pc) =	sbr.rel @p4 .LBB2_4-.Ltmp2, $4  }
0x13d: {  	[tilespmem:s25+$0x20] =	vst v16  }
0x13e: {  	[spmem:s2] =	stream.indirect.scatter.add.f32 [tilespmem:s26], [sflag:$0x4], $0x80, s30, s31, $0xb8;
	[tilespmem:$0x1E480] =	vst v63  }
0x13f: {  	_ = 	snop  }
0x140: {  	[spmem:s3] =	stream.indirect.scatter.add.f32 [tilespmem:s29], [sflag:$0x5], $0x80, s13, s31, $0xb8;
	[tilespmem:$0x1E480] =	vst v63  }
0x141: {  	s14 =	simm.s32 $0x4  }
0x142: {  	_ =	swait.ge [sflag:s14], $0x2800  }
0x143: {  	[sflag:s14] =	ssyncset.done $0x0  }
0x144: {  	s23 =	simm.s32 $0x5;
	[sflag:s14] =	ssyncadd.s32 $0xFFFFD800  }
0x145: {  	_ =	swait.ge [sflag:s23], $0x2800  }
0x146: {  	[sflag:s23] =	ssyncset.done $0x0  }
0x147: {  	[sflag:s23] =	ssyncadd.s32 $0xFFFFD800  }
0x148: {  	s24 =	stileid.u32;
	[bflag:$0x0] =	sbarrier.arrive $0xFFFF  }
0x149: {  	s14 =	sshll.u32 s24, $0x6;
	s20 =	rddreg [dreg:$0xc]  }
0x14a: {  	s14 =	sor.u32 $0x1C06, s14;
	s17 =	rddreg [dreg:$0xd];
	s15 =	sshrl.u32 s20, $0x3  }
0x14b: {  	[hbm:s17], [sflag:s14] =	dma.local [spmem:s15], $0x2700  }
0x14c: {  	_ =	swait.ge [sflag:s28], $0x2700  }
0x14d: {  	s21 =	smov.u32 s11;
	[sflag:s28] =	ssyncset.done $0x0  }
0x14e: {  	s15 =	sshrl.u32 @!p0 s11, $0x3;
	s11 =	rddreg [dreg:$0xf];
	[sflag:s28] =	ssyncadd.s32 $0xFFFFD900  }
0x14f: {  	[hbm:s11], [sflag:s14] =	dma.local @!p0 [spmem:s15], $0x100  }
0x150: {  	s15 =	simm.s32 @!p0 $0x6  }
0x151: {  	_ =	swait.ge @!p0 [sflag:s15], $0x100  }
0x152: {  	[sflag:s15] =	ssyncset.done @!p0 $0x0;
	s19 =	rddreg [dreg:$0xe]  }
0x153: {  	s11 =	rddreg [dreg:$0x10];
	[sflag:s15] =	ssyncadd.s32 @!p0 $0xFFFFFF00;
	s15 =	sshrl.u32 @p3 s19, $0x3  }
0x154: {  	[hbm:s11], [sflag:s14] =	dma.local @p3 [spmem:s15], $0x200  }
0x155: {  	s14 =	simm.s32 @p3 $0x6  }
0x156: {  	_ =	swait.ge @p3 [sflag:s14], $0x200  }
0x157: {  	s16 =	sadd.s32 $0x1, s16;
	s25 =	rddreg [dreg:$0x11]  }
0x158: {  	p4 =	sne.s32 s16, s25  }
.Ltmp3:
0x159: {  	_ = 	snop;
	(pc) =	sbr.rel @p4 .LBB2_1-.Ltmp3, $3  }
0x15a: {  	_ =	sdelay $0x1  }
0x15b: {  	[sflag:s14] =	ssyncset.done @p3 $0x0  }
0x15c: {  	[sflag:s14] =	ssyncadd.s32 @p3 $0xFFFFFE00  }
0x15d: {  	_ =	sfence.sel $0x180000  }
0x15e: {  	[bflag:$0x0] =	sbarrier.arrive $0xFFFF  }
0x15f: {  	_ =	strace $0x90000047  }
0x160: {  	s0 =	stileid.u32;
	[bflag:$0x2] =	sbarrier.arrive $0xFFFF  }
0x161: {  	p0 =	sne.s32 s0, $0x0;
	s0 =	rddreg [dreg:$0x4]  }
0x162: {  	s0 =	sadd.s32 @!p0 $0x100000, s0  }
0x163: {  	[sflag:s0] =	ssyncadd.tile.s32 @!p0 $0x1;
	_ =	shalt  }
.Lfunc_end2:
_tile_overlayer_lowered:
.L_overlay_start_2:
0x164: {  	(tag) =	ssettag $0x2  }
0x165: {  	s0 =	rddreg [dreg:$0x0];
	s2 =	stileid.u32  }
0x166: {  	s1 =	rddreg [dreg:$0x1];
	p0 =	sne.s32 s2, $0x0  }
0x167: {  	s3 =	rddreg [dreg:$0x2];
	[bflag:$0x3] =	sbarrier.arrive $0xFFFF;
	s2 =	simm.s32 @!p0 $0x1C06  }
0x168: {  	[timem:s3], [sflag:s2] =	dma.local @!p0 [hbm:s0], s1  }
0x169: {  	s0 =	simm.s32 @!p0 $0x6  }
0x16a: {  	_ =	swait.ge @!p0 [sflag:s0], s1  }
0x16b: {  	s1 =	ssub.s32 @!p0 $0x0, s1;
	[sflag:s0] =	ssyncset.done @!p0 $0x0  }
0x16c: {  	[sflag:s0] =	ssyncadd.s32 @!p0 s1  }
0x16d: {  	[bflag:$0x3] =	sbarrier.arrive $0xFFFF  }
0x16e: {  	_ =	shalt  }

// kernel: kernel.16.cloned.1.call-start
scs
__scs_entry_jumppad:
0x0: {  	(pc) =	sbr.rel $0x88, $3  }
0x1: {  	(tag) =	ssettag $0x0;
	lr =	simm.s32 $0x1  }
0x2: {  	[smem:$0x3F81] =	sst lr;
	_ =	strace $0xD0000000  }
0x3: {  	_ = 	snop  }
0x4: {  	_ = 	snop  }
0x5: {  	_ = 	snop  }
0x6: {  	_ = 	snop  }
0x7: {  	_ = 	snop  }
__scs_overlays_trampoline_lowered:
0x8: {  	[smem:$0x3F90] =	sst s0  }
0x9: {  	[smem:$0x3F91] =	sst s1  }
0xa: {  	[smem:$0x3F92] =	sst s2  }
0xb: {  	[smem:$0x3F93] =	sst s3  }
0xc: {  	[smem:$0x3F94] =	sst s4  }
0xd: {  	[smem:$0x3F95] =	sst s5  }
0xe: {  	[smem:$0x3F96] =	sst s6  }
0xf: {  	[smem:$0x3F97] =	sst s7  }
0x10: {  	[smem:$0x3F98] =	sst s8  }
0x11: {  	[smem:$0x3F99] =	sst s9;
	s0 =	simm.s32 @!p0 $0x0  }
0x12: {  	s1 =	sld [smem:$0x3F7F];
	s0 =	simm.s32 @p0 $0x1  }
0x13: {  	[smem:$0x3F9A] =	sst s0;
	s0 =	simm.s32 @!p1 $0x0  }
0x14: {  	s2 =	sld [smem:$0x3F7E];
	s0 =	simm.s32 @p1 $0x1  }
0x15: {  	[smem:$0x3F9B] =	sst s0;
	s0 =	simm.s32 @!p2 $0x0  }
0x16: {  	s3 =	sld [smem:$0x3FDB];
	s0 =	simm.s32 @p2 $0x1  }
0x17: {  	s4 =	simm.s32 $0x1BF5;
	[smem:$0x3F9D] =	sst s0  }
0x18: {  	s0 =	sld [smem:$0x3F80];
	_ =	swait.ge [sflag:s4], $0x0  }
0x19: {  	s7 =	sld [smem:$0x3F81]  }
0x1a: {  	s8 =	sadd.s32 $0xFFFFE003, lr  }
0x1b: {  	s9 =	sadd.s32 $0xFFFFFEF7, lr;
	s5 =	simm.s32 $0xFFFFFFFF;
	p2 =	slt.u32 s8, $0xFFFFF086  }
0x1c: {  	p1 =	slt.u32 s9, $0xF7A;
	s5 =	simm.s32 @!p2 $0x0  }
0x1d: {  	s5 =	simm.s32 @p1 $0x1;
	p0 =	seq.s32 s7, s2  }
0x1e: {  	s7 =	smul.u32 @!p0 $0xF7A, s2;
	p2 =	seq.s32 @!p0 s5, $0x0  }
0x1f: {  	s9 =	smul.u32 $0xF7A, s1;
	s8 =	simm.s32 @!p0 $0x1BF5;
	p2 =	por !p2, p0  }
0x20: {  	[sflag:s8] =	ssyncset.s32 @!p0 $0xFFFFF086;
	s6 =	sadd.s32 @!p0 s3, s7;
	s7 =	simm.s32 @!p0 $0x108  }
0x21: {  	s3 =	sadd.s32 s3, s9;
	s6 =	sadd.s32 @!p0 $0x88, s6;
	s7 =	simm.s32 @p2 $0x1082  }
0x22: {  	[simem:s7], [sflag:s8] =	dma.local @!p0 [hbm:s6], $0xF7A  }
0x23: {  	s9 =	sor.u32 $0xD0000000, s2;
	s6 =	simm.s32 $0x108;
	_ =	swait.ge @!p0 [sflag:s8], $0x0  }
0x24: {  	s3 =	sadd.s32 $0x88, s3;
	s6 =	simm.s32 @!p1 $0x1082;
	[sflag:s4] =	ssyncset.s32 $0xFFFFF086  }
0x25: {  	[simem:s6], [sflag:s4] =	dma.local [hbm:s3], $0xF7A  }
0x26: {  	[smem:$0x3F81] =	sst s1;
	(tag) =	ssettag s2;
	_ =	strace s9  }
0x27: {  	s1 =	sld [smem:$0x3F91]  }
0x28: {  	s2 =	sld [smem:$0x3F92]  }
0x29: {  	s4 =	sld [smem:$0x3F94]  }
0x2a: {  	p0 =	seq.s32 s5, $0x0;
	s5 =	sld [smem:$0x3F95]  }
0x2b: {  	s6 =	sld [smem:$0x3F96]  }
0x2c: {  	s7 =	sld [smem:$0x3F97]  }
0x2d: {  	s3 =	simm.s32 $0x108;
	s8 =	sld [smem:$0x3F98]  }
0x2e: {  	s3 =	simm.s32 @!p0 $0x1082;
	s9 =	sld [smem:$0x3F99]  }
0x2f: {  	lr =	sadd.s32 s0, s3;
	s0 =	sld [smem:$0x3F90]  }
0x30: {  	s3 =	sld [smem:$0x3F93]  }
0x31: {  	[smem:$0x3F9C] =	sst s10  }
0x32: {  	s10 =	sld [smem:$0x3F9A];
	_ =	sdelay $0x3  }
0x33: {  	p0 =	seq.s32 s10, $0x1;
	s10 =	sld [smem:$0x3F9C];
	_ =	sdelay $0x3  }
0x34: {  	[smem:$0x3F9C] =	sst s10  }
0x35: {  	s10 =	sld [smem:$0x3F9B];
	_ =	sdelay $0x3  }
0x36: {  	p1 =	seq.s32 s10, $0x1;
	s10 =	sld [smem:$0x3F9C];
	_ =	sdelay $0x3  }
0x37: {  	[smem:$0x3F9C] =	sst s10  }
0x38: {  	s10 =	sld [smem:$0x3F9D]  }
0x39: {  	_ = 	snop;
	(pc) =	sbr.ind lr, $3  }
0x3a: {  	_ = 	snop  }
0x3b: {  	_ = 	snop  }
0x3c: {  	p2 =	seq.s32 s10, $0x1;
	s10 =	sld [smem:$0x3F9C]  }
0x3d: {  	_ =	shalt  }
0x3e: {  	_ =	shalt  }
0x3f: {  	_ =	shalt  }
0x40: {  	_ =	shalt  }
0x41: {  	_ =	shalt  }
0x42: {  	_ =	shalt  }
0x43: {  	_ =	shalt  }
0x44: {  	_ =	shalt  }
0x45: {  	_ =	shalt  }
0x46: {  	_ =	shalt  }
0x47: {  	_ =	shalt  }
0x48: {  	_ =	shalt  }
0x49: {  	_ =	shalt  }
0x4a: {  	_ =	shalt  }
0x4b: {  	_ =	shalt  }
0x4c: {  	_ =	shalt  }
0x4d: {  	_ =	shalt  }
0x4e: {  	_ =	shalt  }
0x4f: {  	_ =	shalt  }
0x50: {  	_ =	shalt  }
0x51: {  	_ =	shalt  }
0x52: {  	_ =	shalt  }
0x53: {  	_ =	shalt  }
0x54: {  	_ =	shalt  }
0x55: {  	_ =	shalt  }
0x56: {  	_ =	shalt  }
0x57: {  	_ =	shalt  }
0x58: {  	_ =	shalt  }
0x59: {  	_ =	shalt  }
0x5a: {  	_ =	shalt  }
0x5b: {  	_ =	shalt  }
0x5c: {  	_ =	shalt  }
0x5d: {  	_ =	shalt  }
0x5e: {  	_ =	shalt  }
0x5f: {  	_ =	shalt  }
0x60: {  	_ =	shalt  }
0x61: {  	_ =	shalt  }
0x62: {  	_ =	shalt  }
0x63: {  	_ =	shalt  }
0x64: {  	_ =	shalt  }
0x65: {  	_ =	shalt  }
0x66: {  	_ =	shalt  }
0x67: {  	_ =	shalt  }
0x68: {  	_ =	shalt  }
0x69: {  	_ =	shalt  }
0x6a: {  	_ =	shalt  }
0x6b: {  	_ =	shalt  }
0x6c: {  	_ =	shalt  }
0x6d: {  	_ =	shalt  }
0x6e: {  	_ =	shalt  }
0x6f: {  	_ =	shalt  }
0x70: {  	_ =	shalt  }
0x71: {  	_ =	shalt  }
0x72: {  	_ =	shalt  }
0x73: {  	_ =	shalt  }
0x74: {  	_ =	shalt  }
0x75: {  	_ =	shalt  }
0x76: {  	_ =	shalt  }
0x77: {  	_ =	shalt  }
0x78: {  	_ =	shalt  }
0x79: {  	_ =	shalt  }
0x7a: {  	_ =	shalt  }
0x7b: {  	_ =	shalt  }
0x7c: {  	_ =	shalt  }
0x7d: {  	_ =	shalt  }
0x7e: {  	_ =	shalt  }
0x7f: {  	_ =	shalt  }
0x80: {  	_ =	shalt  }
0x81: {  	_ =	shalt  }
0x82: {  	_ =	shalt  }
0x83: {  	_ =	shalt  }
0x84: {  	_ =	shalt  }
0x85: {  	_ =	shalt  }
0x86: {  	_ =	shalt  }
0x87: {  	_ =	shalt  }
.Lfunc_end0:
.L_simem_size_0:
called_computation.1_lowered:
.L_overlay_start_0:
0x88: {  	s2 =	sld [smem:$0x3FD9]  }
0x89: {  	s3 =	sld [smem:$0x3FFE];
	_ =	sdelay $0x1  }
0x8a: {  	s1 =	srdreg.scid  }
0x8b: {  	s0 =	sand.u32 $0x1, s1  }
0x8c: {  	s17 =	sshll.u32 s0, $0xA;
	s2 =	sadd.s32 s3, s2  }
0x8d: {  	s2 =	sadd.s32 s2, s17  }
0x8e: {  	[smem:$0x3FA8] =	sst s2  }
0x8f: {  	_ = 	snop  }
0x90: {  	s2 =	sld [smem:$0x3FB8];
	(tm) =	ssettm $0x1  }
0x91: {  	s18 =	sld [smem:$0x3FFB];
	_ =	sdelay $0x3  }
0x92: {  	_ =	strace s18  }
0x93: {  	s3 =	sld [smem:$0x3FFC];
	_ =	sdelay $0x3  }
0x94: {  	_ =	strace s3  }
0x95: {  	s3 =	sld [smem:$0x3FFD];
	_ =	sdelay $0x3  }
0x96: {  	_ =	strace s3  }
0x97: {  	_ =	strace $0x8FFFFFFF  }
0x98: {  	s19 =	sld [smem:$0x3FDB];
	_ =	sdelay $0x1  }
0x99: {  	s4 =	simm.s32 $_scs_section_size  }
0x9a: {  	s5 =	simm.s32 $_size__tile_overlayer_lowered;
	s6 =	simm.s32 $_tile_overlayer_lowered  }
0x9b: {  	s22 =	simm.s32 $0x1BFF;
	s21 =	sshll.u32 s6, $0x1;
	s3 =	sadd.s32 s4, s19  }
0x9c: {  	s7 =	simm.s32 $0x0;
	s20 =	sshll.u32 s5, $0x1;
	s5 =	sadd.s32 s21, s3  }
0x9d: {  	[timem:s7], [sflag:s22] =	dma.local [hbm:s5], s20  }
0x9e: {  	_ =	swait.ge [sflag:s22], s20  }
0x9f: {  	s4 =	ssub.s32 $0x0, s20;
	[sflag:s22] =	ssyncset.done $0x0  }
0xa0: {  	[sflag:s22] =	ssyncadd.s32 s4;
	_ =	sdelay $0x1  }
0xa1: {  	s23 =	simm.s32 $0x1B8B  }
0xa2: {  	_ =	swait.ge [sflag:s23], $0x1  }
0xa3: {  	[sflag:s23] =	ssyncset.done $0x0  }
0xa4: {  	s25 =	simm.s32 $0x1B8E;
	s24 =	sld [smem:$0x3FFE];
	[sflag:s23] =	ssyncadd.s32 $0xFFFFFFFF  }
0xa5: {  	s26 =	simm.s32 $execute0_lowered;
	[smem:$0x3FD2] =	sst s25  }
0xa6: {  	s5 =	sshll.u32 s26, $0x1;
	_ =	strace $0x80000049;
	[dreg:$0x1] =	wrdreg $0xFFFFFFFF  }
0xa7: {  	s28 =	simm.s32 $_size_execute0_lowered;
	s3 =	sadd.s32 s3, s5;
	[dreg:$0x0] =	wrdreg $0x0  }
0xa8: {  	s5 =	sshll.u32 s28, $0x1;
	[dreg:$0x2] =	wrdreg s3  }
0xa9: {  	[dreg:$0x3] =	wrdreg s5  }
0xaa: {  	[dreg:$0x4] =	wrdreg $0xC0  }
0xab: {  	_ =	task [dreg:s7], $0x5FFFF  }
0xac: {  	[dreg:$0x1] =	wrdreg $0xFFFFFFFF  }
0xad: {  	[dreg:$0x0] =	wrdreg $0x60  }
0xae: {  	[dreg:$0x2] =	wrdreg s24  }
0xaf: {  	[dreg:$0x3] =	wrdreg s2  }
0xb0: {  	[dreg:$0x4] =	wrdreg $0xA1800  }
0xb1: {  	[dreg:$0x5] =	wrdreg $0x9  }
0xb2: {  	_ =	task.clear_ibuf [dreg:s7], $0x6FFFF;
	_ =	strace $0x90000049  }
0xb3: {  	s29 =	simm.s32 $0x9;
	_ =	strace $0x8000004B  }
0xb4: {  	_ =	swait.ge [sflag:s29], $0x1  }
0xb5: {  	[sflag:s29] =	ssyncadd.s32 $0xFFFFFFFF  }
0xb6: {  	_ =	strace $0x9000004B  }
0xb7: {  	_ =	sfence  }
0xb8: {  	s30 =	sld [smem:$0x0];
	_ =	sdelay $0x2  }
0xb9: {  	s31 =	sshll.u32 s1, $0xD;
	s1 =	sshrl.u32 s1, $0x2  }
0xba: {  	s3 =	sand.u32 $0x4000, s31;
	s1 =	sadd.s32 s1, s30  }
0xbb: {  	s0 =	sor.u32 s3, s0;
	s1 =	sshll.u32 s1, $0x11  }
0xbc: {  	s0 =	sor.u32 s1, s0  }
0xbd: {  	s0 =	sadd.s32 $0x8F2B, s0  }
0xbe: {  	[sflag:s0] =	ssyncadd.remote.s32 $0x1  }
0xbf: {  	_ =	sfence.sel $0xFFFF  }
0xc0: {  	[dreg:$0x0] =	wrdreg $0xFFFFFFFF;
	(pc) =	sbr.abs _section_cstart, $3  }
0xc1: {  	[dreg:$0x1] =	wrdreg $0xFFFFFFFF  }
0xc2: {  	_ =	task.clear_ibuf [dreg:s7], $0x2FFFF;
	_ =	strace $0x9FFFFFFF  }
0xc3: {  	(tm) =	ssettm $0x7FFFFFFF  }
tec
execute0_lowered:
.L_overlay_start_1:
0x0: {  	(tag) =	ssettag $0x1  }
0x1: {  	s0 =	rddreg [dreg:$0x0]  }
0x2: {  	s3 =	rddreg [dreg:$0x2]  }
0x3: {  	s1 =	simm.s32 $0x0;
	s12 =	stileid.u32;
	s2 =	srdreg.scid  }
0x4: {  	s28 =	simm.s32 $0x100;
	s29 =	simm.s32 $0x2900;
	s30 =	simm.s32 $0x5100  }
0x5: {  	s31 =	simm.s32 $0x1;
	[smem:$0x7FF] =	sst s1;
	s16 =	smul.u32 $0x4E000, s12  }
0x6: {  	s5 =	sadd.s32 $0x19600, s0;
	s6 =	sadd.s32 $0x9DD600, s0;
	s7 =	sadd.s32 $0xF800, s0  }
0x7: {  	s8 =	sadd.s32 $0x5A00, s0;
	s2 =	sand.u32 $0x1, s2;
	s1 =	sshrl.u32 s16, $0x2  }
0x8: {  	s0 =	sadd.s32 $0x40800, s0;
	s23 =	smul.u32 $0x13800, s12;
	s9 =	sadd.s32 s1, s3  }
0x9: {  	v0 =	vimm.s32 $0xEFCDAB89;
	v1 =	vimm.s32 $0x67452301;
	s25 =	sshll.u32 s12, $0x1;
	p0 =	sne.s32 s12, $0xF;
	s10 =	sadd.s32 $0x2800, s9  }
0xa: {  	v2 =	vimm.s32 $0xDCFE98BA;
	_ =	strace $0x8000004A;
	s18 =	sadd.s32 $0x5000, s9;
	[dreg:$0x4] =	wrdreg s10  }
0xb: {  	v3 =	vimm.s32 $0x54761032;
	v4 =	vimm.s32 $0xBA98FEDC;
	s4 =	ssub.s32 $0x2, s2;
	s19 =	sadd.s32 $0x7800, s9;
	[dreg:$0x5] =	wrdreg s18  }
0xc: {  	v5 =	vimm.s32 $0x32107654;
	s21 =	smul.u32 $0x138800, s2;
	s20 =	sadd.s32 $0xA000, s9;
	[dreg:$0x6] =	wrdreg s19  }
0xd: {  	v6 =	vimm.s32 $0xFEDCBA98;
	v7 =	vimm.s32 $0x76543210;
	s2 =	sor.u32 s2, s25;
	s11 =	sadd.s32 $0xC800, s9;
	[dreg:$0x7] =	wrdreg s20  }
0xe: {  	v0 =	vunpack.c.l.s4.s8 v0;
	v1 =	vunpack.c.l.s4.s8 v1;
	v2 =	vunpack.c.l.s4.s8 v2;
	s25 =	simm.s32 $0x80;
	s22 =	sadd.s32 $0xF000, s9;
	[dreg:$0x8] =	wrdreg s11  }
0xf: {  	v3 =	vunpack.c.l.s4.s8 v3;
	v4 =	vunpack.c.l.s4.s8 v4;
	v5 =	vunpack.c.l.s4.s8 v5;
	s17 =	sshrl.u32 s4, $0x1;
	s24 =	sadd.s32 $0x11800, s9;
	[dreg:$0x9] =	wrdreg s22  }
0x10: {  	v6 =	vunpack.c.l.s4.s8 v6;
	v7 =	vunpack.c.l.s4.s8 v7;
	v0 =	vunpack.c.0.s8.s32 v0;
	s1 =	ssub.s32 s4, s17;
	s17 =	sadd.s32 $0x138000, s3;
	[dreg:$0xa] =	wrdreg s24  }
0x11: {  	v1 =	vunpack.c.0.s8.s32 v1;
	v2 =	vunpack.c.0.s8.s32 v2;
	v3 =	vunpack.c.0.s8.s32 v3;
	s11 =	sadd.s32 s23, s21;
	s10 =	sshrl.u32 s21, $0x3;
	s18 =	smul.u32 $0x2710, s2  }
0x12: {  	v4 =	vunpack.c.0.s8.s32 v4;
	v5 =	vunpack.c.0.s8.s32 v5;
	v6 =	vunpack.c.0.s8.s32 v6;
	s21 =	smax.u32 s1, $0x1;
	s22 =	simm.s32 $0x7900;
	s23 =	simm.s32 $0x5  }
0x13: {  	v7 =	vunpack.c.0.s8.s32 v7;
	v0 =	vcombine.low v1, v0;
	s1 =	simm.s32 $0x3;
	s24 =	simm.s32 $0x4;
	s26 =	sshrl.u32 s11, $0x3  }
0x14: {  	v1 =	vcombine.low v3, v2;
	v2 =	vcombine.low v5, v4;
	v4 =	vand.u32 $0xF, v6;
	s2 =	simm.s32 $0x0;
	s10 =	sadd.s32 s0, s10;
	s19 =	sadd.s32 s0, s26  }
0x15: {  	vm0 =	vmmov $0x1;
	v3 =	vimm.f32 $0.0e+00;
	v4 =	vcombine.low v4, v7;
	s20 =	sadd.s32 $0x27000, s10;
	s26 =	simm.s32 $0x50;
	s0 =	simm.s32 $0x2  }
.LBB2_1:
0x16: {  	s10 =	simm.s32 $0x0  }
0x17: {  	s4 =	sand.u32 $0xFE00, s10  }
0x18: {  	s10 =	sand.u32 $0x70, s10;
	s11 =	sshrl.u32 s4, $0x2  }
0x19: {  	s4 =	simm.s32 $0x40;
	s11 =	sor.u32 s10, s11;
	s10 =	simm.s32 $0x0  }
.LBB2_2:
0x1a: {  	p1 =	sne.s32 s4, $0x9FC0  }
0x1b: {  	[tilespmem:s11+$0x7900] =	vst v3;
	s10 =	sadd.s32 $0x10, s10;
	s11 =	smov.u32 s4;
	s4 =	sadd.s32 $0x40, s4  }
.Ltmp0:
0x1c: {  	(pc) =	sbr.rel @p1 .LBB2_2-.Ltmp0, $4  }
0x1d: {  	_ = 	snop  }
0x1e: {  	s11 =	sand.u32 $0xFE00, s11  }
0x1f: {  	s12 =	sand.u32 $0x70, s10;
	s11 =	sshrl.u32 s11, $0x2  }
0x20: {  	s11 =	sor.u32 s12, s11  }
0x21: {  	[tilespmem:s11+$0x7900] =	vst v3  }
0x22: {  	[spmem:s9] =	stream.linear.scatter [tilespmem:s22], [sflag:$0x5], $0x2800, $0x38;
	[tilespmem:$0x1DA00] =	vst v63  }
0x23: {  	_ =	swait.ge [sflag:s23], $0x2800  }
0x24: {  	[sflag:s23] =	ssyncset.done $0x0  }
0x25: {  	s4 =	rddreg [dreg:$0x4];
	[sflag:s23] =	ssyncadd.s32 $0xFFFFD800  }
0x26: {  	[spmem:s4] =	stream.linear.scatter [tilespmem:s22], [sflag:$0x5], $0x2800, $0x38;
	[tilespmem:$0x1DA00] =	vst v63  }
0x27: {  	_ =	swait.ge [sflag:s23], $0x2800  }
0x28: {  	[sflag:s23] =	ssyncset.done $0x0  }
0x29: {  	s10 =	rddreg [dreg:$0x5];
	[sflag:s23] =	ssyncadd.s32 $0xFFFFD800  }
0x2a: {  	[spmem:s10] =	stream.linear.scatter [tilespmem:s22], [sflag:$0x5], $0x2800, $0x38;
	[tilespmem:$0x1DA00] =	vst v63  }
0x2b: {  	_ =	swait.ge [sflag:s23], $0x2800  }
0x2c: {  	[sflag:s23] =	ssyncset.done $0x0  }
0x2d: {  	s11 =	rddreg [dreg:$0x6];
	[sflag:s23] =	ssyncadd.s32 $0xFFFFD800  }
0x2e: {  	[spmem:s11] =	stream.linear.scatter [tilespmem:s22], [sflag:$0x5], $0x2800, $0x38;
	[tilespmem:$0x1DA00] =	vst v63  }
0x2f: {  	_ =	swait.ge [sflag:s23], $0x2800  }
0x30: {  	[sflag:s23] =	ssyncset.done $0x0  }
0x31: {  	s12 =	rddreg [dreg:$0x7];
	[sflag:s23] =	ssyncadd.s32 $0xFFFFD800  }
0x32: {  	[spmem:s12] =	stream.linear.scatter [tilespmem:s22], [sflag:$0x5], $0x2800, $0x38;
	[tilespmem:$0x1DA00] =	vst v63  }
0x33: {  	_ =	swait.ge [sflag:s23], $0x2800  }
0x34: {  	[sflag:s23] =	ssyncset.done $0x0  }
0x35: {  	s13 =	rddreg [dreg:$0x8];
	[sflag:s23] =	ssyncadd.s32 $0xFFFFD800  }
0x36: {  	[spmem:s13] =	stream.linear.scatter [tilespmem:s22], [sflag:$0x5], $0x2800, $0x38;
	[tilespmem:$0x1DA00] =	vst v63  }
0x37: {  	_ =	swait.ge [sflag:s23], $0x2800  }
0x38: {  	[sflag:s23] =	ssyncset.done $0x0  }
0x39: {  	s14 =	rddreg [dreg:$0x9];
	[sflag:s23] =	ssyncadd.s32 $0xFFFFD800  }
0x3a: {  	[spmem:s14] =	stream.linear.scatter [tilespmem:s22], [sflag:$0x5], $0x2800, $0x38;
	[tilespmem:$0x1DA00] =	vst v63  }
0x3b: {  	_ =	swait.ge [sflag:s23], $0x2800  }
0x3c: {  	[sflag:s23] =	ssyncset.done $0x0  }
0x3d: {  	s15 =	rddreg [dreg:$0xa];
	[sflag:s23] =	ssyncadd.s32 $0xFFFFD800  }
0x3e: {  	[spmem:s15] =	stream.linear.scatter [tilespmem:s22], [sflag:$0x5], $0x2000, $0x38;
	[tilespmem:$0x1DA00] =	vst v63  }
0x3f: {  	_ =	swait.ge [sflag:s23], $0x2000  }
0x40: {  	[sflag:s23] =	ssyncset.done $0x0  }
0x41: {  	s4 =	simm.s32 @!p0 $0x7900;
	[sflag:s23] =	ssyncadd.s32 $0xFFFFE000  }
0x42: {  	[spmem:s17] =	stream.linear.scatter @!p0 [tilespmem:s4], [sflag:$0x5], $0x800, $0x38;
	[tilespmem:$0x1DA00] =	vst v63  }
0x43: {  	s4 =	simm.s32 @!p0 $0x5  }
0x44: {  	_ =	swait.ge @!p0 [sflag:s4], $0x800  }
0x45: {  	[sflag:s4] =	ssyncset.done @!p0 $0x0  }
0x46: {  	[sflag:s4] =	ssyncadd.s32 @!p0 $0xFFFFF800  }
0x47: {  	s16 =	simm.s32 $0xA100;
	s4 =	simm.s32 $0x0;
	s10 =	rddreg [dreg:$0x1]  }
0x48: {  	[tilespmem:s16], [sflag:$0x5] =	stream.linear.gather [hbm4b:s10+s4], $0x80, $0x38;
	[tilespmem:$0x1DA00] =	vst v63  }
0x49: {  	_ =	swait.ge [sflag:s23], $0x80  }
0x4a: {  	[sflag:s23] =	ssyncset.done $0x0  }
0x4b: {  	[sflag:s23] =	ssyncadd.s32 $0xFFFFFF80  }
0x4c: {  	[bflag:$0x0] =	sbarrier.arrive $0xFFFF  }
0x4d: {  	v7 =	vld [tilespmem:$0xA120];
	_ =	sdelay $0x1  }
0x4e: {  	v8 =	vld [tilespmem:$0xA130]  }
0x4f: {  	v5 =	vld [tilespmem:$0xA100]  }
0x50: {  	s10 =	simm.s32 $0x0;
	v6 =	vld [tilespmem:$0xA110]  }
.LBB2_4:
0x51: {  	s11 =	smul.u32 $0x50, s10;
	p1 =	seq.s32 s10, $0x0  }
0x52: {  	s12 =	simm.s32 @!p1 $0x4  }
0x53: {  	s11 =	sadd.s32 s18, s11;
	_ =	swait.ge @!p1 [sflag:s12], $0x2800  }
0x54: {  	[sflag:s12] =	ssyncset.done @!p1 $0x0;
	s13 =	sshrl.u32 s11, $0x3  }
0x55: {  	[sflag:s12] =	ssyncadd.s32 @!p1 $0xFFFFD800;
	s15 =	sadd.s32 s7, s13  }
0x56: {  	[tilespmem:s4], [sflag:$0x5] =	stream.linear.gather [hbm4b:s15+s4], $0x50, $0x38;
	[tilespmem:$0x1DA00] =	vst v63  }
0x57: {  	_ =	swait.ge [sflag:s23], $0x50  }
0x58: {  	[sflag:s23] =	ssyncset.done $0x0  }
0x59: {  	s16 =	sadd.s32 s8, s13;
	[sflag:s23] =	ssyncadd.s32 $0xFFFFFFB0  }
0x5a: {  	[tilespmem:s25], [sflag:$0x5] =	stream.linear.gather [hbm4b:s16+s4], $0x50, $0x38;
	[tilespmem:$0x1DA00] =	vst v63  }
0x5b: {  	_ =	swait.ge [sflag:s23], $0x50  }
0x5c: {  	[sflag:s23] =	ssyncset.done $0x0  }
0x5d: {  	[sflag:s23] =	ssyncadd.s32 $0xFFFFFFB0  }
0x5e: {  	[tilespmem:s28], [sflag:$0x1] =	stream.indirect.gather [hbm4b:s5+s26], $0x80, s4, s26, $0xb8;
	[tilespmem:$0x1DA00] =	vst v63  }
0x5f: {  	s11 =	sshll.u32 s11, $0x4  }
0x60: {  	[tilespmem:s29], [sflag:$0x2] =	stream.indirect.gather [hbm4b:s5+s26], $0x80, s25, s26, $0xb8;
	[tilespmem:$0x1DA00] =	vst v63  }
0x61: {  	s11 =	sadd.s32 s6, s11  }
0x62: {  	[tilespmem:s30], [sflag:$0x3] =	stream.linear.gather [hbm4b:s11+s4], $0x2800, $0x38;
	[tilespmem:$0x1DA00] =	vst v63  }
0x63: {  	_ =	swait.ge [sflag:s31], $0x2800  }
0x64: {  	[sflag:s31] =	ssyncset.done $0x0  }
0x65: {  	[sflag:s31] =	ssyncadd.s32 $0xFFFFD800  }
0x66: {  	_ =	swait.ge [sflag:s0], $0x2800  }
0x67: {  	[sflag:s0] =	ssyncset.done $0x0  }
0x68: {  	[sflag:s0] =	ssyncadd.s32 $0xFFFFD800  }
0x69: {  	_ =	swait.ge [sflag:s1], $0x2800  }
0x6a: {  	[sflag:s1] =	ssyncset.done $0x0  }
0x6b: {  	s13 =	simm.s32 $0x0;
	[sflag:s1] =	ssyncadd.s32 $0xFFFFD800  }
0x6c: {  	v21 =	vld [tilespmem:s13+$0x130]  }
0x6d: {  	v17 =	vld [tilespmem:s13+$0x120]  }
0x6e: {  	v9 =	vld [tilespmem:s13+$0x2960]  }
0x6f: {  	v23 =	vld [tilespmem:s13+$0x100]  }
0x70: {  	v10 =	vld [tilespmem:s13+$0x2940]  }
0x71: {  	v25 =	vld [tilespmem:s13+$0x110]  }
0x72: {  	v11 =	vld [tilespmem:s13+$0x2950]  }
0x73: {  	v12 =	vld [tilespmem:s13+$0x5100]  }
0x74: {  	v13 =	vld [tilespmem:s13+$0x5110]  }
0x75: {  	v14 =	vld [tilespmem:s13+$0x2970]  }
0x76: {  	v15 =	vld [tilespmem:s13+$0x5120]  }
0x77: {  	v16 =	vld [tilespmem:s13+$0x5130];
	v10 =	vadd.f32 v10, v23;
	v11 =	vadd.f32 v11, v25  }
0x78: {  	v18 =	vadd.f32 v9, v17  }
0x79: {  	s11 =	simm.s32 $0x80;
	v12 =	vadd.f32 v12, v10;
	v11 =	vadd.f32 v13, v11  }
0x7a: {  	v20 =	vld [tilespmem:s11+$0x2940];
	v13 =	vadd.f32 v14, v21  }
0x7b: {  	v22 =	vld [tilespmem:s11+$0x2970];
	v15 =	vadd.f32 v15, v18;
	v14 =	vmul.f32 $2.000000030e-01, v12;
	v19 =	vmul.f32 $2.000000030e-01, v11  }
0x7c: {  	v10 =	vld [tilespmem:s11+$0x120];
	v16 =	vadd.f32 v16, v13  }
0x7d: {  	v18 =	vld [tilespmem:s11+$0x2960];
	v12 =	vmax.f32 v12, v14;
	v11 =	vmax.f32 v11, v19;
	v14 =	vmul.f32 $2.000000030e-01, v15  }
0x7e: {  	v13 =	vld [tilespmem:s11+$0x100];
	v12 =	vmul.f32 v12, v5;
	v19 =	vmul.f32 v11, v6  }
0x7f: {  	v11 =	vld [tilespmem:s11+$0x110];
	v14 =	vmax.f32 v15, v14;
	v15 =	vmul.f32 $2.000000030e-01, v16  }
0x80: {  	v14 =	vmul.f32 v14, v7;
	v12 =	vadd.f32 v19, v12;
	v19 =	vld [tilespmem:s11+$0x2950]  }
0x81: {  	v15 =	vmax.f32 v16, v15;
	v16 =	vld [tilespmem:s11+$0x5100]  }
0x82: {  	v15 =	vmul.f32 v15, v8;
	v12 =	vadd.f32 v14, v12;
	v14 =	vld [tilespmem:s11+$0x5110]  }
0x83: {  	v9 =	vld [tilespmem:s11+$0x130]  }
0x84: {  	v12 =	vadd.f32 v15, v12;
	v15 =	vld [tilespmem:s11+$0x5120]  }
0x85: {  	v24 =	vld [tilespmem:s11+$0x5130];
	v20 =	vadd.f32 v20, v13;
	v19 =	vadd.f32 v19, v11  }
0x86: {  	v18 =	vadd.f32 v18, v10;
	v26 =	vperm.xlane v12, v0  }
0x87: {  	s12 =	simm.s32 $0x100;
	v16 =	vadd.f32 v16, v20;
	v19 =	vadd.f32 v14, v19  }
0x88: {  	v29 =	vld [tilespmem:s12+$0x2960];
	v22 =	vadd.f32 v22, v9;
	v20 =	vadd.f32 v12, v26  }
0x89: {  	v30 =	vld [tilespmem:s12+$0x2950];
	v26 =	vmul.f32 $2.000000030e-01, v16;
	v27 =	vmul.f32 $2.000000030e-01, v19;
	v18 =	vadd.f32 v15, v18  }
0x8a: {  	v22 =	vadd.f32 v24, v22;
	v14 =	vld [tilespmem:s12+$0x130];
	v28 =	vperm.xlane v20, v1  }
0x8b: {  	v12 =	vld [tilespmem:s12+$0x120];
	v16 =	vmax.f32 v16, v26;
	v19 =	vmax.f32 v19, v27;
	v24 =	vmul.f32 $2.000000030e-01, v18  }
0x8c: {  	v15 =	vld [tilespmem:s12+$0x100];
	v27 =	vmul.f32 v16, v5;
	v20 =	vadd.f32 v20, v28;
	v19 =	vmul.f32 v19, v6  }
0x8d: {  	v26 =	vld [tilespmem:s12+$0x2940];
	v18 =	vmax.f32 v18, v24;
	v24 =	vmul.f32 $2.000000030e-01, v22  }
0x8e: {  	v16 =	vld [tilespmem:s12+$0x110];
	v28 =	vperm.xlane v20, v2;
	v18 =	vmul.f32 v18, v7;
	v19 =	vadd.f32 v19, v27  }
0x8f: {  	v27 =	vld [tilespmem:s12+$0x5100];
	v22 =	vmax.f32 v22, v24  }
0x90: {  	v24 =	vld [tilespmem:s12+$0x5110];
	v20 =	vadd.f32 v20, v28;
	v22 =	vmul.f32 v22, v8;
	v18 =	vadd.f32 v18, v19  }
0x91: {  	v28 =	vld [tilespmem:s12+$0x2970]  }
0x92: {  	v31 =	vld [tilespmem:s12+$0x5120];
	v19 =	vperm.xlane v20, v4;
	v18 =	vadd.f32 v22, v18;
	v22 =	vadd.f32 v26, v15  }
0x93: {  	v26 =	vadd.f32 v30, v16;
	v30 =	vld [tilespmem:s12+$0x5130]  }
0x94: {  	v19 =	vadd.f32 v20, v19;
	v20 =	vperm.xlane v18, v0;
	v22 =	vadd.f32 v27, v22  }
0x95: {  	s14 =	simm.s32 $0x180;
	v27 =	vadd.f32 v29, v12;
	v24 =	vadd.f32 v24, v26  }
0x96: {  	v54 =	vld [tilespmem:s14+$0x2940];
	v28 =	vadd.f32 v28, v14;
	v26 =	vmul.f32 $1.442695020e+00, v19;
	v29 =	vadd.f32 v18, v20  }
0x97: {  	v35 =	vld [tilespmem:s14+$0x5120];
	v32 =	vmul.f32 $2.000000030e-01, v22;
	v33 =	vmul.f32 $2.000000030e-01, v24;
	v27 =	vadd.f32 v31, v27  }
0x98: {  	v18 =	vld [tilespmem:s14+$0x120];
	v28 =	vadd.f32 v30, v28;
	(erf) = vpow2.f32 v26;
	v30 =	vperm.xlane v29, v1  }
0x99: {  	v20 =	vld [tilespmem:s14+$0x100];
	v22 =	vmax.f32 v22, v32;
	v24 =	vmax.f32 v24, v33;
	v31 =	vmul.f32 $2.000000030e-01, v27  }
0x9a: {  	v26 =	vld [tilespmem:s14+$0x2960];
	v55 =	vmul.f32 v22, v5;
	v24 =	vmul.f32 v24, v6;
	v29 =	vadd.f32 v29, v30  }
0x9b: {  	v22 =	vld [tilespmem:s14+$0x110];
	v27 =	vmax.f32 v27, v31;
	v30 =	vmul.f32 $2.000000030e-01, v28  }
0x9c: {  	v31 =	vld [tilespmem:s14+$0x2950];
	v27 =	vmul.f32 v27, v7;
	v24 =	vadd.f32 v24, v55;
	v56 =	vperm.xlane v29, v2  }
0x9d: {  	v34 =	vld [tilespmem:s14+$0x5100];
	v28 =	vmax.f32 v28, v30  }
0x9e: {  	v30 =	vld [tilespmem:s14+$0x5110];
	v28 =	vmul.f32 v28, v8;
	v24 =	vadd.f32 v27, v24;
	v29 =	vadd.f32 v29, v56  }
0x9f: {  	v57 =	vld [tilespmem:s14+$0x2970];
	v26 =	vadd.f32 v26, v18  }
0xa0: {  	v19 =	vld [tilespmem:s14+$0x130];
	v32 =	vadd.f32 v54, v20;
	v24 =	vadd.f32 v28, v24;
	v28 =	vperm.xlane v29, v4  }
0xa1: {  	v31 =	vadd.f32 v31, v22;
	v35 =	vadd.f32 v35, v26;
	v27 =	vpop (erf)  }
0xa2: {  	v36 =	vld [tilespmem:s14+$0x5130];
	v38 =	vperm.xlane v24, v0;
	v37 =	vmul.f32 v27, v21;
	v28 =	vadd.f32 v29, v28  }
0xa3: {  	s15 =	simm.s32 $0x200;
	v30 =	vadd.f32 v30, v31;
	v29 =	vadd.f32 v34, v32;
	v23 =	vmul.f32 v27, v23  }
0xa4: {  	v63 =	vmul.f32 $2.000000030e-01, v35;
	v21 =	vld [tilespmem:s15+$0x130];
	v58 =	vadd.f32 v24, v38;
	[tilespmem:s13+$0x7930] =	vst v37;
	v59 =	vmul.f32 $1.442695020e+00, v28  }
0xa5: {  	v31 =	vadd.f32 v57, v19;
	v61 =	vmul.f32 $2.000000030e-01, v30;
	v60 =	vmul.f32 $2.000000030e-01, v29;
	v24 =	vld [tilespmem:s15+$0x120];
	[tilespmem:s13+$0x7900] =	vst v23  }
0xa6: {  	v26 =	vperm.xlane v58, v1;
	v28 =	vld [tilespmem:s15+$0x2960];
	(erf) = vpow2.f32 v59  }
0xa7: {  	v31 =	vadd.f32 v36, v31;
	v62 =	vmax.f32 v30, v61;
	v23 =	vld [tilespmem:s15+$0x100];
	v29 =	vmax.f32 v29, v60  }
0xa8: {  	v30 =	vld [tilespmem:s15+$0x2940];
	v33 =	vmul.f32 v62, v6;
	v32 =	vmul.f32 v29, v5;
	v29 =	vadd.f32 v58, v26  }
0xa9: {  	s16 =	simm.s32 $0xA00;
	v25 =	vmul.f32 v27, v25;
	v35 =	vmax.f32 v35, v63;
	v34 =	vmul.f32 $2.000000030e-01, v31;
	v26 =	vld [tilespmem:s15+$0x110]  }
.LBB2_5:
0xaa: {  	p1 =	sne.s32 s16, $0x9E00;
	v36 =	vld [tilespmem:s15+$0x2950];
	v35 =	vmul.f32 v35, v7;
	v32 =	vadd.f32 v33, v32;
	v33 =	vperm.xlane v29, v2;
	v37 =	vmovc v22  }
0xab: {  	v38 =	vld [tilespmem:s15+$0x5100];
	v22 =	vmax.f32 v31, v34;
	[tilespmem:s13+$0x7910] =	vst v25;
	v25 =	vmul.f32 v27, v17;
	v27 =	vnsel vm0, $0x0, v27;
	v17 =	vmovc v10  }
0xac: {  	v31 =	vld [tilespmem:s15+$0x5110];
	v34 =	vmul.f32 v22, v8;
	v32 =	vadd.f32 v35, v32;
	v29 =	vadd.f32 v29, v33;
	[tilespmem:s13+$0x7940] =	vst v27  }
0xad: {  	v10 =	vmov v12;
	v12 =	vmov v18;
	v18 =	vmov v24;
	v33 =	vld [tilespmem:s15+$0x2970];
	[tilespmem:s13+$0x7920] =	vst v25;
	s13 =	smov.u32 s11;
	s11 =	smov.u32 s12;
	s12 =	smov.u32 s14  }
0xae: {  	v25 =	vadd.f32 v28, v18;
	s14 =	smov.u32 s15;
	v28 =	vld [tilespmem:s15+$0x5120];
	v24 =	vadd.f32 v34, v32;
	v32 =	vperm.xlane v29, v4;
	v22 =	vmovc v26  }
0xaf: {  	v26 =	vadd.f32 v30, v23;
	v30 =	vadd.f32 v36, v22;
	v34 =	vld [tilespmem:s14+$0x5130];
	v27 =	vpop (erf)  }
0xb0: {  	v35 =	vperm.xlane v24, v0;
	v29 =	vadd.f32 v29, v32;
	v32 =	vmul.f32 v27, v9;
	v9 =	vmovc v14  }
0xb1: {  	s15 =	sshra.s32 s16, $0x2;
	v26 =	vadd.f32 v38, v26;
	v36 =	vmul.f32 v27, v13;
	v14 =	vmovc v19;
	v30 =	vadd.f32 v31, v30  }
0xb2: {  	v19 =	vmovc v21;
	v31 =	vadd.f32 v33, v21;
	v35 =	vadd.f32 v24, v35;
	v29 =	vmul.f32 $1.442695020e+00, v29;
	[tilespmem:s13+$0x7930] =	vst v32;
	v21 =	vld [tilespmem:s15+$0x130]  }
.Ltmp1:
0xb3: {  	v13 =	vmovc v15;
	v15 =	vmovc v20;
	v32 =	vmul.f32 $2.000000030e-01, v26;
	v24 =	vld [tilespmem:s15+$0x120];
	v33 =	vmul.f32 $2.000000030e-01, v30;
	v25 =	vadd.f32 v28, v25;
	[tilespmem:s13+$0x7900] =	vst v36;
	(pc) =	sbr.rel @p1 .LBB2_5-.Ltmp1, $4  }
0xb4: {  	v20 =	vmovc v23;
	v28 =	vld [tilespmem:s15+$0x2960];
	v31 =	vadd.f32 v34, v31;
	v34 =	vperm.xlane v35, v1;
	(erf) = vpow2.f32 v29  }
0xb5: {  	v26 =	vmax.f32 v26, v32;
	v23 =	vld [tilespmem:s15+$0x100];
	v29 =	vmax.f32 v30, v33;
	v36 =	vmul.f32 $2.000000030e-01, v25  }
0xb6: {  	v32 =	vmul.f32 v26, v5;
	v30 =	vld [tilespmem:s15+$0x2940];
	v33 =	vmul.f32 v29, v6;
	v29 =	vadd.f32 v35, v34  }
0xb7: {  	s16 =	sadd.s32 $0x200, s16;
	v34 =	vmul.f32 $2.000000030e-01, v31;
	v26 =	vld [tilespmem:s15+$0x110];
	v35 =	vmax.f32 v25, v36;
	v25 =	vmul.f32 v27, v11;
	v11 =	vmovc v16;
	v16 =	vmovc v37  }
0xb8: {  	v36 =	vld [tilespmem:s15+$0x2950]  }
0xb9: {  	v37 =	vld [tilespmem:s15+$0x5100];
	v41 =	vnsel vm0, $0x0, v27;
	v17 =	vmul.f32 v27, v17;
	[tilespmem:s13+$0x7910] =	vst v25  }
0xba: {  	v38 =	vld [tilespmem:s15+$0x5110];
	[tilespmem:s13+$0x7940] =	vst v41  }
0xbb: {  	v25 =	vld [tilespmem:s15+$0x2970];
	[tilespmem:s13+$0x7920] =	vst v17  }
0xbc: {  	v42 =	vadd.f32 v30, v23;
	v17 =	vld [tilespmem:s15+$0x5120]  }
0xbd: {  	v43 =	vadd.f32 v36, v26  }
0xbe: {  	v35 =	vmul.f32 v35, v7;
	v32 =	vadd.f32 v33, v32;
	v44 =	vld [tilespmem:s15+$0x5130];
	v27 =	vadd.f32 v37, v42  }
0xbf: {  	v28 =	vadd.f32 v28, v24;
	v31 =	vmax.f32 v31, v34;
	v30 =	vadd.f32 v38, v43  }
0xc0: {  	v47 =	vmul.f32 v31, v8;
	v48 =	vadd.f32 v35, v32;
	v45 =	vmul.f32 $2.000000030e-01, v27  }
0xc1: {  	v25 =	vadd.f32 v25, v21;
	v46 =	vmul.f32 $2.000000030e-01, v30;
	v17 =	vadd.f32 v17, v28  }
0xc2: {  	v27 =	vmax.f32 v27, v45;
	v28 =	vadd.f32 v47, v48  }
0xc3: {  	v25 =	vadd.f32 v44, v25;
	v30 =	vmax.f32 v30, v46;
	v49 =	vmul.f32 $2.000000030e-01, v17  }
0xc4: {  	v27 =	vmul.f32 v27, v5;
	v30 =	vmul.f32 v30, v6  }
0xc5: {  	v51 =	vperm.xlane v28, v0;
	v50 =	vmul.f32 $2.000000030e-01, v25;
	v17 =	vmax.f32 v17, v49  }
0xc6: {  	v17 =	vmul.f32 v17, v7;
	v27 =	vadd.f32 v30, v27  }
0xc7: {  	v53 =	vperm.xlane v29, v2;
	v52 =	vadd.f32 v28, v51;
	v25 =	vmax.f32 v25, v50  }
0xc8: {  	v25 =	vmul.f32 v25, v8;
	v17 =	vadd.f32 v17, v27  }
0xc9: {  	v28 =	vadd.f32 v29, v53;
	v54 =	vperm.xlane v52, v1  }
0xca: {  	v17 =	vadd.f32 v25, v17  }
0xcb: {  	v56 =	vperm.xlane v28, v4;
	v25 =	vadd.f32 v52, v54  }
0xcc: {  	v55 =	vperm.xlane v17, v0  }
0xcd: {  	v27 =	vadd.f32 v28, v56;
	v57 =	vperm.xlane v25, v2  }
0xce: {  	v17 =	vadd.f32 v17, v55  }
0xcf: {  	v27 =	vmul.f32 $1.442695020e+00, v27;
	v25 =	vadd.f32 v25, v57  }
0xd0: {  	v58 =	vperm.xlane v17, v1  }
0xd1: {  	(erf) = vpow2.f32 v27;
	v59 =	vperm.xlane v25, v4  }
0xd2: {  	v17 =	vadd.f32 v17, v58  }
0xd3: {  	v25 =	vadd.f32 v25, v59  }
0xd4: {  	v60 =	vperm.xlane v17, v2  }
0xd5: {  	v61 =	vpop (erf);
	v25 =	vmul.f32 $1.442695020e+00, v25  }
0xd6: {  	v9 =	vmul.f32 v61, v9;
	v17 =	vadd.f32 v17, v60  }
0xd7: {  	(erf) = vpow2.f32 v25  }
0xd8: {  	[tilespmem:s11+$0x7930] =	vst v9;
	v9 =	vmul.f32 v61, v11;
	v62 =	vperm.xlane v17, v4;
	_ =	sdelay $0x1  }
0xd9: {  	[tilespmem:s11+$0x7910] =	vst v9;
	v9 =	vmul.f32 v61, v10;
	v10 =	vnsel vm0, $0x0, v61;
	v63 =	vpop (erf);
	v17 =	vadd.f32 v17, v62  }
0xda: {  	v13 =	vmul.f32 v61, v13;
	[tilespmem:s11+$0x7940] =	vst v10;
	v10 =	vmul.f32 v63, v14  }
0xdb: {  	[tilespmem:s11+$0x7920] =	vst v9;
	v9 =	vmul.f32 v63, v15;
	v11 =	vmul.f32 $1.442695020e+00, v17  }
0xdc: {  	[tilespmem:s11+$0x7900] =	vst v13  }
0xdd: {  	[tilespmem:s12+$0x7930] =	vst v10;
	v10 =	vmul.f32 v63, v16;
	(erf) = vpow2.f32 v11  }
0xde: {  	[tilespmem:s12+$0x7900] =	vst v9  }
0xdf: {  	[tilespmem:s12+$0x7910] =	vst v10;
	v10 =	vmul.f32 v63, v12;
	v11 =	vnsel vm0, $0x0, v63;
	v9 =	vpop (erf)  }
0xe0: {  	[tilespmem:s12+$0x7940] =	vst v11;
	v11 =	vmul.f32 v9, v19  }
0xe1: {  	[tilespmem:s12+$0x7920] =	vst v10  }
0xe2: {  	[tilespmem:s14+$0x7930] =	vst v11;
	v11 =	vmul.f32 v9, v22  }
0xe3: {  	v10 =	vmul.f32 v9, v20;
	_ =	sdelay $0x1  }
0xe4: {  	[tilespmem:s14+$0x7900] =	vst v10  }
0xe5: {  	v10 =	vmul.f32 v9, v18;
	v9 =	vnsel vm0, $0x0, v9;
	[tilespmem:s14+$0x7910] =	vst v11;
	v11 =	vpop (erf)  }
0xe6: {  	[tilespmem:s14+$0x7940] =	vst v9;
	v9 =	vmul.f32 v11, v21  }
0xe7: {  	s10 =	sadd.s32 $0x1, s10;
	[tilespmem:s14+$0x7920] =	vst v10;
	v10 =	vmul.f32 v11, v23  }
0xe8: {  	p1 =	sne.s32 s10, $0x7D;
	[tilespmem:s15+$0x7930] =	vst v9;
	v9 =	vmul.f32 v11, v26  }
.Ltmp2:
0xe9: {  	[tilespmem:s15+$0x7900] =	vst v10;
	(pc) =	sbr.rel @p1 .LBB2_4-.Ltmp2, $4  }
0xea: {  	v10 =	vnsel vm0, $0x0, v11;
	[tilespmem:s15+$0x7910] =	vst v9;
	v9 =	vmul.f32 v11, v24  }
0xeb: {  	[tilespmem:s15+$0x7940] =	vst v10  }
0xec: {  	[tilespmem:s15+$0x7920] =	vst v9  }
0xed: {  	[spmem:s3] =	stream.indirect.scatter.add.f32 [tilespmem:s22], [sflag:$0x4], $0x80, s25, s26, $0xb8;
	[tilespmem:$0x1DA00] =	vst v63  }
0xee: {  	_ =	swait.ge [sflag:s24], $0x2800  }
0xef: {  	s4 =	stileid.u32;
	[sflag:s24] =	ssyncset.done $0x0  }
0xf0: {  	s4 =	sshll.u32 s4, $0x6;
	[sflag:s24] =	ssyncadd.s32 $0xFFFFD800  }
0xf1: {  	s10 =	sshrl.u32 s9, $0x3;
	s4 =	sor.u32 $0x1C05, s4;
	[bflag:$0x0] =	sbarrier.arrive $0xFFFF  }
0xf2: {  	[hbm:s19], [sflag:s4] =	dma.local [spmem:s10], $0x2700  }
0xf3: {  	_ =	swait.ge [sflag:s23], $0x2700  }
0xf4: {  	s2 =	sadd.s32 $0x1, s2;
	[sflag:s23] =	ssyncset.done $0x0  }
0xf5: {  	p1 =	sne.s32 s2, s21;
	s10 =	sshrl.u32 @!p0 s17, $0x3;
	[sflag:s23] =	ssyncadd.s32 $0xFFFFD900  }
0xf6: {  	[hbm:s20], [sflag:s4] =	dma.local @!p0 [spmem:s10], $0x100  }
.Ltmp3:
0xf7: {  	_ = 	snop;
	(pc) =	sbr.rel @p1 .LBB2_1-.Ltmp3, $4  }
0xf8: {  	s4 =	simm.s32 @!p0 $0x5  }
0xf9: {  	_ =	swait.ge @!p0 [sflag:s4], $0x100  }
0xfa: {  	[sflag:s4] =	ssyncset.done @!p0 $0x0  }
0xfb: {  	[sflag:s4] =	ssyncadd.s32 @!p0 $0xFFFFFF00  }
0xfc: {  	_ =	sfence.sel $0x180000  }
0xfd: {  	[bflag:$0x0] =	sbarrier.arrive $0xFFFF  }
0xfe: {  	_ =	strace $0x9000004A  }
0xff: {  	s0 =	stileid.u32;
	[bflag:$0x2] =	sbarrier.arrive $0xFFFF  }
0x100: {  	p0 =	sne.s32 s0, $0x0;
	s0 =	rddreg [dreg:$0x3]  }
0x101: {  	s0 =	sadd.s32 @!p0 $0x100000, s0  }
0x102: {  	[sflag:s0] =	ssyncadd.tile.s32 @!p0 $0x1;
	_ =	shalt  }
.Lfunc_end2:
_tile_overlayer_lowered:
.L_overlay_start_2:
0x103: {  	(tag) =	ssettag $0x2  }
0x104: {  	s0 =	rddreg [dreg:$0x0];
	s2 =	stileid.u32  }
0x105: {  	s1 =	rddreg [dreg:$0x1];
	p0 =	sne.s32 s2, $0x0  }
0x106: {  	s3 =	rddreg [dreg:$0x2];
	[bflag:$0x3] =	sbarrier.arrive $0xFFFF;
	s2 =	simm.s32 @!p0 $0x1C05  }
0x107: {  	[timem:s3], [sflag:s2] =	dma.local @!p0 [hbm:s0], s1  }
0x108: {  	s0 =	simm.s32 @!p0 $0x5  }
0x109: {  	_ =	swait.ge @!p0 [sflag:s0], s1  }
0x10a: {  	s1 =	ssub.s32 @!p0 $0x0, s1;
	[sflag:s0] =	ssyncset.done @!p0 $0x0  }
0x10b: {  	[sflag:s0] =	ssyncadd.s32 @!p0 s1  }
0x10c: {  	[bflag:$0x3] =	sbarrier.arrive $0xFFFF  }
0x10d: {  	_ =	shalt  }

</sc_bundles>
